<compile_context>
chip_gen: v7x
topology: tpu7x:2x2x1
jax: 0.10.2.dev20260603
libtpu: 0.0.44.dev20260713+nightly
codegen_flags: <defaults>
</compile_context>

<pallas_src>
import functools

import jax
import jax.numpy as jnp
from jax import lax
from jax.experimental import pallas as pl
from jax.experimental.pallas import tpu as pltpu
from jax.experimental.pallas import tpu_sc as plsc

N = 10000
E = 160000
D = 256
H = 256

NC = 2
NS = 16
NW = NC * NS
LANES = 16
CH = 128
HD = D // 2

N_PAD = 10240
SL = N_PAD // NS

NCH_D = -(-E // (NW * CH))
EW_D = NCH_D * CH
CHM = 128
NCH_M = -(-E // (NS * CHM))
EW_M = NCH_M * CHM
SUP = 8
NCH_PAD = -(-NCH_M // SUP) * SUP

ROWS2 = 1280
ROWS4 = 1280
ROWS6 = 3200

_mesh = plsc.VectorSubcoreMesh(core_axis_name="c", subcore_axis_name="s")


@functools.partial(
    pl.kernel,
    out_type=jax.ShapeDtypeStruct((NC, 2, N_PAD), jnp.float32),
    mesh=_mesh,
    scratch_types=[
        pltpu.VMEM((NCH_D, CH), jnp.int32),
        pltpu.VMEM((NCH_D, CH), jnp.int32),
        pltpu.VMEM((CH,), jnp.float32),
        pltpu.VMEM((SL,), jnp.float32),
        pltpu.VMEM_SHARED((N_PAD,), jnp.float32),
        pltpu.VMEM_SHARED((N_PAD,), jnp.float32),
    ],
)
def _deg_kernel(src_hbm, dst_hbm, out_hbm, src_v, dst_v, ones_v, zero_v,
                sh_in, sh_out):
    c = lax.axis_index("c")
    s = lax.axis_index("s")
    w = c * NS + s

    for g in range(CH // LANES):
        ones_v[pl.ds(g * LANES, LANES)] = jnp.full((LANES,), 1.0, jnp.float32)
    for g in range(SL // LANES):
        zero_v[pl.ds(g * LANES, LANES)] = jnp.zeros((LANES,), jnp.float32)

    pltpu.sync_copy(zero_v, sh_in.at[pl.ds(s * SL, SL)])
    pltpu.sync_copy(zero_v, sh_out.at[pl.ds(s * SL, SL)])
    plsc.subcore_barrier()

    pltpu.sync_copy(src_hbm.at[w], src_v)
    pltpu.sync_copy(dst_hbm.at[w], dst_v)

    nch = jnp.minimum(E - w * EW_D, EW_D) // CH

    def body(j, carry):
        pltpu.sync_copy(ones_v, sh_in.at[dst_v.at[j]], add=True)
        pltpu.sync_copy(ones_v, sh_out.at[src_v.at[j]], add=True)
        return carry

    lax.fori_loop(0, nch, body, 0)
    plsc.subcore_barrier()

    pltpu.sync_copy(sh_in.at[pl.ds(s * SL, SL)],
                    out_hbm.at[c, 0, pl.ds(s * SL, SL)])
    pltpu.sync_copy(sh_out.at[pl.ds(s * SL, SL)],
                    out_hbm.at[c, 1, pl.ds(s * SL, SL)])


@functools.partial(
    pl.kernel,
    out_type=jax.ShapeDtypeStruct((NC, N_PAD, HD), jnp.float32),
    mesh=_mesh,
    scratch_types=[
        pltpu.VMEM((SUP, CHM), jnp.int32),
        pltpu.VMEM((SUP, CHM), jnp.int32),
        pltpu.VMEM((CHM, HD), jnp.float32),
        pltpu.VMEM((CHM, HD), jnp.float32),
        pltpu.VMEM_SHARED((N_PAD, HD), jnp.float32),
        pltpu.SemaphoreType.DMA,
    ],
)
def _scatter_kernel(srcoff_hbm, dst_hbm, node_hbm, edge_hbm, out_hbm,
                    src_v, dst_v, node_v, edge_v, sh_seg, sem):
    c = lax.axis_index("c")
    s = lax.axis_index("s")

    def zrow(r, carry):
        for g in range(HD // LANES):
            edge_v[r, pl.ds(g * LANES, LANES)] = jnp.zeros((LANES,),
                                                           jnp.float32)
        return carry

    lax.fori_loop(0, CHM, zrow, 0)

    def zseg(i, carry):
        pltpu.sync_copy(edge_v, sh_seg.at[pl.ds(s * SL + i * CHM, CHM)])
        return carry

    lax.fori_loop(0, SL // CHM, zseg, 0)
    plsc.subcore_barrier()

    nch = jnp.minimum(E - s * EW_M, EW_M) // CHM

    def super_chunk(sc_i, carry):
        pltpu.sync_copy(srcoff_hbm.at[c, s, pl.ds(sc_i * SUP, SUP)], src_v)
        pltpu.sync_copy(dst_hbm.at[s, pl.ds(sc_i * SUP, SUP)], dst_v)

        def chunk(jj, cc):
            j = sc_i * SUP + jj
            pltpu.async_copy(node_hbm.at[src_v.at[jj]], node_v, sem).wait()
            pltpu.sync_copy(
                edge_hbm.at[pl.ds(s * EW_M + j * CHM, CHM),
                            pl.ds(c * HD, HD)], edge_v)

            def rowmul(e, ccc):
                for g in range(HD // LANES):
                    sl = pl.ds(g * LANES, LANES)
                    node_v[e, sl] = node_v[e, sl] * edge_v[e, sl]
                return ccc

            lax.fori_loop(0, CHM, rowmul, 0)
            pltpu.sync_copy(node_v, sh_seg.at[dst_v.at[jj]], add=True)
            return cc

        lax.fori_loop(0, jnp.minimum(nch - sc_i * SUP, SUP), chunk, 0)
        return carry

    lax.fori_loop(0, (nch + SUP - 1) // SUP, super_chunk, 0)
    plsc.subcore_barrier()

    pltpu.sync_copy(sh_seg.at[pl.ds(s * SL, SL)],
                    out_hbm.at[c, pl.ds(s * SL, SL)])


def _scale_body(node_ref, deg_ref, out_ref):
    s_out = lax.rsqrt(deg_ref[1, :] + deg_ref[3, :] + 1.0)
    out_ref[...] = node_ref[...] * s_out[None, :, None]


def _fused_body(seg_ref, node_ref, deg_ref, wlo_ref, whi_ref, lw_ref, lr_ref,
                b_ref, pre_ref, sums_ref):
    g = pl.program_id(0)
    agg = (jnp.dot(seg_ref[0], wlo_ref[...],
                   preferred_element_type=jnp.float32) +
           jnp.dot(seg_ref[1], whi_ref[...],
                   preferred_element_type=jnp.float32))
    s_in = lax.rsqrt(deg_ref[0, :] + deg_ref[2, :] + 1.0)
    loop_msg = jnp.dot(node_ref[...] * lr_ref[...], lw_ref[...],
                       preferred_element_type=jnp.float32)
    pre = (agg * s_in[:, None] + loop_msg) * 0.3333333 + b_ref[...]
    pre_ref[...] = pre

    rid = g * ROWS4 + lax.broadcasted_iota(jnp.int32, (ROWS4, 1), 0)
    pm = jnp.where(rid < N, pre, 0.0)
    colsum = jnp.sum(pm, axis=0)
    colsq = jnp.sum(pm * pm, axis=0)

    @pl.when(g == 0)
    def _():
        sums_ref[0, :] = colsum
        sums_ref[1, :] = colsq

    @pl.when(g > 0)
    def _():
        sums_ref[0, :] = sums_ref[0, :] + colsum
        sums_ref[1, :] = sums_ref[1, :] + colsq


def _bn_body(pre_ref, sums_ref, gam_ref, bet_ref, out_ref):
    inv_n = jnp.float32(1.0 / N)
    mean = sums_ref[0, :] * inv_n
    var = sums_ref[1, :] * inv_n - mean * mean
    inv = lax.rsqrt(var + 1e-5)
    y = (pre_ref[...] - mean[None, :]) * (inv * gam_ref[0, :])[None, :] \
        + bet_ref[...]
    out_ref[...] = jnp.maximum(y, 0.0)


def _mm_body(x_ref, w_ref, o_ref):
    o_ref[...] = jnp.dot(x_ref[...], w_ref[...],
                         preferred_element_type=jnp.float32)


def kernel(node_feat, edge_index, edge_feat, in_weight, rel_weight,
           loop_weight, loop_rel, bias, bn_gamma, bn_beta):
    src = edge_index[0].astype(jnp.int32)
    dst = edge_index[1].astype(jnp.int32)

    pad_d = NW * EW_D - E
    src_d = jnp.pad(src, (0, pad_d), constant_values=N).reshape(NW, NCH_D, CH)
    dst_d = jnp.pad(dst, (0, pad_d), constant_values=N).reshape(NW, NCH_D, CH)

    row_pad = ((0, 0), (0, NCH_PAD - NCH_M), (0, 0))
    src_m = jnp.pad(jnp.pad(src, (0, NS * EW_M - E)).reshape(NS, NCH_M, CHM),
                    row_pad)
    src_off = jnp.stack([src_m, src_m + N])
    dst_m = jnp.pad(
        jnp.pad(dst, (0, NS * EW_M - E),
                constant_values=N).reshape(NS, NCH_M, CHM),
        row_pad, constant_values=N)

    node_cat = jnp.stack([node_feat[:, :HD], node_feat[:, HD:]])

    deg = _deg_kernel(src_d, dst_d).reshape(4, N_PAD)

    node_scaled = pl.pallas_call(
        _scale_body,
        grid=(-(-N // ROWS2),),
        in_specs=[
            pl.BlockSpec((NC, ROWS2, HD), lambda g: (0, g, 0)),
            pl.BlockSpec((4, ROWS2), lambda g: (0, g)),
        ],
        out_specs=pl.BlockSpec((NC, ROWS2, HD), lambda g: (0, g, 0)),
        out_shape=jax.ShapeDtypeStruct((NC, N, HD), jnp.float32),
    )(node_cat, deg).reshape(NC * N, HD)

    seg = _scatter_kernel(src_off, dst_m, node_scaled, edge_feat)

    edge_out = pl.pallas_call(
        _mm_body,
        grid=(E // ROWS6,),
        in_specs=[
            pl.BlockSpec((ROWS6, D), lambda g: (g, 0)),
            pl.BlockSpec((D, H), lambda g: (0, 0)),
        ],
        out_specs=pl.BlockSpec((ROWS6, H), lambda g: (g, 0)),
        out_shape=jax.ShapeDtypeStruct((E, H), jnp.float32),
    )(edge_feat, rel_weight)

    nsteps = -(-N // ROWS4)
    pre, sums = pl.pallas_call(
        _fused_body,
        grid=(nsteps,),
        in_specs=[
            pl.BlockSpec((NC, ROWS4, HD), lambda g: (0, g, 0)),
            pl.BlockSpec((ROWS4, D), lambda g: (g, 0)),
            pl.BlockSpec((4, ROWS4), lambda g: (0, g)),
            pl.BlockSpec((HD, H), lambda g: (0, 0)),
            pl.BlockSpec((HD, H), lambda g: (0, 0)),
            pl.BlockSpec((D, H), lambda g: (0, 0)),
            pl.BlockSpec((1, D), lambda g: (0, 0)),
            pl.BlockSpec((1, H), lambda g: (0, 0)),
        ],
        out_specs=[
            pl.BlockSpec((ROWS4, H), lambda g: (g, 0)),
            pl.BlockSpec((2, H), lambda g: (0, 0)),
        ],
        out_shape=[
            jax.ShapeDtypeStruct((N, H), jnp.float32),
            jax.ShapeDtypeStruct((2, H), jnp.float32),
        ],
    )(seg, node_feat, deg, in_weight[:HD], in_weight[HD:], loop_weight,
      loop_rel, bias.reshape(1, H))

    out = pl.pallas_call(
        _bn_body,
        grid=(nsteps,),
        in_specs=[
            pl.BlockSpec((ROWS4, H), lambda g: (g, 0)),
            pl.BlockSpec((2, H), lambda g: (0, 0)),
            pl.BlockSpec((1, H), lambda g: (0, 0)),
            pl.BlockSpec((1, H), lambda g: (0, 0)),
        ],
        out_specs=pl.BlockSpec((ROWS4, H), lambda g: (g, 0)),
        out_shape=jax.ShapeDtypeStruct((N, H), jnp.float32),
    )(pre, sums, bn_gamma.reshape(1, H), bn_beta.reshape(1, H))

    return (out, edge_out)

# --- scband reference (transcript-rebuilt; emitter-appended) ---
"""Pipeline reference for scband-comp-gcnlayer-68049461838038 (READ-ONLY COPY).

The authoritative reference and input builder live on the scoring server;
editing this copy changes nothing except your own understanding.
"""

import jax, jax.numpy as jnp
import numpy as np

N, E, D, H = 10000, 160000, 256, 256

def setup_inputs(seed: int = 0):
    key = jax.random.key(seed)
    ks = jax.random.split(key, 10)
    node_feat = jax.random.normal(ks[0], (N, D), dtype=jnp.float32)
    edge_index = jax.random.randint(ks[1], (2, E), 0, N, dtype=jnp.int32)
    edge_feat = jax.random.normal(ks[2], (E, D), dtype=jnp.float32)
    in_weight = jax.random.uniform(ks[3], (D, H), minval=-0.0625, maxval=0.0625, dtype=jnp.float32)
    rel_weight = jax.random.uniform(ks[4], (D, H), minval=-0.0625, maxval=0.0625, dtype=jnp.float32)
    loop_weight = jax.random.uniform(ks[5], (D, H), minval=-0.0625, maxval=0.0625, dtype=jnp.float32)
    loop_rel = jax.random.uniform(ks[6], (1, D), minval=-0.0625, maxval=0.0625, dtype=jnp.float32)
    bias = jnp.zeros((H,), dtype=jnp.float32)
    bn_gamma = jnp.ones((H,), dtype=jnp.float32)
    bn_beta = jnp.zeros((H,), dtype=jnp.float32)
    return {"node_feat": node_feat, "edge_index": edge_index, "edge_feat": edge_feat, "in_weight": in_weight, "rel_weight": rel_weight, "loop_weight": loop_weight, "loop_rel": loop_rel, "bias": bias, "bn_gamma": bn_gamma, "bn_beta": bn_beta}

def reference(node_feat, edge_index, edge_feat, in_weight, rel_weight, loop_weight, loop_rel, bias, bn_gamma, bn_beta):
    src = edge_index[0]
    dst = edge_index[1]
    n = node_feat.shape[0]
    # edge_norm='both', self_loop=True: norm = sqrt(out_norm[src] * in_norm[dst]) with deg+1
    in_deg = jnp.zeros((n,), dtype=jnp.float32).at[dst].add(1.0)
    out_deg = jnp.zeros((n,), dtype=jnp.float32).at[src].add(1.0)
    in_norm = 1.0 / (in_deg + 1.0)
    out_norm = 1.0 / (out_deg + 1.0)
    norm = jnp.sqrt(out_norm[src] * in_norm[dst])[:, None]
    # message: comp_opt='mult' -> elementwise mult of src feat with edge feat, then matmul
    comp = node_feat[src] * edge_feat
    msg = jnp.matmul(comp, in_weight) * norm
    # reduce: sum over incoming edges per dst node
    agg = jax.ops.segment_sum(msg, dst, num_segments=n)
    # self-loop branch
    loop_msg = jnp.matmul(node_feat * loop_rel, loop_weight)
    out = (agg + loop_msg) * 0.3333333 + bias
    # BatchNorm1d (training-mode batch stats, eps=1e-5)
    mean = jnp.mean(out, axis=0)
    var = jnp.var(out, axis=0)
    out = (out - mean) / jnp.sqrt(var + 1e-5) * bn_gamma + bn_beta
    out = jax.nn.relu(out)
    # edge update
    edge_out = jnp.matmul(edge_feat, rel_weight)
    return (out, edge_out)

if __name__ == "__main__":
    import jax
    _d = setup_inputs()
    print(jax.jit(kernel)(*tuple(_d.values())))

</pallas_src>

<mosaic_0001>
#map = affine_map<(d0, d1) -> (0, 0, 0)>
module attributes {stable_mosaic.version = 14 : i64} {
  func.func @_deg_kernel(%arg0: i32, %arg1: i32, %arg2: memref<32x40x128xi32, #tpu.memory_space<hbm>>, %arg3: memref<32x40x128xi32, #tpu.memory_space<hbm>>, %arg4: memref<2x2x10240xf32, #tpu.memory_space<hbm>>, %arg5: memref<40x128xi32, #tpu.memory_space<vmem>>, %arg6: memref<40x128xi32, #tpu.memory_space<vmem>>, %arg7: memref<128xf32, #tpu.memory_space<vmem>>, %arg8: memref<640xf32, #tpu.memory_space<vmem>>, %arg9: memref<10240xf32, #tpu.memory_space<vmem_shared>>, %arg10: memref<10240xf32, #tpu.memory_space<vmem_shared>>) attributes {dimension_semantics = [#tpu.dimension_semantics<core_parallel>, #tpu.dimension_semantics<subcore_parallel>], iteration_bounds = array<i64: 2, 16>, scalar_prefetch = 0 : i64, scratch_operands = 6 : i64, tpu.core_type = #tpu.core_type<sc_vector_subcore>, window_params = [{transform_indices = #map}, {transform_indices = #map}, {transform_indices = #map}]} {
    %mul3A = arith.constant 16 : i32
    %mul3A_0 = arith.muli %arg0, %mul3A : i32
    %add3A = arith.addi %mul3A_0, %arg1 : i32
    %broadcast_in_dim3A = arith.constant 1.000000e+00 : f32
    %broadcast_in_dim3A_1 = vector.broadcast %broadcast_in_dim3A : f32 to vector<16xf32>
    %swap3A = arith.constant 0 : index
    %swap3A_2 = tpu.vector_load %arg7[%swap3A] {strides = array<i32>} : memref<128xf32, #tpu.memory_space<vmem>>, vector<16xf32>,
    %swap3A_3 = vector.shape_cast %swap3A_2 : vector<16xf32> to vector<16xf32>
    %swap3A_4 = vector.shape_cast %broadcast_in_dim3A_1 : vector<16xf32> to vector<16xf32>
    tpu.vector_store %arg7[%swap3A], %swap3A_4 {strides = array<i32>} : memref<128xf32, #tpu.memory_space<vmem>>, vector<16xf32>,
    %broadcast_in_dim3A_5 = arith.constant 1.000000e+00 : f32
    %broadcast_in_dim3A_6 = vector.broadcast %broadcast_in_dim3A_5 : f32 to vector<16xf32>
    %swap3A_7 = arith.constant 16 : index
    %swap3A_8 = tpu.vector_load %arg7[%swap3A_7] {strides = array<i32>} : memref<128xf32, #tpu.memory_space<vmem>>, vector<16xf32>,
    %swap3A_9 = vector.shape_cast %swap3A_8 : vector<16xf32> to vector<16xf32>
    %swap3A_10 = vector.shape_cast %broadcast_in_dim3A_6 : vector<16xf32> to vector<16xf32>
    tpu.vector_store %arg7[%swap3A_7], %swap3A_10 {strides = array<i32>} : memref<128xf32, #tpu.memory_space<vmem>>, vector<16xf32>,
    %broadcast_in_dim3A_11 = arith.constant 1.000000e+00 : f32
    %broadcast_in_dim3A_12 = vector.broadcast %broadcast_in_dim3A_11 : f32 to vector<16xf32>
    %swap3A_13 = arith.constant 32 : index
    %swap3A_14 = tpu.vector_load %arg7[%swap3A_13] {strides = array<i32>} : memref<128xf32, #tpu.memory_space<vmem>>, vector<16xf32>,
    %swap3A_15 = vector.shape_cast %swap3A_14 : vector<16xf32> to vector<16xf32>
    %swap3A_16 = vector.shape_cast %broadcast_in_dim3A_12 : vector<16xf32> to vector<16xf32>
    tpu.vector_store %arg7[%swap3A_13], %swap3A_16 {strides = array<i32>} : memref<128xf32, #tpu.memory_space<vmem>>, vector<16xf32>,
    %broadcast_in_dim3A_17 = arith.constant 1.000000e+00 : f32
    %broadcast_in_dim3A_18 = vector.broadcast %broadcast_in_dim3A_17 : f32 to vector<16xf32>
    %swap3A_19 = arith.constant 48 : index
    %swap3A_20 = tpu.vector_load %arg7[%swap3A_19] {strides = array<i32>} : memref<128xf32, #tpu.memory_space<vmem>>, vector<16xf32>,
    %swap3A_21 = vector.shape_cast %swap3A_20 : vector<16xf32> to vector<16xf32>
    %swap3A_22 = vector.shape_cast %broadcast_in_dim3A_18 : vector<16xf32> to vector<16xf32>
    tpu.vector_store %arg7[%swap3A_19], %swap3A_22 {strides = array<i32>} : memref<128xf32, #tpu.memory_space<vmem>>, vector<16xf32>,
    %broadcast_in_dim3A_23 = arith.constant 1.000000e+00 : f32
    %broadcast_in_dim3A_24 = vector.broadcast %broadcast_in_dim3A_23 : f32 to vector<16xf32>
    %swap3A_25 = arith.constant 64 : index
    %swap3A_26 = tpu.vector_load %arg7[%swap3A_25] {strides = array<i32>} : memref<128xf32, #tpu.memory_space<vmem>>, vector<16xf32>,
    %swap3A_27 = vector.shape_cast %swap3A_26 : vector<16xf32> to vector<16xf32>
    %swap3A_28 = vector.shape_cast %broadcast_in_dim3A_24 : vector<16xf32> to vector<16xf32>
    tpu.vector_store %arg7[%swap3A_25], %swap3A_28 {strides = array<i32>} : memref<128xf32, #tpu.memory_space<vmem>>, vector<16xf32>,
    %broadcast_in_dim3A_29 = arith.constant 1.000000e+00 : f32
    %broadcast_in_dim3A_30 = vector.broadcast %broadcast_in_dim3A_29 : f32 to vector<16xf32>
    %swap3A_31 = arith.constant 80 : index
    %swap3A_32 = tpu.vector_load %arg7[%swap3A_31] {strides = array<i32>} : memref<128xf32, #tpu.memory_space<vmem>>, vector<16xf32>,
    %swap3A_33 = vector.shape_cast %swap3A_32 : vector<16xf32> to vector<16xf32>
    %swap3A_34 = vector.shape_cast %broadcast_in_dim3A_30 : vector<16xf32> to vector<16xf32>
    tpu.vector_store %arg7[%swap3A_31], %swap3A_34 {strides = array<i32>} : memref<128xf32, #tpu.memory_space<vmem>>, vector<16xf32>,
    %broadcast_in_dim3A_35 = arith.constant 1.000000e+00 : f32
    %broadcast_in_dim3A_36 = vector.broadcast %broadcast_in_dim3A_35 : f32 to vector<16xf32>
    %swap3A_37 = arith.constant 96 : index
    %swap3A_38 = tpu.vector_load %arg7[%swap3A_37] {strides = array<i32>} : memref<128xf32, #tpu.memory_space<vmem>>, vector<16xf32>,
    %swap3A_39 = vector.shape_cast %swap3A_38 : vector<16xf32> to vector<16xf32>
    %swap3A_40 = vector.shape_cast %broadcast_in_dim3A_36 : vector<16xf32> to vector<16xf32>
    tpu.vector_store %arg7[%swap3A_37], %swap3A_40 {strides = array<i32>} : memref<128xf32, #tpu.memory_space<vmem>>, vector<16xf32>,
    %broadcast_in_dim3A_41 = arith.constant 1.000000e+00 : f32
    %broadcast_in_dim3A_42 = vector.broadcast %broadcast_in_dim3A_41 : f32 to vector<16xf32>
    %swap3A_43 = arith.constant 112 : index
    %swap3A_44 = tpu.vector_load %arg7[%swap3A_43] {strides = array<i32>} : memref<128xf32, #tpu.memory_space<vmem>>, vector<16xf32>,
    %swap3A_45 = vector.shape_cast %swap3A_44 : vector<16xf32> to vector<16xf32>
    %swap3A_46 = vector.shape_cast %broadcast_in_dim3A_42 : vector<16xf32> to vector<16xf32>
    tpu.vector_store %arg7[%swap3A_43], %swap3A_46 {strides = array<i32>} : memref<128xf32, #tpu.memory_space<vmem>>, vector<16xf32>,
    %broadcast_in_dim3A_47 = arith.constant 0.000000e+00 : f32
    %broadcast_in_dim3A_48 = vector.broadcast %broadcast_in_dim3A_47 : f32 to vector<16xf32>
    %swap3A_49 = arith.constant 0 : index
    %swap3A_50 = tpu.vector_load %arg8[%swap3A_49] {strides = array<i32>} : memref<640xf32, #tpu.memory_space<vmem>>, vector<16xf32>,
    %swap3A_51 = vector.shape_cast %swap3A_50 : vector<16xf32> to vector<16xf32>
    %swap3A_52 = vector.shape_cast %broadcast_in_dim3A_48 : vector<16xf32> to vector<16xf32>
    tpu.vector_store %arg8[%swap3A_49], %swap3A_52 {strides = array<i32>} : memref<640xf32, #tpu.memory_space<vmem>>, vector<16xf32>,
    %broadcast_in_dim3A_53 = arith.constant 0.000000e+00 : f32
    %broadcast_in_dim3A_54 = vector.broadcast %broadcast_in_dim3A_53 : f32 to vector<16xf32>
    %swap3A_55 = arith.constant 16 : index
    %swap3A_56 = tpu.vector_load %arg8[%swap3A_55] {strides = array<i32>} : memref<640xf32, #tpu.memory_space<vmem>>, vector<16xf32>,
    %swap3A_57 = vector.shape_cast %swap3A_56 : vector<16xf32> to vector<16xf32>
    %swap3A_58 = vector.shape_cast %broadcast_in_dim3A_54 : vector<16xf32> to vector<16xf32>
    tpu.vector_store %arg8[%swap3A_55], %swap3A_58 {strides = array<i32>} : memref<640xf32, #tpu.memory_space<vmem>>, vector<16xf32>,
    %broadcast_in_dim3A_59 = arith.constant 0.000000e+00 : f32
    %broadcast_in_dim3A_60 = vector.broadcast %broadcast_in_dim3A_59 : f32 to vector<16xf32>
    %swap3A_61 = arith.constant 32 : index
    %swap3A_62 = tpu.vector_load %arg8[%swap3A_61] {strides = array<i32>} : memref<640xf32, #tpu.memory_space<vmem>>, vector<16xf32>,
    %swap3A_63 = vector.shape_cast %swap3A_62 : vector<16xf32> to vector<16xf32>
    %swap3A_64 = vector.shape_cast %broadcast_in_dim3A_60 : vector<16xf32> to vector<16xf32>
    tpu.vector_store %arg8[%swap3A_61], %swap3A_64 {strides = array<i32>} : memref<640xf32, #tpu.memory_space<vmem>>, vector<16xf32>,
    %broadcast_in_dim3A_65 = arith.constant 0.000000e+00 : f32
    %broadcast_in_dim3A_66 = vector.broadcast %broadcast_in_dim3A_65 : f32 to vector<16xf32>
    %swap3A_67 = arith.constant 48 : index
    %swap3A_68 = tpu.vector_load %arg8[%swap3A_67] {strides = array<i32>} : memref<640xf32, #tpu.memory_space<vmem>>, vector<16xf32>,
    %swap3A_69 = vector.shape_cast %swap3A_68 : vector<16xf32> to vector<16xf32>
    %swap3A_70 = vector.shape_cast %broadcast_in_dim3A_66 : vector<16xf32> to vector<16xf32>
    tpu.vector_store %arg8[%swap3A_67], %swap3A_70 {strides = array<i32>} : memref<640xf32, #tpu.memory_space<vmem>>, vector<16xf32>,
    %broadcast_in_dim3A_71 = arith.constant 0.000000e+00 : f32
    %broadcast_in_dim3A_72 = vector.broadcast %broadcast_in_dim3A_71 : f32 to vector<16xf32>
    %swap3A_73 = arith.constant 64 : index
    %swap3A_74 = tpu.vector_load %arg8[%swap3A_73] {strides = array<i32>} : memref<640xf32, #tpu.memory_space<vmem>>, vector<16xf32>,
    %swap3A_75 = vector.shape_cast %swap3A_74 : vector<16xf32> to vector<16xf32>
    %swap3A_76 = vector.shape_cast %broadcast_in_dim3A_72 : vector<16xf32> to vector<16xf32>
    tpu.vector_store %arg8[%swap3A_73], %swap3A_76 {strides = array<i32>} : memref<640xf32, #tpu.memory_space<vmem>>, vector<16xf32>,
    %broadcast_in_dim3A_77 = arith.constant 0.000000e+00 : f32
    %broadcast_in_dim3A_78 = vector.broadcast %broadcast_in_dim3A_77 : f32 to vector<16xf32>
    %swap3A_79 = arith.constant 80 : index
    %swap3A_80 = tpu.vector_load %arg8[%swap3A_79] {strides = array<i32>} : memref<640xf32, #tpu.memory_space<vmem>>, vector<16xf32>,
    %swap3A_81 = vector.shape_cast %swap3A_80 : vector<16xf32> to vector<16xf32>
    %swap3A_82 = vector.shape_cast %broadcast_in_dim3A_78 : vector<16xf32> to vector<16xf32>
    tpu.vector_store %arg8[%swap3A_79], %swap3A_82 {strides = array<i32>} : memref<640xf32, #tpu.memory_space<vmem>>, vector<16xf32>,
    %broadcast_in_dim3A_83 = arith.constant 0.000000e+00 : f32
    %broadcast_in_dim3A_84 = vector.broadcast %broadcast_in_dim3A_83 : f32 to vector<16xf32>
    %swap3A_85 = arith.constant 96 : index
    %swap3A_86 = tpu.vector_load %arg8[%swap3A_85] {strides = array<i32>} : memref<640xf32, #tpu.memory_space<vmem>>, vector<16xf32>,
    %swap3A_87 = vector.shape_cast %swap3A_86 : vector<16xf32> to vector<16xf32>
    %swap3A_88 = vector.shape_cast %broadcast_in_dim3A_84 : vector<16xf32> to vector<16xf32>
    tpu.vector_store %arg8[%swap3A_85], %swap3A_88 {strides = array<i32>} : memref<640xf32, #tpu.memory_space<vmem>>, vector<16xf32>,
    %broadcast_in_dim3A_89 = arith.constant 0.000000e+00 : f32
    %broadcast_in_dim3A_90 = vector.broadcast %broadcast_in_dim3A_89 : f32 to vector<16xf32>
    %swap3A_91 = arith.constant 112 : index
    %swap3A_92 = tpu.vector_load %arg8[%swap3A_91] {strides = array<i32>} : memref<640xf32, #tpu.memory_space<vmem>>, vector<16xf32>,
    %swap3A_93 = vector.shape_cast %swap3A_92 : vector<16xf32> to vector<16xf32>
    %swap3A_94 = vector.shape_cast %broadcast_in_dim3A_90 : vector<16xf32> to vector<16xf32>
    tpu.vector_store %arg8[%swap3A_91], %swap3A_94 {strides = array<i32>} : memref<640xf32, #tpu.memory_space<vmem>>, vector<16xf32>,
    %broadcast_in_dim3A_95 = arith.constant 0.000000e+00 : f32
    %broadcast_in_dim3A_96 = vector.broadcast %broadcast_in_dim3A_95 : f32 to vector<16xf32>
    %swap3A_97 = arith.constant 128 : index
    %swap3A_98 = tpu.vector_load %arg8[%swap3A_97] {strides = array<i32>} : memref<640xf32, #tpu.memory_space<vmem>>, vector<16xf32>,
    %swap3A_99 = vector.shape_cast %swap3A_98 : vector<16xf32> to vector<16xf32>
    %swap3A_100 = vector.shape_cast %broadcast_in_dim3A_96 : vector<16xf32> to vector<16xf32>
    tpu.vector_store %arg8[%swap3A_97], %swap3A_100 {strides = array<i32>} : memref<640xf32, #tpu.memory_space<vmem>>, vector<16xf32>,
    %broadcast_in_dim3A_101 = arith.constant 0.000000e+00 : f32
    %broadcast_in_dim3A_102 = vector.broadcast %broadcast_in_dim3A_101 : f32 to vector<16xf32>
    %swap3A_103 = arith.constant 144 : index
    %swap3A_104 = tpu.vector_load %arg8[%swap3A_103] {strides = array<i32>} : memref<640xf32, #tpu.memory_space<vmem>>, vector<16xf32>,
    %swap3A_105 = vector.shape_cast %swap3A_104 : vector<16xf32> to vector<16xf32>
    %swap3A_106 = vector.shape_cast %broadcast_in_dim3A_102 : vector<16xf32> to vector<16xf32>
    tpu.vector_store %arg8[%swap3A_103], %swap3A_106 {strides = array<i32>} : memref<640xf32, #tpu.memory_space<vmem>>, vector<16xf32>,
    %broadcast_in_dim3A_107 = arith.constant 0.000000e+00 : f32
    %broadcast_in_dim3A_108 = vector.broadcast %broadcast_in_dim3A_107 : f32 to vector<16xf32>
    %swap3A_109 = arith.constant 160 : index
    %swap3A_110 = tpu.vector_load %arg8[%swap3A_109] {strides = array<i32>} : memref<640xf32, #tpu.memory_space<vmem>>, vector<16xf32>,
    %swap3A_111 = vector.shape_cast %swap3A_110 : vector<16xf32> to vector<16xf32>
    %swap3A_112 = vector.shape_cast %broadcast_in_dim3A_108 : vector<16xf32> to vector<16xf32>
    tpu.vector_store %arg8[%swap3A_109], %swap3A_112 {strides = array<i32>} : memref<640xf32, #tpu.memory_space<vmem>>, vector<16xf32>,
    %broadcast_in_dim3A_113 = arith.constant 0.000000e+00 : f32
    %broadcast_in_dim3A_114 = vector.broadcast %broadcast_in_dim3A_113 : f32 to vector<16xf32>
    %swap3A_115 = arith.constant 176 : index
    %swap3A_116 = tpu.vector_load %arg8[%swap3A_115] {strides = array<i32>} : memref<640xf32, #tpu.memory_space<vmem>>, vector<16xf32>,
    %swap3A_117 = vector.shape_cast %swap3A_116 : vector<16xf32> to vector<16xf32>
    %swap3A_118 = vector.shape_cast %broadcast_in_dim3A_114 : vector<16xf32> to vector<16xf32>
    tpu.vector_store %arg8[%swap3A_115], %swap3A_118 {strides = array<i32>} : memref<640xf32, #tpu.memory_space<vmem>>, vector<16xf32>,
    %broadcast_in_dim3A_119 = arith.constant 0.000000e+00 : f32
    %broadcast_in_dim3A_120 = vector.broadcast %broadcast_in_dim3A_119 : f32 to vector<16xf32>
    %swap3A_121 = arith.constant 192 : index
    %swap3A_122 = tpu.vector_load %arg8[%swap3A_121] {strides = array<i32>} : memref<640xf32, #tpu.memory_space<vmem>>, vector<16xf32>,
    %swap3A_123 = vector.shape_cast %swap3A_122 : vector<16xf32> to vector<16xf32>
    %swap3A_124 = vector.shape_cast %broadcast_in_dim3A_120 : vector<16xf32> to vector<16xf32>
    tpu.vector_store %arg8[%swap3A_121], %swap3A_124 {strides = array<i32>} : memref<640xf32, #tpu.memory_space<vmem>>, vector<16xf32>,
    %broadcast_in_dim3A_125 = arith.constant 0.000000e+00 : f32
    %broadcast_in_dim3A_126 = vector.broadcast %broadcast_in_dim3A_125 : f32 to vector<16xf32>
    %swap3A_127 = arith.constant 208 : index
    %swap3A_128 = tpu.vector_load %arg8[%swap3A_127] {strides = array<i32>} : memref<640xf32, #tpu.memory_space<vmem>>, vector<16xf32>,
    %swap3A_129 = vector.shape_cast %swap3A_128 : vector<16xf32> to vector<16xf32>
    %swap3A_130 = vector.shape_cast %broadcast_in_dim3A_126 : vector<16xf32> to vector<16xf32>
    tpu.vector_store %arg8[%swap3A_127], %swap3A_130 {strides = array<i32>} : memref<640xf32, #tpu.memory_space<vmem>>, vector<16xf32>,
    %broadcast_in_dim3A_131 = arith.constant 0.000000e+00 : f32
    %broadcast_in_dim3A_132 = vector.broadcast %broadcast_in_dim3A_131 : f32 to vector<16xf32>
    %swap3A_133 = arith.constant 224 : index
    %swap3A_134 = tpu.vector_load %arg8[%swap3A_133] {strides = array<i32>} : memref<640xf32, #tpu.memory_space<vmem>>, vector<16xf32>,
    %swap3A_135 = vector.shape_cast %swap3A_134 : vector<16xf32> to vector<16xf32>
    %swap3A_136 = vector.shape_cast %broadcast_in_dim3A_132 : vector<16xf32> to vector<16xf32>
    tpu.vector_store %arg8[%swap3A_133], %swap3A_136 {strides = array<i32>} : memref<640xf32, #tpu.memory_space<vmem>>, vector<16xf32>,
    %broadcast_in_dim3A_137 = arith.constant 0.000000e+00 : f32
    %broadcast_in_dim3A_138 = vector.broadcast %broadcast_in_dim3A_137 : f32 to vector<16xf32>
    %swap3A_139 = arith.constant 240 : index
    %swap3A_140 = tpu.vector_load %arg8[%swap3A_139] {strides = array<i32>} : memref<640xf32, #tpu.memory_space<vmem>>, vector<16xf32>,
    %swap3A_141 = vector.shape_cast %swap3A_140 : vector<16xf32> to vector<16xf32>
    %swap3A_142 = vector.shape_cast %broadcast_in_dim3A_138 : vector<16xf32> to vector<16xf32>
    tpu.vector_store %arg8[%swap3A_139], %swap3A_142 {strides = array<i32>} : memref<640xf32, #tpu.memory_space<vmem>>, vector<16xf32>,
    %broadcast_in_dim3A_143 = arith.constant 0.000000e+00 : f32
    %broadcast_in_dim3A_144 = vector.broadcast %broadcast_in_dim3A_143 : f32 to vector<16xf32>
    %swap3A_145 = arith.constant 256 : index
    %swap3A_146 = tpu.vector_load %arg8[%swap3A_145] {strides = array<i32>} : memref<640xf32, #tpu.memory_space<vmem>>, vector<16xf32>,
    %swap3A_147 = vector.shape_cast %swap3A_146 : vector<16xf32> to vector<16xf32>
    %swap3A_148 = vector.shape_cast %broadcast_in_dim3A_144 : vector<16xf32> to vector<16xf32>
    tpu.vector_store %arg8[%swap3A_145], %swap3A_148 {strides = array<i32>} : memref<640xf32, #tpu.memory_space<vmem>>, vector<16xf32>,
    %broadcast_in_dim3A_149 = arith.constant 0.000000e+00 : f32
    %broadcast_in_dim3A_150 = vector.broadcast %broadcast_in_dim3A_149 : f32 to vector<16xf32>
    %swap3A_151 = arith.constant 272 : index
    %swap3A_152 = tpu.vector_load %arg8[%swap3A_151] {strides = array<i32>} : memref<640xf32, #tpu.memory_space<vmem>>, vector<16xf32>,
    %swap3A_153 = vector.shape_cast %swap3A_152 : vector<16xf32> to vector<16xf32>
    %swap3A_154 = vector.shape_cast %broadcast_in_dim3A_150 : vector<16xf32> to vector<16xf32>
    tpu.vector_store %arg8[%swap3A_151], %swap3A_154 {strides = array<i32>} : memref<640xf32, #tpu.memory_space<vmem>>, vector<16xf32>,
    %broadcast_in_dim3A_155 = arith.constant 0.000000e+00 : f32
    %broadcast_in_dim3A_156 = vector.broadcast %broadcast_in_dim3A_155 : f32 to vector<16xf32>
    %swap3A_157 = arith.constant 288 : index
    %swap3A_158 = tpu.vector_load %arg8[%swap3A_157] {strides = array<i32>} : memref<640xf32, #tpu.memory_space<vmem>>, vector<16xf32>,
    %swap3A_159 = vector.shape_cast %swap3A_158 : vector<16xf32> to vector<16xf32>
    %swap3A_160 = vector.shape_cast %broadcast_in_dim3A_156 : vector<16xf32> to vector<16xf32>
    tpu.vector_store %arg8[%swap3A_157], %swap3A_160 {strides = array<i32>} : memref<640xf32, #tpu.memory_space<vmem>>, vector<16xf32>,
    %broadcast_in_dim3A_161 = arith.constant 0.000000e+00 : f32
    %broadcast_in_dim3A_162 = vector.broadcast %broadcast_in_dim3A_161 : f32 to vector<16xf32>
    %swap3A_163 = arith.constant 304 : index
    %swap3A_164 = tpu.vector_load %arg8[%swap3A_163] {strides = array<i32>} : memref<640xf32, #tpu.memory_space<vmem>>, vector<16xf32>,
    %swap3A_165 = vector.shape_cast %swap3A_164 : vector<16xf32> to vector<16xf32>
    %swap3A_166 = vector.shape_cast %broadcast_in_dim3A_162 : vector<16xf32> to vector<16xf32>
    tpu.vector_store %arg8[%swap3A_163], %swap3A_166 {strides = array<i32>} : memref<640xf32, #tpu.memory_space<vmem>>, vector<16xf32>,
    %broadcast_in_dim3A_167 = arith.constant 0.000000e+00 : f32
    %broadcast_in_dim3A_168 = vector.broadcast %broadcast_in_dim3A_167 : f32 to vector<16xf32>
    %swap3A_169 = arith.constant 320 : index
    %swap3A_170 = tpu.vector_load %arg8[%swap3A_169] {strides = array<i32>} : memref<640xf32, #tpu.memory_space<vmem>>, vector<16xf32>,
    %swap3A_171 = vector.shape_cast %swap3A_170 : vector<16xf32> to vector<16xf32>
    %swap3A_172 = vector.shape_cast %broadcast_in_dim3A_168 : vector<16xf32> to vector<16xf32>
    tpu.vector_store %arg8[%swap3A_169], %swap3A_172 {strides = array<i32>} : memref<640xf32, #tpu.memory_space<vmem>>, vector<16xf32>,
    %broadcast_in_dim3A_173 = arith.constant 0.000000e+00 : f32
    %broadcast_in_dim3A_174 = vector.broadcast %broadcast_in_dim3A_173 : f32 to vector<16xf32>
    %swap3A_175 = arith.constant 336 : index
    %swap3A_176 = tpu.vector_load %arg8[%swap3A_175] {strides = array<i32>} : memref<640xf32, #tpu.memory_space<vmem>>, vector<16xf32>,
    %swap3A_177 = vector.shape_cast %swap3A_176 : vector<16xf32> to vector<16xf32>
    %swap3A_178 = vector.shape_cast %broadcast_in_dim3A_174 : vector<16xf32> to vector<16xf32>
    tpu.vector_store %arg8[%swap3A_175], %swap3A_178 {strides = array<i32>} : memref<640xf32, #tpu.memory_space<vmem>>, vector<16xf32>,
    %broadcast_in_dim3A_179 = arith.constant 0.000000e+00 : f32
    %broadcast_in_dim3A_180 = vector.broadcast %broadcast_in_dim3A_179 : f32 to vector<16xf32>
    %swap3A_181 = arith.constant 352 : index
    %swap3A_182 = tpu.vector_load %arg8[%swap3A_181] {strides = array<i32>} : memref<640xf32, #tpu.memory_space<vmem>>, vector<16xf32>,
    %swap3A_183 = vector.shape_cast %swap3A_182 : vector<16xf32> to vector<16xf32>
    %swap3A_184 = vector.shape_cast %broadcast_in_dim3A_180 : vector<16xf32> to vector<16xf32>
    tpu.vector_store %arg8[%swap3A_181], %swap3A_184 {strides = array<i32>} : memref<640xf32, #tpu.memory_space<vmem>>, vector<16xf32>,
    %broadcast_in_dim3A_185 = arith.constant 0.000000e+00 : f32
    %broadcast_in_dim3A_186 = vector.broadcast %broadcast_in_dim3A_185 : f32 to vector<16xf32>
    %swap3A_187 = arith.constant 368 : index
    %swap3A_188 = tpu.vector_load %arg8[%swap3A_187] {strides = array<i32>} : memref<640xf32, #tpu.memory_space<vmem>>, vector<16xf32>,
    %swap3A_189 = vector.shape_cast %swap3A_188 : vector<16xf32> to vector<16xf32>
    %swap3A_190 = vector.shape_cast %broadcast_in_dim3A_186 : vector<16xf32> to vector<16xf32>
    tpu.vector_store %arg8[%swap3A_187], %swap3A_190 {strides = array<i32>} : memref<640xf32, #tpu.memory_space<vmem>>, vector<16xf32>,
    %broadcast_in_dim3A_191 = arith.constant 0.000000e+00 : f32
    %broadcast_in_dim3A_192 = vector.broadcast %broadcast_in_dim3A_191 : f32 to vector<16xf32>
    %swap3A_193 = arith.constant 384 : index
    %swap3A_194 = tpu.vector_load %arg8[%swap3A_193] {strides = array<i32>} : memref<640xf32, #tpu.memory_space<vmem>>, vector<16xf32>,
    %swap3A_195 = vector.shape_cast %swap3A_194 : vector<16xf32> to vector<16xf32>
    %swap3A_196 = vector.shape_cast %broadcast_in_dim3A_192 : vector<16xf32> to vector<16xf32>
    tpu.vector_store %arg8[%swap3A_193], %swap3A_196 {strides = array<i32>} : memref<640xf32, #tpu.memory_space<vmem>>, vector<16xf32>,
    %broadcast_in_dim3A_197 = arith.constant 0.000000e+00 : f32
    %broadcast_in_dim3A_198 = vector.broadcast %broadcast_in_dim3A_197 : f32 to vector<16xf32>
    %swap3A_199 = arith.constant 400 : index
    %swap3A_200 = tpu.vector_load %arg8[%swap3A_199] {strides = array<i32>} : memref<640xf32, #tpu.memory_space<vmem>>, vector<16xf32>,
    %swap3A_201 = vector.shape_cast %swap3A_200 : vector<16xf32> to vector<16xf32>
    %swap3A_202 = vector.shape_cast %broadcast_in_dim3A_198 : vector<16xf32> to vector<16xf32>
    tpu.vector_store %arg8[%swap3A_199], %swap3A_202 {strides = array<i32>} : memref<640xf32, #tpu.memory_space<vmem>>, vector<16xf32>,
    %broadcast_in_dim3A_203 = arith.constant 0.000000e+00 : f32
    %broadcast_in_dim3A_204 = vector.broadcast %broadcast_in_dim3A_203 : f32 to vector<16xf32>
    %swap3A_205 = arith.constant 416 : index
    %swap3A_206 = tpu.vector_load %arg8[%swap3A_205] {strides = array<i32>} : memref<640xf32, #tpu.memory_space<vmem>>, vector<16xf32>,
    %swap3A_207 = vector.shape_cast %swap3A_206 : vector<16xf32> to vector<16xf32>
    %swap3A_208 = vector.shape_cast %broadcast_in_dim3A_204 : vector<16xf32> to vector<16xf32>
    tpu.vector_store %arg8[%swap3A_205], %swap3A_208 {strides = array<i32>} : memref<640xf32, #tpu.memory_space<vmem>>, vector<16xf32>,
    %broadcast_in_dim3A_209 = arith.constant 0.000000e+00 : f32
    %broadcast_in_dim3A_210 = vector.broadcast %broadcast_in_dim3A_209 : f32 to vector<16xf32>
    %swap3A_211 = arith.constant 432 : index
    %swap3A_212 = tpu.vector_load %arg8[%swap3A_211] {strides = array<i32>} : memref<640xf32, #tpu.memory_space<vmem>>, vector<16xf32>,
    %swap3A_213 = vector.shape_cast %swap3A_212 : vector<16xf32> to vector<16xf32>
    %swap3A_214 = vector.shape_cast %broadcast_in_dim3A_210 : vector<16xf32> to vector<16xf32>
    tpu.vector_store %arg8[%swap3A_211], %swap3A_214 {strides = array<i32>} : memref<640xf32, #tpu.memory_space<vmem>>, vector<16xf32>,
    %broadcast_in_dim3A_215 = arith.constant 0.000000e+00 : f32
    %broadcast_in_dim3A_216 = vector.broadcast %broadcast_in_dim3A_215 : f32 to vector<16xf32>
    %swap3A_217 = arith.constant 448 : index
    %swap3A_218 = tpu.vector_load %arg8[%swap3A_217] {strides = array<i32>} : memref<640xf32, #tpu.memory_space<vmem>>, vector<16xf32>,
    %swap3A_219 = vector.shape_cast %swap3A_218 : vector<16xf32> to vector<16xf32>
    %swap3A_220 = vector.shape_cast %broadcast_in_dim3A_216 : vector<16xf32> to vector<16xf32>
    tpu.vector_store %arg8[%swap3A_217], %swap3A_220 {strides = array<i32>} : memref<640xf32, #tpu.memory_space<vmem>>, vector<16xf32>,
    %broadcast_in_dim3A_221 = arith.constant 0.000000e+00 : f32
    %broadcast_in_dim3A_222 = vector.broadcast %broadcast_in_dim3A_221 : f32 to vector<16xf32>
    %swap3A_223 = arith.constant 464 : index
    %swap3A_224 = tpu.vector_load %arg8[%swap3A_223] {strides = array<i32>} : memref<640xf32, #tpu.memory_space<vmem>>, vector<16xf32>,
    %swap3A_225 = vector.shape_cast %swap3A_224 : vector<16xf32> to vector<16xf32>
    %swap3A_226 = vector.shape_cast %broadcast_in_dim3A_222 : vector<16xf32> to vector<16xf32>
    tpu.vector_store %arg8[%swap3A_223], %swap3A_226 {strides = array<i32>} : memref<640xf32, #tpu.memory_space<vmem>>, vector<16xf32>,
    %broadcast_in_dim3A_227 = arith.constant 0.000000e+00 : f32
    %broadcast_in_dim3A_228 = vector.broadcast %broadcast_in_dim3A_227 : f32 to vector<16xf32>
    %swap3A_229 = arith.constant 480 : index
    %swap3A_230 = tpu.vector_load %arg8[%swap3A_229] {strides = array<i32>} : memref<640xf32, #tpu.memory_space<vmem>>, vector<16xf32>,
    %swap3A_231 = vector.shape_cast %swap3A_230 : vector<16xf32> to vector<16xf32>
    %swap3A_232 = vector.shape_cast %broadcast_in_dim3A_228 : vector<16xf32> to vector<16xf32>
    tpu.vector_store %arg8[%swap3A_229], %swap3A_232 {strides = array<i32>} : memref<640xf32, #tpu.memory_space<vmem>>, vector<16xf32>,
    %broadcast_in_dim3A_233 = arith.constant 0.000000e+00 : f32
    %broadcast_in_dim3A_234 = vector.broadcast %broadcast_in_dim3A_233 : f32 to vector<16xf32>
    %swap3A_235 = arith.constant 496 : index
    %swap3A_236 = tpu.vector_load %arg8[%swap3A_235] {strides = array<i32>} : memref<640xf32, #tpu.memory_space<vmem>>, vector<16xf32>,
    %swap3A_237 = vector.shape_cast %swap3A_236 : vector<16xf32> to vector<16xf32>
    %swap3A_238 = vector.shape_cast %broadcast_in_dim3A_234 : vector<16xf32> to vector<16xf32>
    tpu.vector_store %arg8[%swap3A_235], %swap3A_238 {strides = array<i32>} : memref<640xf32, #tpu.memory_space<vmem>>, vector<16xf32>,
    %broadcast_in_dim3A_239 = arith.constant 0.000000e+00 : f32
    %broadcast_in_dim3A_240 = vector.broadcast %broadcast_in_dim3A_239 : f32 to vector<16xf32>
    %swap3A_241 = arith.constant 512 : index
    %swap3A_242 = tpu.vector_load %arg8[%swap3A_241] {strides = array<i32>} : memref<640xf32, #tpu.memory_space<vmem>>, vector<16xf32>,
    %swap3A_243 = vector.shape_cast %swap3A_242 : vector<16xf32> to vector<16xf32>
    %swap3A_244 = vector.shape_cast %broadcast_in_dim3A_240 : vector<16xf32> to vector<16xf32>
    tpu.vector_store %arg8[%swap3A_241], %swap3A_244 {strides = array<i32>} : memref<640xf32, #tpu.memory_space<vmem>>, vector<16xf32>,
    %broadcast_in_dim3A_245 = arith.constant 0.000000e+00 : f32
    %broadcast_in_dim3A_246 = vector.broadcast %broadcast_in_dim3A_245 : f32 to vector<16xf32>
    %swap3A_247 = arith.constant 528 : index
    %swap3A_248 = tpu.vector_load %arg8[%swap3A_247] {strides = array<i32>} : memref<640xf32, #tpu.memory_space<vmem>>, vector<16xf32>,
    %swap3A_249 = vector.shape_cast %swap3A_248 : vector<16xf32> to vector<16xf32>
    %swap3A_250 = vector.shape_cast %broadcast_in_dim3A_246 : vector<16xf32> to vector<16xf32>
    tpu.vector_store %arg8[%swap3A_247], %swap3A_250 {strides = array<i32>} : memref<640xf32, #tpu.memory_space<vmem>>, vector<16xf32>,
    %broadcast_in_dim3A_251 = arith.constant 0.000000e+00 : f32
    %broadcast_in_dim3A_252 = vector.broadcast %broadcast_in_dim3A_251 : f32 to vector<16xf32>
    %swap3A_253 = arith.constant 544 : index
    %swap3A_254 = tpu.vector_load %arg8[%swap3A_253] {strides = array<i32>} : memref<640xf32, #tpu.memory_space<vmem>>, vector<16xf32>,
    %swap3A_255 = vector.shape_cast %swap3A_254 : vector<16xf32> to vector<16xf32>
    %swap3A_256 = vector.shape_cast %broadcast_in_dim3A_252 : vector<16xf32> to vector<16xf32>
    tpu.vector_store %arg8[%swap3A_253], %swap3A_256 {strides = array<i32>} : memref<640xf32, #tpu.memory_space<vmem>>, vector<16xf32>,
    %broadcast_in_dim3A_257 = arith.constant 0.000000e+00 : f32
    %broadcast_in_dim3A_258 = vector.broadcast %broadcast_in_dim3A_257 : f32 to vector<16xf32>
    %swap3A_259 = arith.constant 560 : index
    %swap3A_260 = tpu.vector_load %arg8[%swap3A_259] {strides = array<i32>} : memref<640xf32, #tpu.memory_space<vmem>>, vector<16xf32>,
    %swap3A_261 = vector.shape_cast %swap3A_260 : vector<16xf32> to vector<16xf32>
    %swap3A_262 = vector.shape_cast %broadcast_in_dim3A_258 : vector<16xf32> to vector<16xf32>
    tpu.vector_store %arg8[%swap3A_259], %swap3A_262 {strides = array<i32>} : memref<640xf32, #tpu.memory_space<vmem>>, vector<16xf32>,
    %broadcast_in_dim3A_263 = arith.constant 0.000000e+00 : f32
    %broadcast_in_dim3A_264 = vector.broadcast %broadcast_in_dim3A_263 : f32 to vector<16xf32>
    %swap3A_265 = arith.constant 576 : index
    %swap3A_266 = tpu.vector_load %arg8[%swap3A_265] {strides = array<i32>} : memref<640xf32, #tpu.memory_space<vmem>>, vector<16xf32>,
    %swap3A_267 = vector.shape_cast %swap3A_266 : vector<16xf32> to vector<16xf32>
    %swap3A_268 = vector.shape_cast %broadcast_in_dim3A_264 : vector<16xf32> to vector<16xf32>
    tpu.vector_store %arg8[%swap3A_265], %swap3A_268 {strides = array<i32>} : memref<640xf32, #tpu.memory_space<vmem>>, vector<16xf32>,
    %broadcast_in_dim3A_269 = arith.constant 0.000000e+00 : f32
    %broadcast_in_dim3A_270 = vector.broadcast %broadcast_in_dim3A_269 : f32 to vector<16xf32>
    %swap3A_271 = arith.constant 592 : index
    %swap3A_272 = tpu.vector_load %arg8[%swap3A_271] {strides = array<i32>} : memref<640xf32, #tpu.memory_space<vmem>>, vector<16xf32>,
    %swap3A_273 = vector.shape_cast %swap3A_272 : vector<16xf32> to vector<16xf32>
    %swap3A_274 = vector.shape_cast %broadcast_in_dim3A_270 : vector<16xf32> to vector<16xf32>
    tpu.vector_store %arg8[%swap3A_271], %swap3A_274 {strides = array<i32>} : memref<640xf32, #tpu.memory_space<vmem>>, vector<16xf32>,
    %broadcast_in_dim3A_275 = arith.constant 0.000000e+00 : f32
    %broadcast_in_dim3A_276 = vector.broadcast %broadcast_in_dim3A_275 : f32 to vector<16xf32>
    %swap3A_277 = arith.constant 608 : index
    %swap3A_278 = tpu.vector_load %arg8[%swap3A_277] {strides = array<i32>} : memref<640xf32, #tpu.memory_space<vmem>>, vector<16xf32>,
    %swap3A_279 = vector.shape_cast %swap3A_278 : vector<16xf32> to vector<16xf32>
    %swap3A_280 = vector.shape_cast %broadcast_in_dim3A_276 : vector<16xf32> to vector<16xf32>
    tpu.vector_store %arg8[%swap3A_277], %swap3A_280 {strides = array<i32>} : memref<640xf32, #tpu.memory_space<vmem>>, vector<16xf32>,
    %broadcast_in_dim3A_281 = arith.constant 0.000000e+00 : f32
    %broadcast_in_dim3A_282 = vector.broadcast %broadcast_in_dim3A_281 : f32 to vector<16xf32>
    %swap3A_283 = arith.constant 624 : index
    %swap3A_284 = tpu.vector_load %arg8[%swap3A_283] {strides = array<i32>} : memref<640xf32, #tpu.memory_space<vmem>>, vector<16xf32>,
    %swap3A_285 = vector.shape_cast %swap3A_284 : vector<16xf32> to vector<16xf32>
    %swap3A_286 = vector.shape_cast %broadcast_in_dim3A_282 : vector<16xf32> to vector<16xf32>
    tpu.vector_store %arg8[%swap3A_283], %swap3A_286 {strides = array<i32>} : memref<640xf32, #tpu.memory_space<vmem>>, vector<16xf32>,
    %mul3A_287 = arith.constant 640 : i32
    %mul3A_288 = arith.muli %arg1, %mul3A_287 : i32
    "tpu.region"() ({
      %run_scoped3A_331 = tpu.sem_alloc : memref<!tpu.dma_semaphore, #tpu.memory_space<semaphore_mem>>
      %dma_start3A = tpu.memref_slice %arg9[%mul3A_288] : memref<10240xf32, #tpu.memory_space<vmem_shared>> -> memref<640xf32, #tpu.memory_space<vmem_shared>>
      %dma_start3A_332 = tpu.memref_slice %arg9[%mul3A_288] : memref<10240xf32, #tpu.memory_space<vmem_shared>> -> memref<640xf32, #tpu.memory_space<vmem_shared>>
      tpu.enqueue_dma source(%arg8 : memref<640xf32, #tpu.memory_space<vmem>>) target(%dma_start3A_332 : memref<640xf32, #tpu.memory_space<vmem_shared>>) target_semaphore(%run_scoped3A_331 : memref<!tpu.dma_semaphore, #tpu.memory_space<semaphore_mem>>)
      %dma_wait3A = tpu.memref_slice %arg9[%mul3A_288] : memref<10240xf32, #tpu.memory_space<vmem_shared>> -> memref<640xf32, #tpu.memory_space<vmem_shared>>
      %dma_wait3A_333 = tpu.memref_slice %arg9[%mul3A_288] : memref<10240xf32, #tpu.memory_space<vmem_shared>> -> memref<640xf32, #tpu.memory_space<vmem_shared>>
      tpu.wait_dma2 semaphore(%run_scoped3A_331 : memref<!tpu.dma_semaphore, #tpu.memory_space<semaphore_mem>>) src(%arg8 : memref<640xf32, #tpu.memory_space<vmem>>) dst(%dma_wait3A_333 : memref<640xf32, #tpu.memory_space<vmem_shared>>)
      tpu.yield
    }) : () -> ()
    %mul3A_289 = arith.constant 640 : i32
    %mul3A_290 = arith.muli %arg1, %mul3A_289 : i32
    "tpu.region"() ({
      %run_scoped3A_331 = tpu.sem_alloc : memref<!tpu.dma_semaphore, #tpu.memory_space<semaphore_mem>>
      %dma_start3A = tpu.memref_slice %arg10[%mul3A_290] : memref<10240xf32, #tpu.memory_space<vmem_shared>> -> memref<640xf32, #tpu.memory_space<vmem_shared>>
      %dma_start3A_332 = tpu.memref_slice %arg10[%mul3A_290] : memref<10240xf32, #tpu.memory_space<vmem_shared>> -> memref<640xf32, #tpu.memory_space<vmem_shared>>
      tpu.enqueue_dma source(%arg8 : memref<640xf32, #tpu.memory_space<vmem>>) target(%dma_start3A_332 : memref<640xf32, #tpu.memory_space<vmem_shared>>) target_semaphore(%run_scoped3A_331 : memref<!tpu.dma_semaphore, #tpu.memory_space<semaphore_mem>>)
      %dma_wait3A = tpu.memref_slice %arg10[%mul3A_290] : memref<10240xf32, #tpu.memory_space<vmem_shared>> -> memref<640xf32, #tpu.memory_space<vmem_shared>>
      %dma_wait3A_333 = tpu.memref_slice %arg10[%mul3A_290] : memref<10240xf32, #tpu.memory_space<vmem_shared>> -> memref<640xf32, #tpu.memory_space<vmem_shared>>
      tpu.wait_dma2 semaphore(%run_scoped3A_331 : memref<!tpu.dma_semaphore, #tpu.memory_space<semaphore_mem>>) src(%arg8 : memref<640xf32, #tpu.memory_space<vmem>>) dst(%dma_wait3A_333 : memref<640xf32, #tpu.memory_space<vmem_shared>>)
      tpu.yield
    }) : () -> ()
    %barrier3A = arith.constant 0 : index
    tpu.barrier barrier_id(%barrier3A)
    "tpu.region"() ({
      %run_scoped3A_331 = tpu.sem_alloc : memref<!tpu.dma_semaphore, #tpu.memory_space<semaphore_mem>>
      %dma_start3A = arith.constant 0 : i32
      %dma_start3A_332 = arith.constant 0 : i32
      %dma_start3A_333 = tpu.memref_slice %arg2[%add3A, %dma_start3A, %dma_start3A_332] : memref<32x40x128xi32, #tpu.memory_space<hbm>> -> memref<1x40x128xi32, #tpu.memory_space<hbm>>
      %dma_start3A_334 = tpu.memref_squeeze %dma_start3A_333 : memref<1x40x128xi32, #tpu.memory_space<hbm>> -> memref<40x128xi32, #tpu.memory_space<hbm>>
      %dma_start3A_335 = arith.constant 0 : i32
      %dma_start3A_336 = arith.constant 0 : i32
      %dma_start3A_337 = tpu.memref_slice %arg2[%add3A, %dma_start3A_335, %dma_start3A_336] : memref<32x40x128xi32, #tpu.memory_space<hbm>> -> memref<1x40x128xi32, #tpu.memory_space<hbm>>
      %dma_start3A_338 = tpu.memref_squeeze %dma_start3A_337 : memref<1x40x128xi32, #tpu.memory_space<hbm>> -> memref<40x128xi32, #tpu.memory_space<hbm>>
      tpu.enqueue_dma source(%dma_start3A_338 : memref<40x128xi32, #tpu.memory_space<hbm>>) target(%arg5 : memref<40x128xi32, #tpu.memory_space<vmem>>) target_semaphore(%run_scoped3A_331 : memref<!tpu.dma_semaphore, #tpu.memory_space<semaphore_mem>>)
      %dma_wait3A = arith.constant 0 : i32
      %dma_wait3A_339 = arith.constant 0 : i32
      %dma_wait3A_340 = tpu.memref_slice %arg2[%add3A, %dma_wait3A, %dma_wait3A_339] : memref<32x40x128xi32, #tpu.memory_space<hbm>> -> memref<1x40x128xi32, #tpu.memory_space<hbm>>
      %dma_wait3A_341 = tpu.memref_squeeze %dma_wait3A_340 : memref<1x40x128xi32, #tpu.memory_space<hbm>> -> memref<40x128xi32, #tpu.memory_space<hbm>>
      %dma_wait3A_342 = arith.constant 0 : i32
      %dma_wait3A_343 = arith.constant 0 : i32
      %dma_wait3A_344 = tpu.memref_slice %arg2[%add3A, %dma_wait3A_342, %dma_wait3A_343] : memref<32x40x128xi32, #tpu.memory_space<hbm>> -> memref<1x40x128xi32, #tpu.memory_space<hbm>>
      %dma_wait3A_345 = tpu.memref_squeeze %dma_wait3A_344 : memref<1x40x128xi32, #tpu.memory_space<hbm>> -> memref<40x128xi32, #tpu.memory_space<hbm>>
      tpu.wait_dma2 semaphore(%run_scoped3A_331 : memref<!tpu.dma_semaphore, #tpu.memory_space<semaphore_mem>>) src(%dma_wait3A_345 : memref<40x128xi32, #tpu.memory_space<hbm>>) dst(%arg5 : memref<40x128xi32, #tpu.memory_space<vmem>>)
      tpu.yield
    }) : () -> ()
    "tpu.region"() ({
      %run_scoped3A_331 = tpu.sem_alloc : memref<!tpu.dma_semaphore, #tpu.memory_space<semaphore_mem>>
      %dma_start3A = arith.constant 0 : i32
      %dma_start3A_332 = arith.constant 0 : i32
      %dma_start3A_333 = tpu.memref_slice %arg3[%add3A, %dma_start3A, %dma_start3A_332] : memref<32x40x128xi32, #tpu.memory_space<hbm>> -> memref<1x40x128xi32, #tpu.memory_space<hbm>>
      %dma_start3A_334 = tpu.memref_squeeze %dma_start3A_333 : memref<1x40x128xi32, #tpu.memory_space<hbm>> -> memref<40x128xi32, #tpu.memory_space<hbm>>
      %dma_start3A_335 = arith.constant 0 : i32
      %dma_start3A_336 = arith.constant 0 : i32
      %dma_start3A_337 = tpu.memref_slice %arg3[%add3A, %dma_start3A_335, %dma_start3A_336] : memref<32x40x128xi32, #tpu.memory_space<hbm>> -> memref<1x40x128xi32, #tpu.memory_space<hbm>>
      %dma_start3A_338 = tpu.memref_squeeze %dma_start3A_337 : memref<1x40x128xi32, #tpu.memory_space<hbm>> -> memref<40x128xi32, #tpu.memory_space<hbm>>
      tpu.enqueue_dma source(%dma_start3A_338 : memref<40x128xi32, #tpu.memory_space<hbm>>) target(%arg6 : memref<40x128xi32, #tpu.memory_space<vmem>>) target_semaphore(%run_scoped3A_331 : memref<!tpu.dma_semaphore, #tpu.memory_space<semaphore_mem>>)
      %dma_wait3A = arith.constant 0 : i32
      %dma_wait3A_339 = arith.constant 0 : i32
      %dma_wait3A_340 = tpu.memref_slice %arg3[%add3A, %dma_wait3A, %dma_wait3A_339] : memref<32x40x128xi32, #tpu.memory_space<hbm>> -> memref<1x40x128xi32, #tpu.memory_space<hbm>>
      %dma_wait3A_341 = tpu.memref_squeeze %dma_wait3A_340 : memref<1x40x128xi32, #tpu.memory_space<hbm>> -> memref<40x128xi32, #tpu.memory_space<hbm>>
      %dma_wait3A_342 = arith.constant 0 : i32
      %dma_wait3A_343 = arith.constant 0 : i32
      %dma_wait3A_344 = tpu.memref_slice %arg3[%add3A, %dma_wait3A_342, %dma_wait3A_343] : memref<32x40x128xi32, #tpu.memory_space<hbm>> -> memref<1x40x128xi32, #tpu.memory_space<hbm>>
      %dma_wait3A_345 = tpu.memref_squeeze %dma_wait3A_344 : memref<1x40x128xi32, #tpu.memory_space<hbm>> -> memref<40x128xi32, #tpu.memory_space<hbm>>
      tpu.wait_dma2 semaphore(%run_scoped3A_331 : memref<!tpu.dma_semaphore, #tpu.memory_space<semaphore_mem>>) src(%dma_wait3A_345 : memref<40x128xi32, #tpu.memory_space<hbm>>) dst(%arg6 : memref<40x128xi32, #tpu.memory_space<vmem>>)
      tpu.yield
    }) : () -> ()
    %mul3A_291 = arith.constant 5120 : i32
    %mul3A_292 = arith.muli %add3A, %mul3A_291 : i32
    %sub3A = arith.constant 160000 : i32
    %sub3A_293 = arith.subi %sub3A, %mul3A_292 : i32
    %min3A = arith.constant 5120 : i32
    %min3A_294 = arith.minsi %sub3A_293, %min3A : i32
    %jit3A = arith.constant 128 : i32
    %div3A = arith.divsi %min3A_294, %jit3A : i32
    %sign3A = arith.constant 0 : i32
    %sign3A_295 = arith.cmpi sgt, %min3A_294, %sign3A : i32
    %sign3A_296 = arith.extui %sign3A_295 : i1 to i32
    %sign3A_297 = arith.constant 0 : i32
    %sign3A_298 = arith.cmpi slt, %min3A_294, %sign3A_297 : i32
    %sign3A_299 = arith.extui %sign3A_298 : i1 to i32
    %sign3A_300 = arith.subi %sign3A_296, %sign3A_299 : i32
    %sign3A_301 = arith.constant 0 : i32
    %sign3A_302 = arith.cmpi sgt, %jit3A, %sign3A_301 : i32
    %sign3A_303 = arith.extui %sign3A_302 : i1 to i32
    %sign3A_304 = arith.constant 0 : i32
    %sign3A_305 = arith.cmpi slt, %jit3A, %sign3A_304 : i32
    %sign3A_306 = arith.extui %sign3A_305 : i1 to i32
    %sign3A_307 = arith.subi %sign3A_303, %sign3A_306 : i32
    %ne3A = arith.cmpi ne, %sign3A_300, %sign3A_307 : i32
    %rem3A = arith.remsi %min3A_294, %jit3A : i32
    %ne3A_308 = arith.constant 0 : i32
    %ne3A_309 = arith.cmpi ne, %rem3A, %ne3A_308 : i32
    %and3A = arith.andi %ne3A, %ne3A_309 : i1
    %sub3A_310 = arith.constant 1 : i32
    %sub3A_311 = arith.subi %div3A, %sub3A_310 : i32
    %select_n3A = arith.select %and3A, %sub3A_311, %div3A : i32
    %while3A = arith.constant 0 : i32
    %while3A_312 = arith.constant 0 : i32
    %while3A_313 = arith.subi %select_n3A, %while3A_312 : i32
    %while3A_314 = arith.addi %while3A_312, %while3A_313 : i32
    %while3A_315 = arith.constant 1 : i32
    %while3A_316 = arith.divsi %while3A_313, %while3A_315 : i32
    %while3A_317 = arith.muli %while3A_316, %while3A_315 : i32
    %while3A_318 = arith.addi %while3A_312, %while3A_317 : i32
    %while3A_319 = arith.constant 1 : i32
    scf.for %while3A_331 = %while3A_312 to %while3A_318 step %while3A_319  : i32 {
      "tpu.region"() ({
        %run_scoped3A_332 = tpu.sem_alloc : memref<!tpu.dma_semaphore, #tpu.memory_space<semaphore_mem>>
        %dma_start3A = arith.constant 0 : i32
        %dma_start3A_333 = tpu.memref_slice %arg6[%while3A_331, %dma_start3A] : memref<40x128xi32, #tpu.memory_space<vmem>> -> memref<1x128xi32, #tpu.memory_space<vmem>>
        %dma_start3A_334 = tpu.memref_squeeze %dma_start3A_333 : memref<1x128xi32, #tpu.memory_space<vmem>> -> memref<128xi32, #tpu.memory_space<vmem>>
        %dma_start3A_335 = arith.constant 0 : i32
        %dma_start3A_336 = tpu.memref_slice %arg9[%dma_start3A_335] : memref<10240xf32, #tpu.memory_space<vmem_shared>> -> memref<10240xf32, #tpu.memory_space<vmem_shared>>
        tpu.enqueue_indirect_dma source(%arg7 : memref<128xf32, #tpu.memory_space<vmem>>) target(%dma_start3A_336 : memref<10240xf32, #tpu.memory_space<vmem_shared>>) offsets(%dma_start3A_334 : memref<128xi32, #tpu.memory_space<vmem>>) semaphore(%run_scoped3A_332 : memref<!tpu.dma_semaphore, #tpu.memory_space<semaphore_mem>>) {add = true}
        %dma_wait3A = arith.constant 0 : i32
        %dma_wait3A_337 = tpu.memref_slice %arg6[%while3A_331, %dma_wait3A] : memref<40x128xi32, #tpu.memory_space<vmem>> -> memref<1x128xi32, #tpu.memory_space<vmem>>
        %dma_wait3A_338 = tpu.memref_squeeze %dma_wait3A_337 : memref<1x128xi32, #tpu.memory_space<vmem>> -> memref<128xi32, #tpu.memory_space<vmem>>
        %dma_wait3A_339 = arith.constant 0 : i32
        %dma_wait3A_340 = tpu.memref_slice %arg9[%dma_wait3A_339] : memref<10240xf32, #tpu.memory_space<vmem_shared>> -> memref<10240xf32, #tpu.memory_space<vmem_shared>>
        tpu.wait_indirect_dma semaphore(%run_scoped3A_332 : memref<!tpu.dma_semaphore, #tpu.memory_space<semaphore_mem>>) src(%arg7 : memref<128xf32, #tpu.memory_space<vmem>>) dst(%dma_wait3A_340 : memref<10240xf32, #tpu.memory_space<vmem_shared>>)
        tpu.yield
      }) : () -> ()
      "tpu.region"() ({
        %run_scoped3A_332 = tpu.sem_alloc : memref<!tpu.dma_semaphore, #tpu.memory_space<semaphore_mem>>
        %dma_start3A = arith.constant 0 : i32
        %dma_start3A_333 = tpu.memref_slice %arg5[%while3A_331, %dma_start3A] : memref<40x128xi32, #tpu.memory_space<vmem>> -> memref<1x128xi32, #tpu.memory_space<vmem>>
        %dma_start3A_334 = tpu.memref_squeeze %dma_start3A_333 : memref<1x128xi32, #tpu.memory_space<vmem>> -> memref<128xi32, #tpu.memory_space<vmem>>
        %dma_start3A_335 = arith.constant 0 : i32
        %dma_start3A_336 = tpu.memref_slice %arg10[%dma_start3A_335] : memref<10240xf32, #tpu.memory_space<vmem_shared>> -> memref<10240xf32, #tpu.memory_space<vmem_shared>>
        tpu.enqueue_indirect_dma source(%arg7 : memref<128xf32, #tpu.memory_space<vmem>>) target(%dma_start3A_336 : memref<10240xf32, #tpu.memory_space<vmem_shared>>) offsets(%dma_start3A_334 : memref<128xi32, #tpu.memory_space<vmem>>) semaphore(%run_scoped3A_332 : memref<!tpu.dma_semaphore, #tpu.memory_space<semaphore_mem>>) {add = true}
        %dma_wait3A = arith.constant 0 : i32
        %dma_wait3A_337 = tpu.memref_slice %arg5[%while3A_331, %dma_wait3A] : memref<40x128xi32, #tpu.memory_space<vmem>> -> memref<1x128xi32, #tpu.memory_space<vmem>>
        %dma_wait3A_338 = tpu.memref_squeeze %dma_wait3A_337 : memref<1x128xi32, #tpu.memory_space<vmem>> -> memref<128xi32, #tpu.memory_space<vmem>>
        %dma_wait3A_339 = arith.constant 0 : i32
        %dma_wait3A_340 = tpu.memref_slice %arg10[%dma_wait3A_339] : memref<10240xf32, #tpu.memory_space<vmem_shared>> -> memref<10240xf32, #tpu.memory_space<vmem_shared>>
        tpu.wait_indirect_dma semaphore(%run_scoped3A_332 : memref<!tpu.dma_semaphore, #tpu.memory_space<semaphore_mem>>) src(%arg7 : memref<128xf32, #tpu.memory_space<vmem>>) dst(%dma_wait3A_340 : memref<10240xf32, #tpu.memory_space<vmem_shared>>)
        tpu.yield
      }) : () -> ()
    }
    %while3A_320 = arith.constant 1 : i32
    scf.for %while3A_331 = %while3A_318 to %while3A_314 step %while3A_320  : i32 {
      "tpu.region"() ({
        %run_scoped3A_332 = tpu.sem_alloc : memref<!tpu.dma_semaphore, #tpu.memory_space<semaphore_mem>>
        %dma_start3A = arith.constant 0 : i32
        %dma_start3A_333 = tpu.memref_slice %arg6[%while3A_331, %dma_start3A] : memref<40x128xi32, #tpu.memory_space<vmem>> -> memref<1x128xi32, #tpu.memory_space<vmem>>
        %dma_start3A_334 = tpu.memref_squeeze %dma_start3A_333 : memref<1x128xi32, #tpu.memory_space<vmem>> -> memref<128xi32, #tpu.memory_space<vmem>>
        %dma_start3A_335 = arith.constant 0 : i32
        %dma_start3A_336 = tpu.memref_slice %arg9[%dma_start3A_335] : memref<10240xf32, #tpu.memory_space<vmem_shared>> -> memref<10240xf32, #tpu.memory_space<vmem_shared>>
        tpu.enqueue_indirect_dma source(%arg7 : memref<128xf32, #tpu.memory_space<vmem>>) target(%dma_start3A_336 : memref<10240xf32, #tpu.memory_space<vmem_shared>>) offsets(%dma_start3A_334 : memref<128xi32, #tpu.memory_space<vmem>>) semaphore(%run_scoped3A_332 : memref<!tpu.dma_semaphore, #tpu.memory_space<semaphore_mem>>) {add = true}
        %dma_wait3A = arith.constant 0 : i32
        %dma_wait3A_337 = tpu.memref_slice %arg6[%while3A_331, %dma_wait3A] : memref<40x128xi32, #tpu.memory_space<vmem>> -> memref<1x128xi32, #tpu.memory_space<vmem>>
        %dma_wait3A_338 = tpu.memref_squeeze %dma_wait3A_337 : memref<1x128xi32, #tpu.memory_space<vmem>> -> memref<128xi32, #tpu.memory_space<vmem>>
        %dma_wait3A_339 = arith.constant 0 : i32
        %dma_wait3A_340 = tpu.memref_slice %arg9[%dma_wait3A_339] : memref<10240xf32, #tpu.memory_space<vmem_shared>> -> memref<10240xf32, #tpu.memory_space<vmem_shared>>
        tpu.wait_indirect_dma semaphore(%run_scoped3A_332 : memref<!tpu.dma_semaphore, #tpu.memory_space<semaphore_mem>>) src(%arg7 : memref<128xf32, #tpu.memory_space<vmem>>) dst(%dma_wait3A_340 : memref<10240xf32, #tpu.memory_space<vmem_shared>>)
        tpu.yield
      }) : () -> ()
      "tpu.region"() ({
        %run_scoped3A_332 = tpu.sem_alloc : memref<!tpu.dma_semaphore, #tpu.memory_space<semaphore_mem>>
        %dma_start3A = arith.constant 0 : i32
        %dma_start3A_333 = tpu.memref_slice %arg5[%while3A_331, %dma_start3A] : memref<40x128xi32, #tpu.memory_space<vmem>> -> memref<1x128xi32, #tpu.memory_space<vmem>>
        %dma_start3A_334 = tpu.memref_squeeze %dma_start3A_333 : memref<1x128xi32, #tpu.memory_space<vmem>> -> memref<128xi32, #tpu.memory_space<vmem>>
        %dma_start3A_335 = arith.constant 0 : i32
        %dma_start3A_336 = tpu.memref_slice %arg10[%dma_start3A_335] : memref<10240xf32, #tpu.memory_space<vmem_shared>> -> memref<10240xf32, #tpu.memory_space<vmem_shared>>
        tpu.enqueue_indirect_dma source(%arg7 : memref<128xf32, #tpu.memory_space<vmem>>) target(%dma_start3A_336 : memref<10240xf32, #tpu.memory_space<vmem_shared>>) offsets(%dma_start3A_334 : memref<128xi32, #tpu.memory_space<vmem>>) semaphore(%run_scoped3A_332 : memref<!tpu.dma_semaphore, #tpu.memory_space<semaphore_mem>>) {add = true}
        %dma_wait3A = arith.constant 0 : i32
        %dma_wait3A_337 = tpu.memref_slice %arg5[%while3A_331, %dma_wait3A] : memref<40x128xi32, #tpu.memory_space<vmem>> -> memref<1x128xi32, #tpu.memory_space<vmem>>
        %dma_wait3A_338 = tpu.memref_squeeze %dma_wait3A_337 : memref<1x128xi32, #tpu.memory_space<vmem>> -> memref<128xi32, #tpu.memory_space<vmem>>
        %dma_wait3A_339 = arith.constant 0 : i32
        %dma_wait3A_340 = tpu.memref_slice %arg10[%dma_wait3A_339] : memref<10240xf32, #tpu.memory_space<vmem_shared>> -> memref<10240xf32, #tpu.memory_space<vmem_shared>>
        tpu.wait_indirect_dma semaphore(%run_scoped3A_332 : memref<!tpu.dma_semaphore, #tpu.memory_space<semaphore_mem>>) src(%arg7 : memref<128xf32, #tpu.memory_space<vmem>>) dst(%dma_wait3A_340 : memref<10240xf32, #tpu.memory_space<vmem_shared>>)
        tpu.yield
      }) : () -> ()
    }
    %barrier3A_321 = arith.constant 0 : index
    tpu.barrier barrier_id(%barrier3A_321)
    %mul3A_322 = arith.constant 640 : i32
    %mul3A_323 = arith.muli %arg1, %mul3A_322 : i32
    %mul3A_324 = arith.constant 640 : i32
    %mul3A_325 = arith.muli %arg1, %mul3A_324 : i32
    %run_scoped3A = arith.constant 0 : i32
    "tpu.region"() ({
      %run_scoped3A_331 = tpu.sem_alloc : memref<!tpu.dma_semaphore, #tpu.memory_space<semaphore_mem>>
      %dma_start3A = tpu.memref_slice %arg4[%arg0, %run_scoped3A, %mul3A_325] : memref<2x2x10240xf32, #tpu.memory_space<hbm>> -> memref<1x1x640xf32, #tpu.memory_space<hbm>>
      %dma_start3A_332 = tpu.memref_squeeze %dma_start3A : memref<1x1x640xf32, #tpu.memory_space<hbm>> -> memref<640xf32, #tpu.memory_space<hbm>>
      %dma_start3A_333 = tpu.memref_slice %arg9[%mul3A_323] : memref<10240xf32, #tpu.memory_space<vmem_shared>> -> memref<640xf32, #tpu.memory_space<vmem_shared>>
      tpu.enqueue_dma source(%dma_start3A_333 : memref<640xf32, #tpu.memory_space<vmem_shared>>) target(%dma_start3A_332 : memref<640xf32, #tpu.memory_space<hbm>>) target_semaphore(%run_scoped3A_331 : memref<!tpu.dma_semaphore, #tpu.memory_space<semaphore_mem>>)
      %dma_wait3A = tpu.memref_slice %arg4[%arg0, %run_scoped3A, %mul3A_325] : memref<2x2x10240xf32, #tpu.memory_space<hbm>> -> memref<1x1x640xf32, #tpu.memory_space<hbm>>
      %dma_wait3A_334 = tpu.memref_squeeze %dma_wait3A : memref<1x1x640xf32, #tpu.memory_space<hbm>> -> memref<640xf32, #tpu.memory_space<hbm>>
      %dma_wait3A_335 = tpu.memref_slice %arg9[%mul3A_323] : memref<10240xf32, #tpu.memory_space<vmem_shared>> -> memref<640xf32, #tpu.memory_space<vmem_shared>>
      tpu.wait_dma2 semaphore(%run_scoped3A_331 : memref<!tpu.dma_semaphore, #tpu.memory_space<semaphore_mem>>) src(%dma_wait3A_335 : memref<640xf32, #tpu.memory_space<vmem_shared>>) dst(%dma_wait3A_334 : memref<640xf32, #tpu.memory_space<hbm>>)
      tpu.yield
    }) : () -> ()
    %mul3A_326 = arith.constant 640 : i32
    %mul3A_327 = arith.muli %arg1, %mul3A_326 : i32
    %mul3A_328 = arith.constant 640 : i32
    %mul3A_329 = arith.muli %arg1, %mul3A_328 : i32
    %run_scoped3A_330 = arith.constant 1 : i32
    "tpu.region"() ({
      %run_scoped3A_331 = tpu.sem_alloc : memref<!tpu.dma_semaphore, #tpu.memory_space<semaphore_mem>>
      %dma_start3A = tpu.memref_slice %arg4[%arg0, %run_scoped3A_330, %mul3A_329] : memref<2x2x10240xf32, #tpu.memory_space<hbm>> -> memref<1x1x640xf32, #tpu.memory_space<hbm>>
      %dma_start3A_332 = tpu.memref_squeeze %dma_start3A : memref<1x1x640xf32, #tpu.memory_space<hbm>> -> memref<640xf32, #tpu.memory_space<hbm>>
      %dma_start3A_333 = tpu.memref_slice %arg10[%mul3A_327] : memref<10240xf32, #tpu.memory_space<vmem_shared>> -> memref<640xf32, #tpu.memory_space<vmem_shared>>
      tpu.enqueue_dma source(%dma_start3A_333 : memref<640xf32, #tpu.memory_space<vmem_shared>>) target(%dma_start3A_332 : memref<640xf32, #tpu.memory_space<hbm>>) target_semaphore(%run_scoped3A_331 : memref<!tpu.dma_semaphore, #tpu.memory_space<semaphore_mem>>)
      %dma_wait3A = tpu.memref_slice %arg4[%arg0, %run_scoped3A_330, %mul3A_329] : memref<2x2x10240xf32, #tpu.memory_space<hbm>> -> memref<1x1x640xf32, #tpu.memory_space<hbm>>
      %dma_wait3A_334 = tpu.memref_squeeze %dma_wait3A : memref<1x1x640xf32, #tpu.memory_space<hbm>> -> memref<640xf32, #tpu.memory_space<hbm>>
      %dma_wait3A_335 = tpu.memref_slice %arg10[%mul3A_327] : memref<10240xf32, #tpu.memory_space<vmem_shared>> -> memref<640xf32, #tpu.memory_space<vmem_shared>>
      tpu.wait_dma2 semaphore(%run_scoped3A_331 : memref<!tpu.dma_semaphore, #tpu.memory_space<semaphore_mem>>) src(%dma_wait3A_335 : memref<640xf32, #tpu.memory_space<vmem_shared>>) dst(%dma_wait3A_334 : memref<640xf32, #tpu.memory_space<hbm>>)
      tpu.yield
    }) : () -> ()
    return
  }
}

#map = affine_map<(d0, d1) -> (0, 0, 0, 0)>
#map1 = affine_map<(d0, d1) -> (0, 0, 0)>
#map2 = affine_map<(d0, d1) -> (0, 0)>
module attributes {stable_mosaic.version = 14 : i64} {
  func.func @_scatter_kernel(%arg0: i32, %arg1: i32, %arg2: memref<2x16x80x128xi32, #tpu.memory_space<hbm>>, %arg3: memref<16x80x128xi32, #tpu.memory_space<hbm>>, %arg4: memref<20000x128xf32, #tpu.memory_space<hbm>>, %arg5: memref<160000x256xf32, #tpu.memory_space<hbm>>, %arg6: memref<2x10240x128xf32, #tpu.memory_space<hbm>>, %arg7: memref<8x128xi32, #tpu.memory_space<vmem>>, %arg8: memref<8x128xi32, #tpu.memory_space<vmem>>, %arg9: memref<128x128xf32, #tpu.memory_space<vmem>>, %arg10: memref<128x128xf32, #tpu.memory_space<vmem>>, %arg11: memref<10240x128xf32, #tpu.memory_space<vmem_shared>>, %arg12: memref<!tpu.dma_semaphore, #tpu.memory_space<semaphore_mem>>) attributes {dimension_semantics = [#tpu.dimension_semantics<core_parallel>, #tpu.dimension_semantics<subcore_parallel>], iteration_bounds = array<i64: 2, 16>, scalar_prefetch = 0 : i64, scratch_operands = 6 : i64, tpu.core_type = #tpu.core_type<sc_vector_subcore>, window_params = [{transform_indices = #map}, {transform_indices = #map1}, {transform_indices = #map2}, {transform_indices = #map2}, {transform_indices = #map1}]} {
    %scan3A = arith.constant 0 : i32
    %scan3A_0 = arith.constant 0 : i32
    %scan3A_1 = arith.constant 128 : i32
    %scan3A_2 = arith.addi %scan3A_0, %scan3A_1 : i32
    %scan3A_3 = arith.constant 1 : i32
    scf.for %scan3A_72 = %scan3A_0 to %scan3A_2 step %scan3A_3  : i32 {
      %broadcast_in_dim3A = arith.constant 0.000000e+00 : f32
      %broadcast_in_dim3A_73 = vector.broadcast %broadcast_in_dim3A : f32 to vector<16xf32>
      %swap3A = arith.index_cast %scan3A_72 : i32 to index
      %swap3A_74 = arith.constant 0 : index
      %swap3A_75 = tpu.vector_load %arg10[%swap3A, %swap3A_74] {strides = array<i32>} : memref<128x128xf32, #tpu.memory_space<vmem>>, vector<1x16xf32>,
      %swap3A_76 = vector.shape_cast %swap3A_75 : vector<1x16xf32> to vector<16xf32>
      %swap3A_77 = vector.shape_cast %broadcast_in_dim3A_73 : vector<16xf32> to vector<1x16xf32>
      tpu.vector_store %arg10[%swap3A, %swap3A_74], %swap3A_77 {strides = array<i32>} : memref<128x128xf32, #tpu.memory_space<vmem>>, vector<1x16xf32>,
      %broadcast_in_dim3A_78 = arith.constant 0.000000e+00 : f32
      %broadcast_in_dim3A_79 = vector.broadcast %broadcast_in_dim3A_78 : f32 to vector<16xf32>
      %swap3A_80 = arith.index_cast %scan3A_72 : i32 to index
      %swap3A_81 = arith.constant 16 : index
      %swap3A_82 = tpu.vector_load %arg10[%swap3A_80, %swap3A_81] {strides = array<i32>} : memref<128x128xf32, #tpu.memory_space<vmem>>, vector<1x16xf32>,
      %swap3A_83 = vector.shape_cast %swap3A_82 : vector<1x16xf32> to vector<16xf32>
      %swap3A_84 = vector.shape_cast %broadcast_in_dim3A_79 : vector<16xf32> to vector<1x16xf32>
      tpu.vector_store %arg10[%swap3A_80, %swap3A_81], %swap3A_84 {strides = array<i32>} : memref<128x128xf32, #tpu.memory_space<vmem>>, vector<1x16xf32>,
      %broadcast_in_dim3A_85 = arith.constant 0.000000e+00 : f32
      %broadcast_in_dim3A_86 = vector.broadcast %broadcast_in_dim3A_85 : f32 to vector<16xf32>
      %swap3A_87 = arith.index_cast %scan3A_72 : i32 to index
      %swap3A_88 = arith.constant 32 : index
      %swap3A_89 = tpu.vector_load %arg10[%swap3A_87, %swap3A_88] {strides = array<i32>} : memref<128x128xf32, #tpu.memory_space<vmem>>, vector<1x16xf32>,
      %swap3A_90 = vector.shape_cast %swap3A_89 : vector<1x16xf32> to vector<16xf32>
      %swap3A_91 = vector.shape_cast %broadcast_in_dim3A_86 : vector<16xf32> to vector<1x16xf32>
      tpu.vector_store %arg10[%swap3A_87, %swap3A_88], %swap3A_91 {strides = array<i32>} : memref<128x128xf32, #tpu.memory_space<vmem>>, vector<1x16xf32>,
      %broadcast_in_dim3A_92 = arith.constant 0.000000e+00 : f32
      %broadcast_in_dim3A_93 = vector.broadcast %broadcast_in_dim3A_92 : f32 to vector<16xf32>
      %swap3A_94 = arith.index_cast %scan3A_72 : i32 to index
      %swap3A_95 = arith.constant 48 : index
      %swap3A_96 = tpu.vector_load %arg10[%swap3A_94, %swap3A_95] {strides = array<i32>} : memref<128x128xf32, #tpu.memory_space<vmem>>, vector<1x16xf32>,
      %swap3A_97 = vector.shape_cast %swap3A_96 : vector<1x16xf32> to vector<16xf32>
      %swap3A_98 = vector.shape_cast %broadcast_in_dim3A_93 : vector<16xf32> to vector<1x16xf32>
      tpu.vector_store %arg10[%swap3A_94, %swap3A_95], %swap3A_98 {strides = array<i32>} : memref<128x128xf32, #tpu.memory_space<vmem>>, vector<1x16xf32>,
      %broadcast_in_dim3A_99 = arith.constant 0.000000e+00 : f32
      %broadcast_in_dim3A_100 = vector.broadcast %broadcast_in_dim3A_99 : f32 to vector<16xf32>
      %swap3A_101 = arith.index_cast %scan3A_72 : i32 to index
      %swap3A_102 = arith.constant 64 : index
      %swap3A_103 = tpu.vector_load %arg10[%swap3A_101, %swap3A_102] {strides = array<i32>} : memref<128x128xf32, #tpu.memory_space<vmem>>, vector<1x16xf32>,
      %swap3A_104 = vector.shape_cast %swap3A_103 : vector<1x16xf32> to vector<16xf32>
      %swap3A_105 = vector.shape_cast %broadcast_in_dim3A_100 : vector<16xf32> to vector<1x16xf32>
      tpu.vector_store %arg10[%swap3A_101, %swap3A_102], %swap3A_105 {strides = array<i32>} : memref<128x128xf32, #tpu.memory_space<vmem>>, vector<1x16xf32>,
      %broadcast_in_dim3A_106 = arith.constant 0.000000e+00 : f32
      %broadcast_in_dim3A_107 = vector.broadcast %broadcast_in_dim3A_106 : f32 to vector<16xf32>
      %swap3A_108 = arith.index_cast %scan3A_72 : i32 to index
      %swap3A_109 = arith.constant 80 : index
      %swap3A_110 = tpu.vector_load %arg10[%swap3A_108, %swap3A_109] {strides = array<i32>} : memref<128x128xf32, #tpu.memory_space<vmem>>, vector<1x16xf32>,
      %swap3A_111 = vector.shape_cast %swap3A_110 : vector<1x16xf32> to vector<16xf32>
      %swap3A_112 = vector.shape_cast %broadcast_in_dim3A_107 : vector<16xf32> to vector<1x16xf32>
      tpu.vector_store %arg10[%swap3A_108, %swap3A_109], %swap3A_112 {strides = array<i32>} : memref<128x128xf32, #tpu.memory_space<vmem>>, vector<1x16xf32>,
      %broadcast_in_dim3A_113 = arith.constant 0.000000e+00 : f32
      %broadcast_in_dim3A_114 = vector.broadcast %broadcast_in_dim3A_113 : f32 to vector<16xf32>
      %swap3A_115 = arith.index_cast %scan3A_72 : i32 to index
      %swap3A_116 = arith.constant 96 : index
      %swap3A_117 = tpu.vector_load %arg10[%swap3A_115, %swap3A_116] {strides = array<i32>} : memref<128x128xf32, #tpu.memory_space<vmem>>, vector<1x16xf32>,
      %swap3A_118 = vector.shape_cast %swap3A_117 : vector<1x16xf32> to vector<16xf32>
      %swap3A_119 = vector.shape_cast %broadcast_in_dim3A_114 : vector<16xf32> to vector<1x16xf32>
      tpu.vector_store %arg10[%swap3A_115, %swap3A_116], %swap3A_119 {strides = array<i32>} : memref<128x128xf32, #tpu.memory_space<vmem>>, vector<1x16xf32>,
      %broadcast_in_dim3A_120 = arith.constant 0.000000e+00 : f32
      %broadcast_in_dim3A_121 = vector.broadcast %broadcast_in_dim3A_120 : f32 to vector<16xf32>
      %swap3A_122 = arith.index_cast %scan3A_72 : i32 to index
      %swap3A_123 = arith.constant 112 : index
      %swap3A_124 = tpu.vector_load %arg10[%swap3A_122, %swap3A_123] {strides = array<i32>} : memref<128x128xf32, #tpu.memory_space<vmem>>, vector<1x16xf32>,
      %swap3A_125 = vector.shape_cast %swap3A_124 : vector<1x16xf32> to vector<16xf32>
      %swap3A_126 = vector.shape_cast %broadcast_in_dim3A_121 : vector<16xf32> to vector<1x16xf32>
      tpu.vector_store %arg10[%swap3A_122, %swap3A_123], %swap3A_126 {strides = array<i32>} : memref<128x128xf32, #tpu.memory_space<vmem>>, vector<1x16xf32>,
    }
    %scan3A_4 = arith.constant 128 : i32
    %scan3A_5 = arith.constant 0 : i32
    %scan3A_6 = arith.constant 0 : i32
    %scan3A_7 = arith.constant 5 : i32
    %scan3A_8 = arith.addi %scan3A_6, %scan3A_7 : i32
    %scan3A_9 = arith.constant 1 : i32
    scf.for %scan3A_72 = %scan3A_6 to %scan3A_8 step %scan3A_9  : i32 {
      %mul3A_73 = arith.constant 640 : i32
      %mul3A_74 = arith.muli %arg1, %mul3A_73 : i32
      %mul3A_75 = arith.constant 128 : i32
      %mul3A_76 = arith.muli %scan3A_72, %mul3A_75 : i32
      %add3A_77 = arith.addi %mul3A_74, %mul3A_76 : i32
      "tpu.region"() ({
        %run_scoped3A = tpu.sem_alloc : memref<!tpu.dma_semaphore, #tpu.memory_space<semaphore_mem>>
        %dma_start3A = arith.constant 0 : i32
        %dma_start3A_78 = tpu.memref_slice %arg11[%add3A_77, %dma_start3A] : memref<10240x128xf32, #tpu.memory_space<vmem_shared>> -> memref<128x128xf32, #tpu.memory_space<vmem_shared>>
        %dma_start3A_79 = arith.constant 0 : i32
        %dma_start3A_80 = tpu.memref_slice %arg11[%add3A_77, %dma_start3A_79] : memref<10240x128xf32, #tpu.memory_space<vmem_shared>> -> memref<128x128xf32, #tpu.memory_space<vmem_shared>>
        tpu.enqueue_dma source(%arg10 : memref<128x128xf32, #tpu.memory_space<vmem>>) target(%dma_start3A_80 : memref<128x128xf32, #tpu.memory_space<vmem_shared>>) target_semaphore(%run_scoped3A : memref<!tpu.dma_semaphore, #tpu.memory_space<semaphore_mem>>)
        %dma_wait3A = arith.constant 0 : i32
        %dma_wait3A_81 = tpu.memref_slice %arg11[%add3A_77, %dma_wait3A] : memref<10240x128xf32, #tpu.memory_space<vmem_shared>> -> memref<128x128xf32, #tpu.memory_space<vmem_shared>>
        %dma_wait3A_82 = arith.constant 0 : i32
        %dma_wait3A_83 = tpu.memref_slice %arg11[%add3A_77, %dma_wait3A_82] : memref<10240x128xf32, #tpu.memory_space<vmem_shared>> -> memref<128x128xf32, #tpu.memory_space<vmem_shared>>
        tpu.wait_dma2 semaphore(%run_scoped3A : memref<!tpu.dma_semaphore, #tpu.memory_space<semaphore_mem>>) src(%arg10 : memref<128x128xf32, #tpu.memory_space<vmem>>) dst(%dma_wait3A_83 : memref<128x128xf32, #tpu.memory_space<vmem_shared>>)
        tpu.yield
      }) : () -> ()
    }
    %scan3A_10 = arith.constant 5 : i32
    %barrier3A = arith.constant 0 : index
    tpu.barrier barrier_id(%barrier3A)
    %mul3A = arith.constant 10112 : i32
    %mul3A_11 = arith.muli %arg1, %mul3A : i32
    %sub3A = arith.constant 160000 : i32
    %sub3A_12 = arith.subi %sub3A, %mul3A_11 : i32
    %min3A = arith.constant 10112 : i32
    %min3A_13 = arith.minsi %sub3A_12, %min3A : i32
    %jit3A = arith.constant 128 : i32
    %div3A = arith.divsi %min3A_13, %jit3A : i32
    %sign3A = arith.constant 0 : i32
    %sign3A_14 = arith.cmpi sgt, %min3A_13, %sign3A : i32
    %sign3A_15 = arith.extui %sign3A_14 : i1 to i32
    %sign3A_16 = arith.constant 0 : i32
    %sign3A_17 = arith.cmpi slt, %min3A_13, %sign3A_16 : i32
    %sign3A_18 = arith.extui %sign3A_17 : i1 to i32
    %sign3A_19 = arith.subi %sign3A_15, %sign3A_18 : i32
    %sign3A_20 = arith.constant 0 : i32
    %sign3A_21 = arith.cmpi sgt, %jit3A, %sign3A_20 : i32
    %sign3A_22 = arith.extui %sign3A_21 : i1 to i32
    %sign3A_23 = arith.constant 0 : i32
    %sign3A_24 = arith.cmpi slt, %jit3A, %sign3A_23 : i32
    %sign3A_25 = arith.extui %sign3A_24 : i1 to i32
    %sign3A_26 = arith.subi %sign3A_22, %sign3A_25 : i32
    %ne3A = arith.cmpi ne, %sign3A_19, %sign3A_26 : i32
    %rem3A = arith.remsi %min3A_13, %jit3A : i32
    %ne3A_27 = arith.constant 0 : i32
    %ne3A_28 = arith.cmpi ne, %rem3A, %ne3A_27 : i32
    %and3A = arith.andi %ne3A, %ne3A_28 : i1
    %sub3A_29 = arith.constant 1 : i32
    %sub3A_30 = arith.subi %div3A, %sub3A_29 : i32
    %select_n3A = arith.select %and3A, %sub3A_30, %div3A : i32
    %add3A = arith.constant 8 : i32
    %add3A_31 = arith.addi %select_n3A, %add3A : i32
    %sub3A_32 = arith.constant 1 : i32
    %sub3A_33 = arith.subi %add3A_31, %sub3A_32 : i32
    %jit3A_34 = arith.constant 8 : i32
    %div3A_35 = arith.divsi %sub3A_33, %jit3A_34 : i32
    %sign3A_36 = arith.constant 0 : i32
    %sign3A_37 = arith.cmpi sgt, %sub3A_33, %sign3A_36 : i32
    %sign3A_38 = arith.extui %sign3A_37 : i1 to i32
    %sign3A_39 = arith.constant 0 : i32
    %sign3A_40 = arith.cmpi slt, %sub3A_33, %sign3A_39 : i32
    %sign3A_41 = arith.extui %sign3A_40 : i1 to i32
    %sign3A_42 = arith.subi %sign3A_38, %sign3A_41 : i32
    %sign3A_43 = arith.constant 0 : i32
    %sign3A_44 = arith.cmpi sgt, %jit3A_34, %sign3A_43 : i32
    %sign3A_45 = arith.extui %sign3A_44 : i1 to i32
    %sign3A_46 = arith.constant 0 : i32
    %sign3A_47 = arith.cmpi slt, %jit3A_34, %sign3A_46 : i32
    %sign3A_48 = arith.extui %sign3A_47 : i1 to i32
    %sign3A_49 = arith.subi %sign3A_45, %sign3A_48 : i32
    %ne3A_50 = arith.cmpi ne, %sign3A_42, %sign3A_49 : i32
    %rem3A_51 = arith.remsi %sub3A_33, %jit3A_34 : i32
    %ne3A_52 = arith.constant 0 : i32
    %ne3A_53 = arith.cmpi ne, %rem3A_51, %ne3A_52 : i32
    %and3A_54 = arith.andi %ne3A_50, %ne3A_53 : i1
    %sub3A_55 = arith.constant 1 : i32
    %sub3A_56 = arith.subi %div3A_35, %sub3A_55 : i32
    %select_n3A_57 = arith.select %and3A_54, %sub3A_56, %div3A_35 : i32
    %while3A = arith.constant 0 : i32
    %while3A_58 = arith.constant 0 : i32
    %while3A_59 = arith.subi %select_n3A_57, %while3A_58 : i32
    %while3A_60 = arith.addi %while3A_58, %while3A_59 : i32
    %while3A_61 = arith.constant 1 : i32
    %while3A_62 = arith.divsi %while3A_59, %while3A_61 : i32
    %while3A_63 = arith.muli %while3A_62, %while3A_61 : i32
    %while3A_64 = arith.addi %while3A_58, %while3A_63 : i32
    %while3A_65 = arith.constant 1 : i32
    scf.for %while3A_72 = %while3A_58 to %while3A_64 step %while3A_65  : i32 {
      %mul3A_73 = arith.constant 8 : i32
      %mul3A_74 = arith.muli %while3A_72, %mul3A_73 : i32
      "tpu.region"() ({
        %run_scoped3A = tpu.sem_alloc : memref<!tpu.dma_semaphore, #tpu.memory_space<semaphore_mem>>
        %dma_start3A = arith.constant 0 : i32
        %dma_start3A_92 = tpu.memref_slice %arg2[%arg0, %arg1, %mul3A_74, %dma_start3A] : memref<2x16x80x128xi32, #tpu.memory_space<hbm>> -> memref<1x1x8x128xi32, #tpu.memory_space<hbm>>
        %dma_start3A_93 = tpu.memref_squeeze %dma_start3A_92 : memref<1x1x8x128xi32, #tpu.memory_space<hbm>> -> memref<8x128xi32, #tpu.memory_space<hbm>>
        %dma_start3A_94 = arith.constant 0 : i32
        %dma_start3A_95 = tpu.memref_slice %arg2[%arg0, %arg1, %mul3A_74, %dma_start3A_94] : memref<2x16x80x128xi32, #tpu.memory_space<hbm>> -> memref<1x1x8x128xi32, #tpu.memory_space<hbm>>
        %dma_start3A_96 = tpu.memref_squeeze %dma_start3A_95 : memref<1x1x8x128xi32, #tpu.memory_space<hbm>> -> memref<8x128xi32, #tpu.memory_space<hbm>>
        tpu.enqueue_dma source(%dma_start3A_96 : memref<8x128xi32, #tpu.memory_space<hbm>>) target(%arg7 : memref<8x128xi32, #tpu.memory_space<vmem>>) target_semaphore(%run_scoped3A : memref<!tpu.dma_semaphore, #tpu.memory_space<semaphore_mem>>)
        %dma_wait3A = arith.constant 0 : i32
        %dma_wait3A_97 = tpu.memref_slice %arg2[%arg0, %arg1, %mul3A_74, %dma_wait3A] : memref<2x16x80x128xi32, #tpu.memory_space<hbm>> -> memref<1x1x8x128xi32, #tpu.memory_space<hbm>>
        %dma_wait3A_98 = tpu.memref_squeeze %dma_wait3A_97 : memref<1x1x8x128xi32, #tpu.memory_space<hbm>> -> memref<8x128xi32, #tpu.memory_space<hbm>>
        %dma_wait3A_99 = arith.constant 0 : i32
        %dma_wait3A_100 = tpu.memref_slice %arg2[%arg0, %arg1, %mul3A_74, %dma_wait3A_99] : memref<2x16x80x128xi32, #tpu.memory_space<hbm>> -> memref<1x1x8x128xi32, #tpu.memory_space<hbm>>
        %dma_wait3A_101 = tpu.memref_squeeze %dma_wait3A_100 : memref<1x1x8x128xi32, #tpu.memory_space<hbm>> -> memref<8x128xi32, #tpu.memory_space<hbm>>
        tpu.wait_dma2 semaphore(%run_scoped3A : memref<!tpu.dma_semaphore, #tpu.memory_space<semaphore_mem>>) src(%dma_wait3A_101 : memref<8x128xi32, #tpu.memory_space<hbm>>) dst(%arg7 : memref<8x128xi32, #tpu.memory_space<vmem>>)
        tpu.yield
      }) : () -> ()
      %mul3A_75 = arith.constant 8 : i32
      %mul3A_76 = arith.muli %while3A_72, %mul3A_75 : i32
      "tpu.region"() ({
        %run_scoped3A = tpu.sem_alloc : memref<!tpu.dma_semaphore, #tpu.memory_space<semaphore_mem>>
        %dma_start3A = arith.constant 0 : i32
        %dma_start3A_92 = tpu.memref_slice %arg3[%arg1, %mul3A_76, %dma_start3A] : memref<16x80x128xi32, #tpu.memory_space<hbm>> -> memref<1x8x128xi32, #tpu.memory_space<hbm>>
        %dma_start3A_93 = tpu.memref_squeeze %dma_start3A_92 : memref<1x8x128xi32, #tpu.memory_space<hbm>> -> memref<8x128xi32, #tpu.memory_space<hbm>>
        %dma_start3A_94 = arith.constant 0 : i32
        %dma_start3A_95 = tpu.memref_slice %arg3[%arg1, %mul3A_76, %dma_start3A_94] : memref<16x80x128xi32, #tpu.memory_space<hbm>> -> memref<1x8x128xi32, #tpu.memory_space<hbm>>
        %dma_start3A_96 = tpu.memref_squeeze %dma_start3A_95 : memref<1x8x128xi32, #tpu.memory_space<hbm>> -> memref<8x128xi32, #tpu.memory_space<hbm>>
        tpu.enqueue_dma source(%dma_start3A_96 : memref<8x128xi32, #tpu.memory_space<hbm>>) target(%arg8 : memref<8x128xi32, #tpu.memory_space<vmem>>) target_semaphore(%run_scoped3A : memref<!tpu.dma_semaphore, #tpu.memory_space<semaphore_mem>>)
        %dma_wait3A = arith.constant 0 : i32
        %dma_wait3A_97 = tpu.memref_slice %arg3[%arg1, %mul3A_76, %dma_wait3A] : memref<16x80x128xi32, #tpu.memory_space<hbm>> -> memref<1x8x128xi32, #tpu.memory_space<hbm>>
        %dma_wait3A_98 = tpu.memref_squeeze %dma_wait3A_97 : memref<1x8x128xi32, #tpu.memory_space<hbm>> -> memref<8x128xi32, #tpu.memory_space<hbm>>
        %dma_wait3A_99 = arith.constant 0 : i32
        %dma_wait3A_100 = tpu.memref_slice %arg3[%arg1, %mul3A_76, %dma_wait3A_99] : memref<16x80x128xi32, #tpu.memory_space<hbm>> -> memref<1x8x128xi32, #tpu.memory_space<hbm>>
        %dma_wait3A_101 = tpu.memref_squeeze %dma_wait3A_100 : memref<1x8x128xi32, #tpu.memory_space<hbm>> -> memref<8x128xi32, #tpu.memory_space<hbm>>
        tpu.wait_dma2 semaphore(%run_scoped3A : memref<!tpu.dma_semaphore, #tpu.memory_space<semaphore_mem>>) src(%dma_wait3A_101 : memref<8x128xi32, #tpu.memory_space<hbm>>) dst(%arg8 : memref<8x128xi32, #tpu.memory_space<vmem>>)
        tpu.yield
      }) : () -> ()
      %mul3A_77 = arith.constant 8 : i32
      %mul3A_78 = arith.muli %while3A_72, %mul3A_77 : i32
      %sub3A_79 = arith.subi %select_n3A, %mul3A_78 : i32
      %min3A_80 = arith.constant 8 : i32
      %min3A_81 = arith.minsi %sub3A_79, %min3A_80 : i32
      %while3A_82 = arith.constant 0 : i32
      %while3A_83 = arith.constant 0 : i32
      %while3A_84 = arith.subi %min3A_81, %while3A_83 : i32
      %while3A_85 = arith.addi %while3A_83, %while3A_84 : i32
      %while3A_86 = arith.constant 1 : i32
      %while3A_87 = arith.divsi %while3A_84, %while3A_86 : i32
      %while3A_88 = arith.muli %while3A_87, %while3A_86 : i32
      %while3A_89 = arith.addi %while3A_83, %while3A_88 : i32
      %while3A_90 = arith.constant 1 : i32
      scf.for %while3A_92 = %while3A_83 to %while3A_89 step %while3A_90  : i32 {
        %mul3A_93 = arith.constant 8 : i32
        %mul3A_94 = arith.muli %while3A_72, %mul3A_93 : i32
        %add3A_95 = arith.addi %mul3A_94, %while3A_92 : i32
        %dma_start3A = arith.constant 0 : i32
        %dma_start3A_96 = tpu.memref_slice %arg7[%while3A_92, %dma_start3A] : memref<8x128xi32, #tpu.memory_space<vmem>> -> memref<1x128xi32, #tpu.memory_space<vmem>>
        %dma_start3A_97 = tpu.memref_squeeze %dma_start3A_96 : memref<1x128xi32, #tpu.memory_space<vmem>> -> memref<128xi32, #tpu.memory_space<vmem>>
        %dma_start3A_98 = arith.constant 0 : i32
        %dma_start3A_99 = arith.constant 0 : i32
        %dma_start3A_100 = tpu.memref_slice %arg4[%dma_start3A_98, %dma_start3A_99] : memref<20000x128xf32, #tpu.memory_space<hbm>> -> memref<20000x128xf32, #tpu.memory_space<hbm>>
        tpu.enqueue_indirect_dma source(%dma_start3A_100 : memref<20000x128xf32, #tpu.memory_space<hbm>>) target(%arg9 : memref<128x128xf32, #tpu.memory_space<vmem>>) offsets(%dma_start3A_97 : memref<128xi32, #tpu.memory_space<vmem>>) semaphore(%arg12 : memref<!tpu.dma_semaphore, #tpu.memory_space<semaphore_mem>>)
        %dma_wait3A = arith.constant 0 : i32
        %dma_wait3A_101 = tpu.memref_slice %arg7[%while3A_92, %dma_wait3A] : memref<8x128xi32, #tpu.memory_space<vmem>> -> memref<1x128xi32, #tpu.memory_space<vmem>>
        %dma_wait3A_102 = tpu.memref_squeeze %dma_wait3A_101 : memref<1x128xi32, #tpu.memory_space<vmem>> -> memref<128xi32, #tpu.memory_space<vmem>>
        %dma_wait3A_103 = arith.constant 0 : i32
        %dma_wait3A_104 = arith.constant 0 : i32
        %dma_wait3A_105 = tpu.memref_slice %arg4[%dma_wait3A_103, %dma_wait3A_104] : memref<20000x128xf32, #tpu.memory_space<hbm>> -> memref<20000x128xf32, #tpu.memory_space<hbm>>
        tpu.wait_indirect_dma semaphore(%arg12 : memref<!tpu.dma_semaphore, #tpu.memory_space<semaphore_mem>>) src(%dma_wait3A_105 : memref<20000x128xf32, #tpu.memory_space<hbm>>) dst(%arg9 : memref<128x128xf32, #tpu.memory_space<vmem>>)
        %mul3A_106 = arith.constant 10112 : i32
        %mul3A_107 = arith.muli %arg1, %mul3A_106 : i32
        %mul3A_108 = arith.constant 128 : i32
        %mul3A_109 = arith.muli %add3A_95, %mul3A_108 : i32
        %add3A_110 = arith.addi %mul3A_107, %mul3A_109 : i32
        %mul3A_111 = arith.constant 128 : i32
        %mul3A_112 = arith.muli %arg0, %mul3A_111 : i32
        "tpu.region"() ({
          %run_scoped3A = tpu.sem_alloc : memref<!tpu.dma_semaphore, #tpu.memory_space<semaphore_mem>>
          %dma_start3A_119 = tpu.memref_slice %arg5[%add3A_110, %mul3A_112] : memref<160000x256xf32, #tpu.memory_space<hbm>> -> memref<128x128xf32, #tpu.memory_space<hbm>>
          %dma_start3A_120 = tpu.memref_slice %arg5[%add3A_110, %mul3A_112] : memref<160000x256xf32, #tpu.memory_space<hbm>> -> memref<128x128xf32, #tpu.memory_space<hbm>>
          tpu.enqueue_dma source(%dma_start3A_120 : memref<128x128xf32, #tpu.memory_space<hbm>>) target(%arg10 : memref<128x128xf32, #tpu.memory_space<vmem>>) target_semaphore(%run_scoped3A : memref<!tpu.dma_semaphore, #tpu.memory_space<semaphore_mem>>)
          %dma_wait3A_121 = tpu.memref_slice %arg5[%add3A_110, %mul3A_112] : memref<160000x256xf32, #tpu.memory_space<hbm>> -> memref<128x128xf32, #tpu.memory_space<hbm>>
          %dma_wait3A_122 = tpu.memref_slice %arg5[%add3A_110, %mul3A_112] : memref<160000x256xf32, #tpu.memory_space<hbm>> -> memref<128x128xf32, #tpu.memory_space<hbm>>
          tpu.wait_dma2 semaphore(%run_scoped3A : memref<!tpu.dma_semaphore, #tpu.memory_space<semaphore_mem>>) src(%dma_wait3A_122 : memref<128x128xf32, #tpu.memory_space<hbm>>) dst(%arg10 : memref<128x128xf32, #tpu.memory_space<vmem>>)
          tpu.yield
        }) : () -> ()
        %scan3A_113 = arith.constant 0 : i32
        %scan3A_114 = arith.constant 0 : i32
        %scan3A_115 = arith.constant 128 : i32
        %scan3A_116 = arith.addi %scan3A_114, %scan3A_115 : i32
        %scan3A_117 = arith.constant 1 : i32
        scf.for %scan3A_119 = %scan3A_114 to %scan3A_116 step %scan3A_117  : i32 {
          %get3A = arith.index_cast %scan3A_119 : i32 to index
          %get3A_120 = arith.constant 0 : index
          %get3A_121 = tpu.vector_load %arg9[%get3A, %get3A_120] {strides = array<i32>} : memref<128x128xf32, #tpu.memory_space<vmem>>, vector<1x16xf32>,
          %get3A_122 = vector.shape_cast %get3A_121 : vector<1x16xf32> to vector<16xf32>
          %get3A_123 = arith.index_cast %scan3A_119 : i32 to index
          %get3A_124 = arith.constant 0 : index
          %get3A_125 = tpu.vector_load %arg10[%get3A_123, %get3A_124] {strides = array<i32>} : memref<128x128xf32, #tpu.memory_space<vmem>>, vector<1x16xf32>,
          %get3A_126 = vector.shape_cast %get3A_125 : vector<1x16xf32> to vector<16xf32>
          %mul3A_127 = arith.mulf %get3A_122, %get3A_126 : vector<16xf32>
          %swap3A = arith.index_cast %scan3A_119 : i32 to index
          %swap3A_128 = arith.constant 0 : index
          %swap3A_129 = tpu.vector_load %arg9[%swap3A, %swap3A_128] {strides = array<i32>} : memref<128x128xf32, #tpu.memory_space<vmem>>, vector<1x16xf32>,
          %swap3A_130 = vector.shape_cast %swap3A_129 : vector<1x16xf32> to vector<16xf32>
          %swap3A_131 = vector.shape_cast %mul3A_127 : vector<16xf32> to vector<1x16xf32>
          tpu.vector_store %arg9[%swap3A, %swap3A_128], %swap3A_131 {strides = array<i32>} : memref<128x128xf32, #tpu.memory_space<vmem>>, vector<1x16xf32>,
          %get3A_132 = arith.index_cast %scan3A_119 : i32 to index
          %get3A_133 = arith.constant 16 : index
          %get3A_134 = tpu.vector_load %arg9[%get3A_132, %get3A_133] {strides = array<i32>} : memref<128x128xf32, #tpu.memory_space<vmem>>, vector<1x16xf32>,
          %get3A_135 = vector.shape_cast %get3A_134 : vector<1x16xf32> to vector<16xf32>
          %get3A_136 = arith.index_cast %scan3A_119 : i32 to index
          %get3A_137 = arith.constant 16 : index
          %get3A_138 = tpu.vector_load %arg10[%get3A_136, %get3A_137] {strides = array<i32>} : memref<128x128xf32, #tpu.memory_space<vmem>>, vector<1x16xf32>,
          %get3A_139 = vector.shape_cast %get3A_138 : vector<1x16xf32> to vector<16xf32>
          %mul3A_140 = arith.mulf %get3A_135, %get3A_139 : vector<16xf32>
          %swap3A_141 = arith.index_cast %scan3A_119 : i32 to index
          %swap3A_142 = arith.constant 16 : index
          %swap3A_143 = tpu.vector_load %arg9[%swap3A_141, %swap3A_142] {strides = array<i32>} : memref<128x128xf32, #tpu.memory_space<vmem>>, vector<1x16xf32>,
          %swap3A_144 = vector.shape_cast %swap3A_143 : vector<1x16xf32> to vector<16xf32>
          %swap3A_145 = vector.shape_cast %mul3A_140 : vector<16xf32> to vector<1x16xf32>
          tpu.vector_store %arg9[%swap3A_141, %swap3A_142], %swap3A_145 {strides = array<i32>} : memref<128x128xf32, #tpu.memory_space<vmem>>, vector<1x16xf32>,
          %get3A_146 = arith.index_cast %scan3A_119 : i32 to index
          %get3A_147 = arith.constant 32 : index
          %get3A_148 = tpu.vector_load %arg9[%get3A_146, %get3A_147] {strides = array<i32>} : memref<128x128xf32, #tpu.memory_space<vmem>>, vector<1x16xf32>,
          %get3A_149 = vector.shape_cast %get3A_148 : vector<1x16xf32> to vector<16xf32>
          %get3A_150 = arith.index_cast %scan3A_119 : i32 to index
          %get3A_151 = arith.constant 32 : index
          %get3A_152 = tpu.vector_load %arg10[%get3A_150, %get3A_151] {strides = array<i32>} : memref<128x128xf32, #tpu.memory_space<vmem>>, vector<1x16xf32>,
          %get3A_153 = vector.shape_cast %get3A_152 : vector<1x16xf32> to vector<16xf32>
          %mul3A_154 = arith.mulf %get3A_149, %get3A_153 : vector<16xf32>
          %swap3A_155 = arith.index_cast %scan3A_119 : i32 to index
          %swap3A_156 = arith.constant 32 : index
          %swap3A_157 = tpu.vector_load %arg9[%swap3A_155, %swap3A_156] {strides = array<i32>} : memref<128x128xf32, #tpu.memory_space<vmem>>, vector<1x16xf32>,
          %swap3A_158 = vector.shape_cast %swap3A_157 : vector<1x16xf32> to vector<16xf32>
          %swap3A_159 = vector.shape_cast %mul3A_154 : vector<16xf32> to vector<1x16xf32>
          tpu.vector_store %arg9[%swap3A_155, %swap3A_156], %swap3A_159 {strides = array<i32>} : memref<128x128xf32, #tpu.memory_space<vmem>>, vector<1x16xf32>,
          %get3A_160 = arith.index_cast %scan3A_119 : i32 to index
          %get3A_161 = arith.constant 48 : index
          %get3A_162 = tpu.vector_load %arg9[%get3A_160, %get3A_161] {strides = array<i32>} : memref<128x128xf32, #tpu.memory_space<vmem>>, vector<1x16xf32>,
          %get3A_163 = vector.shape_cast %get3A_162 : vector<1x16xf32> to vector<16xf32>
          %get3A_164 = arith.index_cast %scan3A_119 : i32 to index
          %get3A_165 = arith.constant 48 : index
          %get3A_166 = tpu.vector_load %arg10[%get3A_164, %get3A_165] {strides = array<i32>} : memref<128x128xf32, #tpu.memory_space<vmem>>, vector<1x16xf32>,
          %get3A_167 = vector.shape_cast %get3A_166 : vector<1x16xf32> to vector<16xf32>
          %mul3A_168 = arith.mulf %get3A_163, %get3A_167 : vector<16xf32>
          %swap3A_169 = arith.index_cast %scan3A_119 : i32 to index
          %swap3A_170 = arith.constant 48 : index
          %swap3A_171 = tpu.vector_load %arg9[%swap3A_169, %swap3A_170] {strides = array<i32>} : memref<128x128xf32, #tpu.memory_space<vmem>>, vector<1x16xf32>,
          %swap3A_172 = vector.shape_cast %swap3A_171 : vector<1x16xf32> to vector<16xf32>
          %swap3A_173 = vector.shape_cast %mul3A_168 : vector<16xf32> to vector<1x16xf32>
          tpu.vector_store %arg9[%swap3A_169, %swap3A_170], %swap3A_173 {strides = array<i32>} : memref<128x128xf32, #tpu.memory_space<vmem>>, vector<1x16xf32>,
          %get3A_174 = arith.index_cast %scan3A_119 : i32 to index
          %get3A_175 = arith.constant 64 : index
          %get3A_176 = tpu.vector_load %arg9[%get3A_174, %get3A_175] {strides = array<i32>} : memref<128x128xf32, #tpu.memory_space<vmem>>, vector<1x16xf32>,
          %get3A_177 = vector.shape_cast %get3A_176 : vector<1x16xf32> to vector<16xf32>
          %get3A_178 = arith.index_cast %scan3A_119 : i32 to index
          %get3A_179 = arith.constant 64 : index
          %get3A_180 = tpu.vector_load %arg10[%get3A_178, %get3A_179] {strides = array<i32>} : memref<128x128xf32, #tpu.memory_space<vmem>>, vector<1x16xf32>,
          %get3A_181 = vector.shape_cast %get3A_180 : vector<1x16xf32> to vector<16xf32>
          %mul3A_182 = arith.mulf %get3A_177, %get3A_181 : vector<16xf32>
          %swap3A_183 = arith.index_cast %scan3A_119 : i32 to index
          %swap3A_184 = arith.constant 64 : index
          %swap3A_185 = tpu.vector_load %arg9[%swap3A_183, %swap3A_184] {strides = array<i32>} : memref<128x128xf32, #tpu.memory_space<vmem>>, vector<1x16xf32>,
          %swap3A_186 = vector.shape_cast %swap3A_185 : vector<1x16xf32> to vector<16xf32>
          %swap3A_187 = vector.shape_cast %mul3A_182 : vector<16xf32> to vector<1x16xf32>
          tpu.vector_store %arg9[%swap3A_183, %swap3A_184], %swap3A_187 {strides = array<i32>} : memref<128x128xf32, #tpu.memory_space<vmem>>, vector<1x16xf32>,
          %get3A_188 = arith.index_cast %scan3A_119 : i32 to index
          %get3A_189 = arith.constant 80 : index
          %get3A_190 = tpu.vector_load %arg9[%get3A_188, %get3A_189] {strides = array<i32>} : memref<128x128xf32, #tpu.memory_space<vmem>>, vector<1x16xf32>,
          %get3A_191 = vector.shape_cast %get3A_190 : vector<1x16xf32> to vector<16xf32>
          %get3A_192 = arith.index_cast %scan3A_119 : i32 to index
          %get3A_193 = arith.constant 80 : index
          %get3A_194 = tpu.vector_load %arg10[%get3A_192, %get3A_193] {strides = array<i32>} : memref<128x128xf32, #tpu.memory_space<vmem>>, vector<1x16xf32>,
          %get3A_195 = vector.shape_cast %get3A_194 : vector<1x16xf32> to vector<16xf32>
          %mul3A_196 = arith.mulf %get3A_191, %get3A_195 : vector<16xf32>
          %swap3A_197 = arith.index_cast %scan3A_119 : i32 to index
          %swap3A_198 = arith.constant 80 : index
          %swap3A_199 = tpu.vector_load %arg9[%swap3A_197, %swap3A_198] {strides = array<i32>} : memref<128x128xf32, #tpu.memory_space<vmem>>, vector<1x16xf32>,
          %swap3A_200 = vector.shape_cast %swap3A_199 : vector<1x16xf32> to vector<16xf32>
          %swap3A_201 = vector.shape_cast %mul3A_196 : vector<16xf32> to vector<1x16xf32>
          tpu.vector_store %arg9[%swap3A_197, %swap3A_198], %swap3A_201 {strides = array<i32>} : memref<128x128xf32, #tpu.memory_space<vmem>>, vector<1x16xf32>,
          %get3A_202 = arith.index_cast %scan3A_119 : i32 to index
          %get3A_203 = arith.constant 96 : index
          %get3A_204 = tpu.vector_load %arg9[%get3A_202, %get3A_203] {strides = array<i32>} : memref<128x128xf32, #tpu.memory_space<vmem>>, vector<1x16xf32>,
          %get3A_205 = vector.shape_cast %get3A_204 : vector<1x16xf32> to vector<16xf32>
          %get3A_206 = arith.index_cast %scan3A_119 : i32 to index
          %get3A_207 = arith.constant 96 : index
          %get3A_208 = tpu.vector_load %arg10[%get3A_206, %get3A_207] {strides = array<i32>} : memref<128x128xf32, #tpu.memory_space<vmem>>, vector<1x16xf32>,
          %get3A_209 = vector.shape_cast %get3A_208 : vector<1x16xf32> to vector<16xf32>
          %mul3A_210 = arith.mulf %get3A_205, %get3A_209 : vector<16xf32>
          %swap3A_211 = arith.index_cast %scan3A_119 : i32 to index
          %swap3A_212 = arith.constant 96 : index
          %swap3A_213 = tpu.vector_load %arg9[%swap3A_211, %swap3A_212] {strides = array<i32>} : memref<128x128xf32, #tpu.memory_space<vmem>>, vector<1x16xf32>,
          %swap3A_214 = vector.shape_cast %swap3A_213 : vector<1x16xf32> to vector<16xf32>
          %swap3A_215 = vector.shape_cast %mul3A_210 : vector<16xf32> to vector<1x16xf32>
          tpu.vector_store %arg9[%swap3A_211, %swap3A_212], %swap3A_215 {strides = array<i32>} : memref<128x128xf32, #tpu.memory_space<vmem>>, vector<1x16xf32>,
          %get3A_216 = arith.index_cast %scan3A_119 : i32 to index
          %get3A_217 = arith.constant 112 : index
          %get3A_218 = tpu.vector_load %arg9[%get3A_216, %get3A_217] {strides = array<i32>} : memref<128x128xf32, #tpu.memory_space<vmem>>, vector<1x16xf32>,
          %get3A_219 = vector.shape_cast %get3A_218 : vector<1x16xf32> to vector<16xf32>
          %get3A_220 = arith.index_cast %scan3A_119 : i32 to index
          %get3A_221 = arith.constant 112 : index
          %get3A_222 = tpu.vector_load %arg10[%get3A_220, %get3A_221] {strides = array<i32>} : memref<128x128xf32, #tpu.memory_space<vmem>>, vector<1x16xf32>,
          %get3A_223 = vector.shape_cast %get3A_222 : vector<1x16xf32> to vector<16xf32>
          %mul3A_224 = arith.mulf %get3A_219, %get3A_223 : vector<16xf32>
          %swap3A_225 = arith.index_cast %scan3A_119 : i32 to index
          %swap3A_226 = arith.constant 112 : index
          %swap3A_227 = tpu.vector_load %arg9[%swap3A_225, %swap3A_226] {strides = array<i32>} : memref<128x128xf32, #tpu.memory_space<vmem>>, vector<1x16xf32>,
          %swap3A_228 = vector.shape_cast %swap3A_227 : vector<1x16xf32> to vector<16xf32>
          %swap3A_229 = vector.shape_cast %mul3A_224 : vector<16xf32> to vector<1x16xf32>
          tpu.vector_store %arg9[%swap3A_225, %swap3A_226], %swap3A_229 {strides = array<i32>} : memref<128x128xf32, #tpu.memory_space<vmem>>, vector<1x16xf32>,
        }
        %scan3A_118 = arith.constant 128 : i32
        "tpu.region"() ({
          %run_scoped3A = tpu.sem_alloc : memref<!tpu.dma_semaphore, #tpu.memory_space<semaphore_mem>>
          %dma_start3A_119 = arith.constant 0 : i32
          %dma_start3A_120 = tpu.memref_slice %arg8[%while3A_92, %dma_start3A_119] : memref<8x128xi32, #tpu.memory_space<vmem>> -> memref<1x128xi32, #tpu.memory_space<vmem>>
          %dma_start3A_121 = tpu.memref_squeeze %dma_start3A_120 : memref<1x128xi32, #tpu.memory_space<vmem>> -> memref<128xi32, #tpu.memory_space<vmem>>
          %dma_start3A_122 = arith.constant 0 : i32
          %dma_start3A_123 = arith.constant 0 : i32
          %dma_start3A_124 = tpu.memref_slice %arg11[%dma_start3A_122, %dma_start3A_123] : memref<10240x128xf32, #tpu.memory_space<vmem_shared>> -> memref<10240x128xf32, #tpu.memory_space<vmem_shared>>
          tpu.enqueue_indirect_dma source(%arg9 : memref<128x128xf32, #tpu.memory_space<vmem>>) target(%dma_start3A_124 : memref<10240x128xf32, #tpu.memory_space<vmem_shared>>) offsets(%dma_start3A_121 : memref<128xi32, #tpu.memory_space<vmem>>) semaphore(%run_scoped3A : memref<!tpu.dma_semaphore, #tpu.memory_space<semaphore_mem>>) {add = true}
          %dma_wait3A_125 = arith.constant 0 : i32
          %dma_wait3A_126 = tpu.memref_slice %arg8[%while3A_92, %dma_wait3A_125] : memref<8x128xi32, #tpu.memory_space<vmem>> -> memref<1x128xi32, #tpu.memory_space<vmem>>
          %dma_wait3A_127 = tpu.memref_squeeze %dma_wait3A_126 : memref<1x128xi32, #tpu.memory_space<vmem>> -> memref<128xi32, #tpu.memory_space<vmem>>
          %dma_wait3A_128 = arith.constant 0 : i32
          %dma_wait3A_129 = arith.constant 0 : i32
          %dma_wait3A_130 = tpu.memref_slice %arg11[%dma_wait3A_128, %dma_wait3A_129] : memref<10240x128xf32, #tpu.memory_space<vmem_shared>> -> memref<10240x128xf32, #tpu.memory_space<vmem_shared>>
          tpu.wait_indirect_dma semaphore(%run_scoped3A : memref<!tpu.dma_semaphore, #tpu.memory_space<semaphore_mem>>) src(%arg9 : memref<128x128xf32, #tpu.memory_space<vmem>>) dst(%dma_wait3A_130 : memref<10240x128xf32, #tpu.memory_space<vmem_shared>>)
          tpu.yield
        }) : () -> ()
      }
      %while3A_91 = arith.constant 1 : i32
      scf.for %while3A_92 = %while3A_89 to %while3A_85 step %while3A_91  : i32 {
        %mul3A_93 = arith.constant 8 : i32
        %mul3A_94 = arith.muli %while3A_72, %mul3A_93 : i32
        %add3A_95 = arith.addi %mul3A_94, %while3A_92 : i32
        %dma_start3A = arith.constant 0 : i32
        %dma_start3A_96 = tpu.memref_slice %arg7[%while3A_92, %dma_start3A] : memref<8x128xi32, #tpu.memory_space<vmem>> -> memref<1x128xi32, #tpu.memory_space<vmem>>
        %dma_start3A_97 = tpu.memref_squeeze %dma_start3A_96 : memref<1x128xi32, #tpu.memory_space<vmem>> -> memref<128xi32, #tpu.memory_space<vmem>>
        %dma_start3A_98 = arith.constant 0 : i32
        %dma_start3A_99 = arith.constant 0 : i32
        %dma_start3A_100 = tpu.memref_slice %arg4[%dma_start3A_98, %dma_start3A_99] : memref<20000x128xf32, #tpu.memory_space<hbm>> -> memref<20000x128xf32, #tpu.memory_space<hbm>>
        tpu.enqueue_indirect_dma source(%dma_start3A_100 : memref<20000x128xf32, #tpu.memory_space<hbm>>) target(%arg9 : memref<128x128xf32, #tpu.memory_space<vmem>>) offsets(%dma_start3A_97 : memref<128xi32, #tpu.memory_space<vmem>>) semaphore(%arg12 : memref<!tpu.dma_semaphore, #tpu.memory_space<semaphore_mem>>)
        %dma_wait3A = arith.constant 0 : i32
        %dma_wait3A_101 = tpu.memref_slice %arg7[%while3A_92, %dma_wait3A] : memref<8x128xi32, #tpu.memory_space<vmem>> -> memref<1x128xi32, #tpu.memory_space<vmem>>
        %dma_wait3A_102 = tpu.memref_squeeze %dma_wait3A_101 : memref<1x128xi32, #tpu.memory_space<vmem>> -> memref<128xi32, #tpu.memory_space<vmem>>
        %dma_wait3A_103 = arith.constant 0 : i32
        %dma_wait3A_104 = arith.constant 0 : i32
        %dma_wait3A_105 = tpu.memref_slice %arg4[%dma_wait3A_103, %dma_wait3A_104] : memref<20000x128xf32, #tpu.memory_space<hbm>> -> memref<20000x128xf32, #tpu.memory_space<hbm>>
        tpu.wait_indirect_dma semaphore(%arg12 : memref<!tpu.dma_semaphore, #tpu.memory_space<semaphore_mem>>) src(%dma_wait3A_105 : memref<20000x128xf32, #tpu.memory_space<hbm>>) dst(%arg9 : memref<128x128xf32, #tpu.memory_space<vmem>>)
        %mul3A_106 = arith.constant 10112 : i32
        %mul3A_107 = arith.muli %arg1, %mul3A_106 : i32
        %mul3A_108 = arith.constant 128 : i32
        %mul3A_109 = arith.muli %add3A_95, %mul3A_108 : i32
        %add3A_110 = arith.addi %mul3A_107, %mul3A_109 : i32
        %mul3A_111 = arith.constant 128 : i32
        %mul3A_112 = arith.muli %arg0, %mul3A_111 : i32
        "tpu.region"() ({
          %run_scoped3A = tpu.sem_alloc : memref<!tpu.dma_semaphore, #tpu.memory_space<semaphore_mem>>
          %dma_start3A_119 = tpu.memref_slice %arg5[%add3A_110, %mul3A_112] : memref<160000x256xf32, #tpu.memory_space<hbm>> -> memref<128x128xf32, #tpu.memory_space<hbm>>
          %dma_start3A_120 = tpu.memref_slice %arg5[%add3A_110, %mul3A_112] : memref<160000x256xf32, #tpu.memory_space<hbm>> -> memref<128x128xf32, #tpu.memory_space<hbm>>
          tpu.enqueue_dma source(%dma_start3A_120 : memref<128x128xf32, #tpu.memory_space<hbm>>) target(%arg10 : memref<128x128xf32, #tpu.memory_space<vmem>>) target_semaphore(%run_scoped3A : memref<!tpu.dma_semaphore, #tpu.memory_space<semaphore_mem>>)
          %dma_wait3A_121 = tpu.memref_slice %arg5[%add3A_110, %mul3A_112] : memref<160000x256xf32, #tpu.memory_space<hbm>> -> memref<128x128xf32, #tpu.memory_space<hbm>>
          %dma_wait3A_122 = tpu.memref_slice %arg5[%add3A_110, %mul3A_112] : memref<160000x256xf32, #tpu.memory_space<hbm>> -> memref<128x128xf32, #tpu.memory_space<hbm>>
          tpu.wait_dma2 semaphore(%run_scoped3A : memref<!tpu.dma_semaphore, #tpu.memory_space<semaphore_mem>>) src(%dma_wait3A_122 : memref<128x128xf32, #tpu.memory_space<hbm>>) dst(%arg10 : memref<128x128xf32, #tpu.memory_space<vmem>>)
          tpu.yield
        }) : () -> ()
        %scan3A_113 = arith.constant 0 : i32
        %scan3A_114 = arith.constant 0 : i32
        %scan3A_115 = arith.constant 128 : i32
        %scan3A_116 = arith.addi %scan3A_114, %scan3A_115 : i32
        %scan3A_117 = arith.constant 1 : i32
        scf.for %scan3A_119 = %scan3A_114 to %scan3A_116 step %scan3A_117  : i32 {
          %get3A = arith.index_cast %scan3A_119 : i32 to index
          %get3A_120 = arith.constant 0 : index
          %get3A_121 = tpu.vector_load %arg9[%get3A, %get3A_120] {strides = array<i32>} : memref<128x128xf32, #tpu.memory_space<vmem>>, vector<1x16xf32>,
          %get3A_122 = vector.shape_cast %get3A_121 : vector<1x16xf32> to vector<16xf32>
          %get3A_123 = arith.index_cast %scan3A_119 : i32 to index
          %get3A_124 = arith.constant 0 : index
          %get3A_125 = tpu.vector_load %arg10[%get3A_123, %get3A_124] {strides = array<i32>} : memref<128x128xf32, #tpu.memory_space<vmem>>, vector<1x16xf32>,
          %get3A_126 = vector.shape_cast %get3A_125 : vector<1x16xf32> to vector<16xf32>
          %mul3A_127 = arith.mulf %get3A_122, %get3A_126 : vector<16xf32>
          %swap3A = arith.index_cast %scan3A_119 : i32 to index
          %swap3A_128 = arith.constant 0 : index
          %swap3A_129 = tpu.vector_load %arg9[%swap3A, %swap3A_128] {strides = array<i32>} : memref<128x128xf32, #tpu.memory_space<vmem>>, vector<1x16xf32>,
          %swap3A_130 = vector.shape_cast %swap3A_129 : vector<1x16xf32> to vector<16xf32>
          %swap3A_131 = vector.shape_cast %mul3A_127 : vector<16xf32> to vector<1x16xf32>
          tpu.vector_store %arg9[%swap3A, %swap3A_128], %swap3A_131 {strides = array<i32>} : memref<128x128xf32, #tpu.memory_space<vmem>>, vector<1x16xf32>,
          %get3A_132 = arith.index_cast %scan3A_119 : i32 to index
          %get3A_133 = arith.constant 16 : index
          %get3A_134 = tpu.vector_load %arg9[%get3A_132, %get3A_133] {strides = array<i32>} : memref<128x128xf32, #tpu.memory_space<vmem>>, vector<1x16xf32>,
          %get3A_135 = vector.shape_cast %get3A_134 : vector<1x16xf32> to vector<16xf32>
          %get3A_136 = arith.index_cast %scan3A_119 : i32 to index
          %get3A_137 = arith.constant 16 : index
          %get3A_138 = tpu.vector_load %arg10[%get3A_136, %get3A_137] {strides = array<i32>} : memref<128x128xf32, #tpu.memory_space<vmem>>, vector<1x16xf32>,
          %get3A_139 = vector.shape_cast %get3A_138 : vector<1x16xf32> to vector<16xf32>
          %mul3A_140 = arith.mulf %get3A_135, %get3A_139 : vector<16xf32>
          %swap3A_141 = arith.index_cast %scan3A_119 : i32 to index
          %swap3A_142 = arith.constant 16 : index
          %swap3A_143 = tpu.vector_load %arg9[%swap3A_141, %swap3A_142] {strides = array<i32>} : memref<128x128xf32, #tpu.memory_space<vmem>>, vector<1x16xf32>,
          %swap3A_144 = vector.shape_cast %swap3A_143 : vector<1x16xf32> to vector<16xf32>
          %swap3A_145 = vector.shape_cast %mul3A_140 : vector<16xf32> to vector<1x16xf32>
          tpu.vector_store %arg9[%swap3A_141, %swap3A_142], %swap3A_145 {strides = array<i32>} : memref<128x128xf32, #tpu.memory_space<vmem>>, vector<1x16xf32>,
          %get3A_146 = arith.index_cast %scan3A_119 : i32 to index
          %get3A_147 = arith.constant 32 : index
          %get3A_148 = tpu.vector_load %arg9[%get3A_146, %get3A_147] {strides = array<i32>} : memref<128x128xf32, #tpu.memory_space<vmem>>, vector<1x16xf32>,
          %get3A_149 = vector.shape_cast %get3A_148 : vector<1x16xf32> to vector<16xf32>
          %get3A_150 = arith.index_cast %scan3A_119 : i32 to index
          %get3A_151 = arith.constant 32 : index
          %get3A_152 = tpu.vector_load %arg10[%get3A_150, %get3A_151] {strides = array<i32>} : memref<128x128xf32, #tpu.memory_space<vmem>>, vector<1x16xf32>,
          %get3A_153 = vector.shape_cast %get3A_152 : vector<1x16xf32> to vector<16xf32>
          %mul3A_154 = arith.mulf %get3A_149, %get3A_153 : vector<16xf32>
          %swap3A_155 = arith.index_cast %scan3A_119 : i32 to index
          %swap3A_156 = arith.constant 32 : index
          %swap3A_157 = tpu.vector_load %arg9[%swap3A_155, %swap3A_156] {strides = array<i32>} : memref<128x128xf32, #tpu.memory_space<vmem>>, vector<1x16xf32>,
          %swap3A_158 = vector.shape_cast %swap3A_157 : vector<1x16xf32> to vector<16xf32>
          %swap3A_159 = vector.shape_cast %mul3A_154 : vector<16xf32> to vector<1x16xf32>
          tpu.vector_store %arg9[%swap3A_155, %swap3A_156], %swap3A_159 {strides = array<i32>} : memref<128x128xf32, #tpu.memory_space<vmem>>, vector<1x16xf32>,
          %get3A_160 = arith.index_cast %scan3A_119 : i32 to index
          %get3A_161 = arith.constant 48 : index
          %get3A_162 = tpu.vector_load %arg9[%get3A_160, %get3A_161] {strides = array<i32>} : memref<128x128xf32, #tpu.memory_space<vmem>>, vector<1x16xf32>,
          %get3A_163 = vector.shape_cast %get3A_162 : vector<1x16xf32> to vector<16xf32>
          %get3A_164 = arith.index_cast %scan3A_119 : i32 to index
          %get3A_165 = arith.constant 48 : index
          %get3A_166 = tpu.vector_load %arg10[%get3A_164, %get3A_165] {strides = array<i32>} : memref<128x128xf32, #tpu.memory_space<vmem>>, vector<1x16xf32>,
          %get3A_167 = vector.shape_cast %get3A_166 : vector<1x16xf32> to vector<16xf32>
          %mul3A_168 = arith.mulf %get3A_163, %get3A_167 : vector<16xf32>
          %swap3A_169 = arith.index_cast %scan3A_119 : i32 to index
          %swap3A_170 = arith.constant 48 : index
          %swap3A_171 = tpu.vector_load %arg9[%swap3A_169, %swap3A_170] {strides = array<i32>} : memref<128x128xf32, #tpu.memory_space<vmem>>, vector<1x16xf32>,
          %swap3A_172 = vector.shape_cast %swap3A_171 : vector<1x16xf32> to vector<16xf32>
          %swap3A_173 = vector.shape_cast %mul3A_168 : vector<16xf32> to vector<1x16xf32>
          tpu.vector_store %arg9[%swap3A_169, %swap3A_170], %swap3A_173 {strides = array<i32>} : memref<128x128xf32, #tpu.memory_space<vmem>>, vector<1x16xf32>,
          %get3A_174 = arith.index_cast %scan3A_119 : i32 to index
          %get3A_175 = arith.constant 64 : index
          %get3A_176 = tpu.vector_load %arg9[%get3A_174, %get3A_175] {strides = array<i32>} : memref<128x128xf32, #tpu.memory_space<vmem>>, vector<1x16xf32>,
          %get3A_177 = vector.shape_cast %get3A_176 : vector<1x16xf32> to vector<16xf32>
          %get3A_178 = arith.index_cast %scan3A_119 : i32 to index
          %get3A_179 = arith.constant 64 : index
          %get3A_180 = tpu.vector_load %arg10[%get3A_178, %get3A_179] {strides = array<i32>} : memref<128x128xf32, #tpu.memory_space<vmem>>, vector<1x16xf32>,
          %get3A_181 = vector.shape_cast %get3A_180 : vector<1x16xf32> to vector<16xf32>
          %mul3A_182 = arith.mulf %get3A_177, %get3A_181 : vector<16xf32>
          %swap3A_183 = arith.index_cast %scan3A_119 : i32 to index
          %swap3A_184 = arith.constant 64 : index
          %swap3A_185 = tpu.vector_load %arg9[%swap3A_183, %swap3A_184] {strides = array<i32>} : memref<128x128xf32, #tpu.memory_space<vmem>>, vector<1x16xf32>,
          %swap3A_186 = vector.shape_cast %swap3A_185 : vector<1x16xf32> to vector<16xf32>
          %swap3A_187 = vector.shape_cast %mul3A_182 : vector<16xf32> to vector<1x16xf32>
          tpu.vector_store %arg9[%swap3A_183, %swap3A_184], %swap3A_187 {strides = array<i32>} : memref<128x128xf32, #tpu.memory_space<vmem>>, vector<1x16xf32>,
          %get3A_188 = arith.index_cast %scan3A_119 : i32 to index
          %get3A_189 = arith.constant 80 : index
          %get3A_190 = tpu.vector_load %arg9[%get3A_188, %get3A_189] {strides = array<i32>} : memref<128x128xf32, #tpu.memory_space<vmem>>, vector<1x16xf32>,
          %get3A_191 = vector.shape_cast %get3A_190 : vector<1x16xf32> to vector<16xf32>
          %get3A_192 = arith.index_cast %scan3A_119 : i32 to index
          %get3A_193 = arith.constant 80 : index
          %get3A_194 = tpu.vector_load %arg10[%get3A_192, %get3A_193] {strides = array<i32>} : memref<128x128xf32, #tpu.memory_space<vmem>>, vector<1x16xf32>,
          %get3A_195 = vector.shape_cast %get3A_194 : vector<1x16xf32> to vector<16xf32>
          %mul3A_196 = arith.mulf %get3A_191, %get3A_195 : vector<16xf32>
          %swap3A_197 = arith.index_cast %scan3A_119 : i32 to index
          %swap3A_198 = arith.constant 80 : index
          %swap3A_199 = tpu.vector_load %arg9[%swap3A_197, %swap3A_198] {strides = array<i32>} : memref<128x128xf32, #tpu.memory_space<vmem>>, vector<1x16xf32>,
          %swap3A_200 = vector.shape_cast %swap3A_199 : vector<1x16xf32> to vector<16xf32>
          %swap3A_201 = vector.shape_cast %mul3A_196 : vector<16xf32> to vector<1x16xf32>
          tpu.vector_store %arg9[%swap3A_197, %swap3A_198], %swap3A_201 {strides = array<i32>} : memref<128x128xf32, #tpu.memory_space<vmem>>, vector<1x16xf32>,
          %get3A_202 = arith.index_cast %scan3A_119 : i32 to index
          %get3A_203 = arith.constant 96 : index
          %get3A_204 = tpu.vector_load %arg9[%get3A_202, %get3A_203] {strides = array<i32>} : memref<128x128xf32, #tpu.memory_space<vmem>>, vector<1x16xf32>,
          %get3A_205 = vector.shape_cast %get3A_204 : vector<1x16xf32> to vector<16xf32>
          %get3A_206 = arith.index_cast %scan3A_119 : i32 to index
          %get3A_207 = arith.constant 96 : index
          %get3A_208 = tpu.vector_load %arg10[%get3A_206, %get3A_207] {strides = array<i32>} : memref<128x128xf32, #tpu.memory_space<vmem>>, vector<1x16xf32>,
          %get3A_209 = vector.shape_cast %get3A_208 : vector<1x16xf32> to vector<16xf32>
          %mul3A_210 = arith.mulf %get3A_205, %get3A_209 : vector<16xf32>
          %swap3A_211 = arith.index_cast %scan3A_119 : i32 to index
          %swap3A_212 = arith.constant 96 : index
          %swap3A_213 = tpu.vector_load %arg9[%swap3A_211, %swap3A_212] {strides = array<i32>} : memref<128x128xf32, #tpu.memory_space<vmem>>, vector<1x16xf32>,
          %swap3A_214 = vector.shape_cast %swap3A_213 : vector<1x16xf32> to vector<16xf32>
          %swap3A_215 = vector.shape_cast %mul3A_210 : vector<16xf32> to vector<1x16xf32>
          tpu.vector_store %arg9[%swap3A_211, %swap3A_212], %swap3A_215 {strides = array<i32>} : memref<128x128xf32, #tpu.memory_space<vmem>>, vector<1x16xf32>,
          %get3A_216 = arith.index_cast %scan3A_119 : i32 to index
          %get3A_217 = arith.constant 112 : index
          %get3A_218 = tpu.vector_load %arg9[%get3A_216, %get3A_217] {strides = array<i32>} : memref<128x128xf32, #tpu.memory_space<vmem>>, vector<1x16xf32>,
          %get3A_219 = vector.shape_cast %get3A_218 : vector<1x16xf32> to vector<16xf32>
          %get3A_220 = arith.index_cast %scan3A_119 : i32 to index
          %get3A_221 = arith.constant 112 : index
          %get3A_222 = tpu.vector_load %arg10[%get3A_220, %get3A_221] {strides = array<i32>} : memref<128x128xf32, #tpu.memory_space<vmem>>, vector<1x16xf32>,
          %get3A_223 = vector.shape_cast %get3A_222 : vector<1x16xf32> to vector<16xf32>
          %mul3A_224 = arith.mulf %get3A_219, %get3A_223 : vector<16xf32>
          %swap3A_225 = arith.index_cast %scan3A_119 : i32 to index
          %swap3A_226 = arith.constant 112 : index
          %swap3A_227 = tpu.vector_load %arg9[%swap3A_225, %swap3A_226] {strides = array<i32>} : memref<128x128xf32, #tpu.memory_space<vmem>>, vector<1x16xf32>,
          %swap3A_228 = vector.shape_cast %swap3A_227 : vector<1x16xf32> to vector<16xf32>
          %swap3A_229 = vector.shape_cast %mul3A_224 : vector<16xf32> to vector<1x16xf32>
          tpu.vector_store %arg9[%swap3A_225, %swap3A_226], %swap3A_229 {strides = array<i32>} : memref<128x128xf32, #tpu.memory_space<vmem>>, vector<1x16xf32>,
        }
        %scan3A_118 = arith.constant 128 : i32
        "tpu.region"() ({
          %run_scoped3A = tpu.sem_alloc : memref<!tpu.dma_semaphore, #tpu.memory_space<semaphore_mem>>
          %dma_start3A_119 = arith.constant 0 : i32
          %dma_start3A_120 = tpu.memref_slice %arg8[%while3A_92, %dma_start3A_119] : memref<8x128xi32, #tpu.memory_space<vmem>> -> memref<1x128xi32, #tpu.memory_space<vmem>>
          %dma_start3A_121 = tpu.memref_squeeze %dma_start3A_120 : memref<1x128xi32, #tpu.memory_space<vmem>> -> memref<128xi32, #tpu.memory_space<vmem>>
          %dma_start3A_122 = arith.constant 0 : i32
          %dma_start3A_123 = arith.constant 0 : i32
          %dma_start3A_124 = tpu.memref_slice %arg11[%dma_start3A_122, %dma_start3A_123] : memref<10240x128xf32, #tpu.memory_space<vmem_shared>> -> memref<10240x128xf32, #tpu.memory_space<vmem_shared>>
          tpu.enqueue_indirect_dma source(%arg9 : memref<128x128xf32, #tpu.memory_space<vmem>>) target(%dma_start3A_124 : memref<10240x128xf32, #tpu.memory_space<vmem_shared>>) offsets(%dma_start3A_121 : memref<128xi32, #tpu.memory_space<vmem>>) semaphore(%run_scoped3A : memref<!tpu.dma_semaphore, #tpu.memory_space<semaphore_mem>>) {add = true}
          %dma_wait3A_125 = arith.constant 0 : i32
          %dma_wait3A_126 = tpu.memref_slice %arg8[%while3A_92, %dma_wait3A_125] : memref<8x128xi32, #tpu.memory_space<vmem>> -> memref<1x128xi32, #tpu.memory_space<vmem>>
          %dma_wait3A_127 = tpu.memref_squeeze %dma_wait3A_126 : memref<1x128xi32, #tpu.memory_space<vmem>> -> memref<128xi32, #tpu.memory_space<vmem>>
          %dma_wait3A_128 = arith.constant 0 : i32
          %dma_wait3A_129 = arith.constant 0 : i32
          %dma_wait3A_130 = tpu.memref_slice %arg11[%dma_wait3A_128, %dma_wait3A_129] : memref<10240x128xf32, #tpu.memory_space<vmem_shared>> -> memref<10240x128xf32, #tpu.memory_space<vmem_shared>>
          tpu.wait_indirect_dma semaphore(%run_scoped3A : memref<!tpu.dma_semaphore, #tpu.memory_space<semaphore_mem>>) src(%arg9 : memref<128x128xf32, #tpu.memory_space<vmem>>) dst(%dma_wait3A_130 : memref<10240x128xf32, #tpu.memory_space<vmem_shared>>)
          tpu.yield
        }) : () -> ()
      }
    }
    %while3A_66 = arith.constant 1 : i32
    scf.for %while3A_72 = %while3A_64 to %while3A_60 step %while3A_66  : i32 {
      %mul3A_73 = arith.constant 8 : i32
      %mul3A_74 = arith.muli %while3A_72, %mul3A_73 : i32
      "tpu.region"() ({
        %run_scoped3A = tpu.sem_alloc : memref<!tpu.dma_semaphore, #tpu.memory_space<semaphore_mem>>
        %dma_start3A = arith.constant 0 : i32
        %dma_start3A_92 = tpu.memref_slice %arg2[%arg0, %arg1, %mul3A_74, %dma_start3A] : memref<2x16x80x128xi32, #tpu.memory_space<hbm>> -> memref<1x1x8x128xi32, #tpu.memory_space<hbm>>
        %dma_start3A_93 = tpu.memref_squeeze %dma_start3A_92 : memref<1x1x8x128xi32, #tpu.memory_space<hbm>> -> memref<8x128xi32, #tpu.memory_space<hbm>>
        %dma_start3A_94 = arith.constant 0 : i32
        %dma_start3A_95 = tpu.memref_slice %arg2[%arg0, %arg1, %mul3A_74, %dma_start3A_94] : memref<2x16x80x128xi32, #tpu.memory_space<hbm>> -> memref<1x1x8x128xi32, #tpu.memory_space<hbm>>
        %dma_start3A_96 = tpu.memref_squeeze %dma_start3A_95 : memref<1x1x8x128xi32, #tpu.memory_space<hbm>> -> memref<8x128xi32, #tpu.memory_space<hbm>>
        tpu.enqueue_dma source(%dma_start3A_96 : memref<8x128xi32, #tpu.memory_space<hbm>>) target(%arg7 : memref<8x128xi32, #tpu.memory_space<vmem>>) target_semaphore(%run_scoped3A : memref<!tpu.dma_semaphore, #tpu.memory_space<semaphore_mem>>)
        %dma_wait3A = arith.constant 0 : i32
        %dma_wait3A_97 = tpu.memref_slice %arg2[%arg0, %arg1, %mul3A_74, %dma_wait3A] : memref<2x16x80x128xi32, #tpu.memory_space<hbm>> -> memref<1x1x8x128xi32, #tpu.memory_space<hbm>>
        %dma_wait3A_98 = tpu.memref_squeeze %dma_wait3A_97 : memref<1x1x8x128xi32, #tpu.memory_space<hbm>> -> memref<8x128xi32, #tpu.memory_space<hbm>>
        %dma_wait3A_99 = arith.constant 0 : i32
        %dma_wait3A_100 = tpu.memref_slice %arg2[%arg0, %arg1, %mul3A_74, %dma_wait3A_99] : memref<2x16x80x128xi32, #tpu.memory_space<hbm>> -> memref<1x1x8x128xi32, #tpu.memory_space<hbm>>
        %dma_wait3A_101 = tpu.memref_squeeze %dma_wait3A_100 : memref<1x1x8x128xi32, #tpu.memory_space<hbm>> -> memref<8x128xi32, #tpu.memory_space<hbm>>
        tpu.wait_dma2 semaphore(%run_scoped3A : memref<!tpu.dma_semaphore, #tpu.memory_space<semaphore_mem>>) src(%dma_wait3A_101 : memref<8x128xi32, #tpu.memory_space<hbm>>) dst(%arg7 : memref<8x128xi32, #tpu.memory_space<vmem>>)
        tpu.yield
      }) : () -> ()
      %mul3A_75 = arith.constant 8 : i32
      %mul3A_76 = arith.muli %while3A_72, %mul3A_75 : i32
      "tpu.region"() ({
        %run_scoped3A = tpu.sem_alloc : memref<!tpu.dma_semaphore, #tpu.memory_space<semaphore_mem>>
        %dma_start3A = arith.constant 0 : i32
        %dma_start3A_92 = tpu.memref_slice %arg3[%arg1, %mul3A_76, %dma_start3A] : memref<16x80x128xi32, #tpu.memory_space<hbm>> -> memref<1x8x128xi32, #tpu.memory_space<hbm>>
        %dma_start3A_93 = tpu.memref_squeeze %dma_start3A_92 : memref<1x8x128xi32, #tpu.memory_space<hbm>> -> memref<8x128xi32, #tpu.memory_space<hbm>>
        %dma_start3A_94 = arith.constant 0 : i32
        %dma_start3A_95 = tpu.memref_slice %arg3[%arg1, %mul3A_76, %dma_start3A_94] : memref<16x80x128xi32, #tpu.memory_space<hbm>> -> memref<1x8x128xi32, #tpu.memory_space<hbm>>
        %dma_start3A_96 = tpu.memref_squeeze %dma_start3A_95 : memref<1x8x128xi32, #tpu.memory_space<hbm>> -> memref<8x128xi32, #tpu.memory_space<hbm>>
        tpu.enqueue_dma source(%dma_start3A_96 : memref<8x128xi32, #tpu.memory_space<hbm>>) target(%arg8 : memref<8x128xi32, #tpu.memory_space<vmem>>) target_semaphore(%run_scoped3A : memref<!tpu.dma_semaphore, #tpu.memory_space<semaphore_mem>>)
        %dma_wait3A = arith.constant 0 : i32
        %dma_wait3A_97 = tpu.memref_slice %arg3[%arg1, %mul3A_76, %dma_wait3A] : memref<16x80x128xi32, #tpu.memory_space<hbm>> -> memref<1x8x128xi32, #tpu.memory_space<hbm>>
        %dma_wait3A_98 = tpu.memref_squeeze %dma_wait3A_97 : memref<1x8x128xi32, #tpu.memory_space<hbm>> -> memref<8x128xi32, #tpu.memory_space<hbm>>
        %dma_wait3A_99 = arith.constant 0 : i32
        %dma_wait3A_100 = tpu.memref_slice %arg3[%arg1, %mul3A_76, %dma_wait3A_99] : memref<16x80x128xi32, #tpu.memory_space<hbm>> -> memref<1x8x128xi32, #tpu.memory_space<hbm>>
        %dma_wait3A_101 = tpu.memref_squeeze %dma_wait3A_100 : memref<1x8x128xi32, #tpu.memory_space<hbm>> -> memref<8x128xi32, #tpu.memory_space<hbm>>
        tpu.wait_dma2 semaphore(%run_scoped3A : memref<!tpu.dma_semaphore, #tpu.memory_space<semaphore_mem>>) src(%dma_wait3A_101 : memref<8x128xi32, #tpu.memory_space<hbm>>) dst(%arg8 : memref<8x128xi32, #tpu.memory_space<vmem>>)
        tpu.yield
      }) : () -> ()
      %mul3A_77 = arith.constant 8 : i32
      %mul3A_78 = arith.muli %while3A_72, %mul3A_77 : i32
      %sub3A_79 = arith.subi %select_n3A, %mul3A_78 : i32
      %min3A_80 = arith.constant 8 : i32
      %min3A_81 = arith.minsi %sub3A_79, %min3A_80 : i32
      %while3A_82 = arith.constant 0 : i32
      %while3A_83 = arith.constant 0 : i32
      %while3A_84 = arith.subi %min3A_81, %while3A_83 : i32
      %while3A_85 = arith.addi %while3A_83, %while3A_84 : i32
      %while3A_86 = arith.constant 1 : i32
      %while3A_87 = arith.divsi %while3A_84, %while3A_86 : i32
      %while3A_88 = arith.muli %while3A_87, %while3A_86 : i32
      %while3A_89 = arith.addi %while3A_83, %while3A_88 : i32
      %while3A_90 = arith.constant 1 : i32
      scf.for %while3A_92 = %while3A_83 to %while3A_89 step %while3A_90  : i32 {
        %mul3A_93 = arith.constant 8 : i32
        %mul3A_94 = arith.muli %while3A_72, %mul3A_93 : i32
        %add3A_95 = arith.addi %mul3A_94, %while3A_92 : i32
        %dma_start3A = arith.constant 0 : i32
        %dma_start3A_96 = tpu.memref_slice %arg7[%while3A_92, %dma_start3A] : memref<8x128xi32, #tpu.memory_space<vmem>> -> memref<1x128xi32, #tpu.memory_space<vmem>>
        %dma_start3A_97 = tpu.memref_squeeze %dma_start3A_96 : memref<1x128xi32, #tpu.memory_space<vmem>> -> memref<128xi32, #tpu.memory_space<vmem>>
        %dma_start3A_98 = arith.constant 0 : i32
        %dma_start3A_99 = arith.constant 0 : i32
        %dma_start3A_100 = tpu.memref_slice %arg4[%dma_start3A_98, %dma_start3A_99] : memref<20000x128xf32, #tpu.memory_space<hbm>> -> memref<20000x128xf32, #tpu.memory_space<hbm>>
        tpu.enqueue_indirect_dma source(%dma_start3A_100 : memref<20000x128xf32, #tpu.memory_space<hbm>>) target(%arg9 : memref<128x128xf32, #tpu.memory_space<vmem>>) offsets(%dma_start3A_97 : memref<128xi32, #tpu.memory_space<vmem>>) semaphore(%arg12 : memref<!tpu.dma_semaphore, #tpu.memory_space<semaphore_mem>>)
        %dma_wait3A = arith.constant 0 : i32
        %dma_wait3A_101 = tpu.memref_slice %arg7[%while3A_92, %dma_wait3A] : memref<8x128xi32, #tpu.memory_space<vmem>> -> memref<1x128xi32, #tpu.memory_space<vmem>>
        %dma_wait3A_102 = tpu.memref_squeeze %dma_wait3A_101 : memref<1x128xi32, #tpu.memory_space<vmem>> -> memref<128xi32, #tpu.memory_space<vmem>>
        %dma_wait3A_103 = arith.constant 0 : i32
        %dma_wait3A_104 = arith.constant 0 : i32
        %dma_wait3A_105 = tpu.memref_slice %arg4[%dma_wait3A_103, %dma_wait3A_104] : memref<20000x128xf32, #tpu.memory_space<hbm>> -> memref<20000x128xf32, #tpu.memory_space<hbm>>
        tpu.wait_indirect_dma semaphore(%arg12 : memref<!tpu.dma_semaphore, #tpu.memory_space<semaphore_mem>>) src(%dma_wait3A_105 : memref<20000x128xf32, #tpu.memory_space<hbm>>) dst(%arg9 : memref<128x128xf32, #tpu.memory_space<vmem>>)
        %mul3A_106 = arith.constant 10112 : i32
        %mul3A_107 = arith.muli %arg1, %mul3A_106 : i32
        %mul3A_108 = arith.constant 128 : i32
        %mul3A_109 = arith.muli %add3A_95, %mul3A_108 : i32
        %add3A_110 = arith.addi %mul3A_107, %mul3A_109 : i32
        %mul3A_111 = arith.constant 128 : i32
        %mul3A_112 = arith.muli %arg0, %mul3A_111 : i32
        "tpu.region"() ({
          %run_scoped3A = tpu.sem_alloc : memref<!tpu.dma_semaphore, #tpu.memory_space<semaphore_mem>>
          %dma_start3A_119 = tpu.memref_slice %arg5[%add3A_110, %mul3A_112] : memref<160000x256xf32, #tpu.memory_space<hbm>> -> memref<128x128xf32, #tpu.memory_space<hbm>>
          %dma_start3A_120 = tpu.memref_slice %arg5[%add3A_110, %mul3A_112] : memref<160000x256xf32, #tpu.memory_space<hbm>> -> memref<128x128xf32, #tpu.memory_space<hbm>>
          tpu.enqueue_dma source(%dma_start3A_120 : memref<128x128xf32, #tpu.memory_space<hbm>>) target(%arg10 : memref<128x128xf32, #tpu.memory_space<vmem>>) target_semaphore(%run_scoped3A : memref<!tpu.dma_semaphore, #tpu.memory_space<semaphore_mem>>)
          %dma_wait3A_121 = tpu.memref_slice %arg5[%add3A_110, %mul3A_112] : memref<160000x256xf32, #tpu.memory_space<hbm>> -> memref<128x128xf32, #tpu.memory_space<hbm>>
          %dma_wait3A_122 = tpu.memref_slice %arg5[%add3A_110, %mul3A_112] : memref<160000x256xf32, #tpu.memory_space<hbm>> -> memref<128x128xf32, #tpu.memory_space<hbm>>
          tpu.wait_dma2 semaphore(%run_scoped3A : memref<!tpu.dma_semaphore, #tpu.memory_space<semaphore_mem>>) src(%dma_wait3A_122 : memref<128x128xf32, #tpu.memory_space<hbm>>) dst(%arg10 : memref<128x128xf32, #tpu.memory_space<vmem>>)
          tpu.yield
        }) : () -> ()
        %scan3A_113 = arith.constant 0 : i32
        %scan3A_114 = arith.constant 0 : i32
        %scan3A_115 = arith.constant 128 : i32
        %scan3A_116 = arith.addi %scan3A_114, %scan3A_115 : i32
        %scan3A_117 = arith.constant 1 : i32
        scf.for %scan3A_119 = %scan3A_114 to %scan3A_116 step %scan3A_117  : i32 {
          %get3A = arith.index_cast %scan3A_119 : i32 to index
          %get3A_120 = arith.constant 0 : index
          %get3A_121 = tpu.vector_load %arg9[%get3A, %get3A_120] {strides = array<i32>} : memref<128x128xf32, #tpu.memory_space<vmem>>, vector<1x16xf32>,
          %get3A_122 = vector.shape_cast %get3A_121 : vector<1x16xf32> to vector<16xf32>
          %get3A_123 = arith.index_cast %scan3A_119 : i32 to index
          %get3A_124 = arith.constant 0 : index
          %get3A_125 = tpu.vector_load %arg10[%get3A_123, %get3A_124] {strides = array<i32>} : memref<128x128xf32, #tpu.memory_space<vmem>>, vector<1x16xf32>,
          %get3A_126 = vector.shape_cast %get3A_125 : vector<1x16xf32> to vector<16xf32>
          %mul3A_127 = arith.mulf %get3A_122, %get3A_126 : vector<16xf32>
          %swap3A = arith.index_cast %scan3A_119 : i32 to index
          %swap3A_128 = arith.constant 0 : index
          %swap3A_129 = tpu.vector_load %arg9[%swap3A, %swap3A_128] {strides = array<i32>} : memref<128x128xf32, #tpu.memory_space<vmem>>, vector<1x16xf32>,
          %swap3A_130 = vector.shape_cast %swap3A_129 : vector<1x16xf32> to vector<16xf32>
          %swap3A_131 = vector.shape_cast %mul3A_127 : vector<16xf32> to vector<1x16xf32>
          tpu.vector_store %arg9[%swap3A, %swap3A_128], %swap3A_131 {strides = array<i32>} : memref<128x128xf32, #tpu.memory_space<vmem>>, vector<1x16xf32>,
          %get3A_132 = arith.index_cast %scan3A_119 : i32 to index
          %get3A_133 = arith.constant 16 : index
          %get3A_134 = tpu.vector_load %arg9[%get3A_132, %get3A_133] {strides = array<i32>} : memref<128x128xf32, #tpu.memory_space<vmem>>, vector<1x16xf32>,
          %get3A_135 = vector.shape_cast %get3A_134 : vector<1x16xf32> to vector<16xf32>
          %get3A_136 = arith.index_cast %scan3A_119 : i32 to index
          %get3A_137 = arith.constant 16 : index
          %get3A_138 = tpu.vector_load %arg10[%get3A_136, %get3A_137] {strides = array<i32>} : memref<128x128xf32, #tpu.memory_space<vmem>>, vector<1x16xf32>,
          %get3A_139 = vector.shape_cast %get3A_138 : vector<1x16xf32> to vector<16xf32>
          %mul3A_140 = arith.mulf %get3A_135, %get3A_139 : vector<16xf32>
          %swap3A_141 = arith.index_cast %scan3A_119 : i32 to index
          %swap3A_142 = arith.constant 16 : index
          %swap3A_143 = tpu.vector_load %arg9[%swap3A_141, %swap3A_142] {strides = array<i32>} : memref<128x128xf32, #tpu.memory_space<vmem>>, vector<1x16xf32>,
          %swap3A_144 = vector.shape_cast %swap3A_143 : vector<1x16xf32> to vector<16xf32>
          %swap3A_145 = vector.shape_cast %mul3A_140 : vector<16xf32> to vector<1x16xf32>
          tpu.vector_store %arg9[%swap3A_141, %swap3A_142], %swap3A_145 {strides = array<i32>} : memref<128x128xf32, #tpu.memory_space<vmem>>, vector<1x16xf32>,
          %get3A_146 = arith.index_cast %scan3A_119 : i32 to index
          %get3A_147 = arith.constant 32 : index
          %get3A_148 = tpu.vector_load %arg9[%get3A_146, %get3A_147] {strides = array<i32>} : memref<128x128xf32, #tpu.memory_space<vmem>>, vector<1x16xf32>,
          %get3A_149 = vector.shape_cast %get3A_148 : vector<1x16xf32> to vector<16xf32>
          %get3A_150 = arith.index_cast %scan3A_119 : i32 to index
          %get3A_151 = arith.constant 32 : index
          %get3A_152 = tpu.vector_load %arg10[%get3A_150, %get3A_151] {strides = array<i32>} : memref<128x128xf32, #tpu.memory_space<vmem>>, vector<1x16xf32>,
          %get3A_153 = vector.shape_cast %get3A_152 : vector<1x16xf32> to vector<16xf32>
          %mul3A_154 = arith.mulf %get3A_149, %get3A_153 : vector<16xf32>
          %swap3A_155 = arith.index_cast %scan3A_119 : i32 to index
          %swap3A_156 = arith.constant 32 : index
          %swap3A_157 = tpu.vector_load %arg9[%swap3A_155, %swap3A_156] {strides = array<i32>} : memref<128x128xf32, #tpu.memory_space<vmem>>, vector<1x16xf32>,
          %swap3A_158 = vector.shape_cast %swap3A_157 : vector<1x16xf32> to vector<16xf32>
          %swap3A_159 = vector.shape_cast %mul3A_154 : vector<16xf32> to vector<1x16xf32>
          tpu.vector_store %arg9[%swap3A_155, %swap3A_156], %swap3A_159 {strides = array<i32>} : memref<128x128xf32, #tpu.memory_space<vmem>>, vector<1x16xf32>,
          %get3A_160 = arith.index_cast %scan3A_119 : i32 to index
          %get3A_161 = arith.constant 48 : index
          %get3A_162 = tpu.vector_load %arg9[%get3A_160, %get3A_161] {strides = array<i32>} : memref<128x128xf32, #tpu.memory_space<vmem>>, vector<1x16xf32>,
          %get3A_163 = vector.shape_cast %get3A_162 : vector<1x16xf32> to vector<16xf32>
          %get3A_164 = arith.index_cast %scan3A_119 : i32 to index
          %get3A_165 = arith.constant 48 : index
          %get3A_166 = tpu.vector_load %arg10[%get3A_164, %get3A_165] {strides = array<i32>} : memref<128x128xf32, #tpu.memory_space<vmem>>, vector<1x16xf32>,
          %get3A_167 = vector.shape_cast %get3A_166 : vector<1x16xf32> to vector<16xf32>
          %mul3A_168 = arith.mulf %get3A_163, %get3A_167 : vector<16xf32>
          %swap3A_169 = arith.index_cast %scan3A_119 : i32 to index
          %swap3A_170 = arith.constant 48 : index
          %swap3A_171 = tpu.vector_load %arg9[%swap3A_169, %swap3A_170] {strides = array<i32>} : memref<128x128xf32, #tpu.memory_space<vmem>>, vector<1x16xf32>,
          %swap3A_172 = vector.shape_cast %swap3A_171 : vector<1x16xf32> to vector<16xf32>
          %swap3A_173 = vector.shape_cast %mul3A_168 : vector<16xf32> to vector<1x16xf32>
          tpu.vector_store %arg9[%swap3A_169, %swap3A_170], %swap3A_173 {strides = array<i32>} : memref<128x128xf32, #tpu.memory_space<vmem>>, vector<1x16xf32>,
          %get3A_174 = arith.index_cast %scan3A_119 : i32 to index
          %get3A_175 = arith.constant 64 : index
          %get3A_176 = tpu.vector_load %arg9[%get3A_174, %get3A_175] {strides = array<i32>} : memref<128x128xf32, #tpu.memory_space<vmem>>, vector<1x16xf32>,
          %get3A_177 = vector.shape_cast %get3A_176 : vector<1x16xf32> to vector<16xf32>
          %get3A_178 = arith.index_cast %scan3A_119 : i32 to index
          %get3A_179 = arith.constant 64 : index
          %get3A_180 = tpu.vector_load %arg10[%get3A_178, %get3A_179] {strides = array<i32>} : memref<128x128xf32, #tpu.memory_space<vmem>>, vector<1x16xf32>,
          %get3A_181 = vector.shape_cast %get3A_180 : vector<1x16xf32> to vector<16xf32>
          %mul3A_182 = arith.mulf %get3A_177, %get3A_181 : vector<16xf32>
          %swap3A_183 = arith.index_cast %scan3A_119 : i32 to index
          %swap3A_184 = arith.constant 64 : index
          %swap3A_185 = tpu.vector_load %arg9[%swap3A_183, %swap3A_184] {strides = array<i32>} : memref<128x128xf32, #tpu.memory_space<vmem>>, vector<1x16xf32>,
          %swap3A_186 = vector.shape_cast %swap3A_185 : vector<1x16xf32> to vector<16xf32>
          %swap3A_187 = vector.shape_cast %mul3A_182 : vector<16xf32> to vector<1x16xf32>
          tpu.vector_store %arg9[%swap3A_183, %swap3A_184], %swap3A_187 {strides = array<i32>} : memref<128x128xf32, #tpu.memory_space<vmem>>, vector<1x16xf32>,
          %get3A_188 = arith.index_cast %scan3A_119 : i32 to index
          %get3A_189 = arith.constant 80 : index
          %get3A_190 = tpu.vector_load %arg9[%get3A_188, %get3A_189] {strides = array<i32>} : memref<128x128xf32, #tpu.memory_space<vmem>>, vector<1x16xf32>,
          %get3A_191 = vector.shape_cast %get3A_190 : vector<1x16xf32> to vector<16xf32>
          %get3A_192 = arith.index_cast %scan3A_119 : i32 to index
          %get3A_193 = arith.constant 80 : index
          %get3A_194 = tpu.vector_load %arg10[%get3A_192, %get3A_193] {strides = array<i32>} : memref<128x128xf32, #tpu.memory_space<vmem>>, vector<1x16xf32>,
          %get3A_195 = vector.shape_cast %get3A_194 : vector<1x16xf32> to vector<16xf32>
          %mul3A_196 = arith.mulf %get3A_191, %get3A_195 : vector<16xf32>
          %swap3A_197 = arith.index_cast %scan3A_119 : i32 to index
          %swap3A_198 = arith.constant 80 : index
          %swap3A_199 = tpu.vector_load %arg9[%swap3A_197, %swap3A_198] {strides = array<i32>} : memref<128x128xf32, #tpu.memory_space<vmem>>, vector<1x16xf32>,
          %swap3A_200 = vector.shape_cast %swap3A_199 : vector<1x16xf32> to vector<16xf32>
          %swap3A_201 = vector.shape_cast %mul3A_196 : vector<16xf32> to vector<1x16xf32>
          tpu.vector_store %arg9[%swap3A_197, %swap3A_198], %swap3A_201 {strides = array<i32>} : memref<128x128xf32, #tpu.memory_space<vmem>>, vector<1x16xf32>,
          %get3A_202 = arith.index_cast %scan3A_119 : i32 to index
          %get3A_203 = arith.constant 96 : index
          %get3A_204 = tpu.vector_load %arg9[%get3A_202, %get3A_203] {strides = array<i32>} : memref<128x128xf32, #tpu.memory_space<vmem>>, vector<1x16xf32>,
          %get3A_205 = vector.shape_cast %get3A_204 : vector<1x16xf32> to vector<16xf32>
          %get3A_206 = arith.index_cast %scan3A_119 : i32 to index
          %get3A_207 = arith.constant 96 : index
          %get3A_208 = tpu.vector_load %arg10[%get3A_206, %get3A_207] {strides = array<i32>} : memref<128x128xf32, #tpu.memory_space<vmem>>, vector<1x16xf32>,
          %get3A_209 = vector.shape_cast %get3A_208 : vector<1x16xf32> to vector<16xf32>
          %mul3A_210 = arith.mulf %get3A_205, %get3A_209 : vector<16xf32>
          %swap3A_211 = arith.index_cast %scan3A_119 : i32 to index
          %swap3A_212 = arith.constant 96 : index
          %swap3A_213 = tpu.vector_load %arg9[%swap3A_211, %swap3A_212] {strides = array<i32>} : memref<128x128xf32, #tpu.memory_space<vmem>>, vector<1x16xf32>,
          %swap3A_214 = vector.shape_cast %swap3A_213 : vector<1x16xf32> to vector<16xf32>
          %swap3A_215 = vector.shape_cast %mul3A_210 : vector<16xf32> to vector<1x16xf32>
          tpu.vector_store %arg9[%swap3A_211, %swap3A_212], %swap3A_215 {strides = array<i32>} : memref<128x128xf32, #tpu.memory_space<vmem>>, vector<1x16xf32>,
          %get3A_216 = arith.index_cast %scan3A_119 : i32 to index
          %get3A_217 = arith.constant 112 : index
          %get3A_218 = tpu.vector_load %arg9[%get3A_216, %get3A_217] {strides = array<i32>} : memref<128x128xf32, #tpu.memory_space<vmem>>, vector<1x16xf32>,
          %get3A_219 = vector.shape_cast %get3A_218 : vector<1x16xf32> to vector<16xf32>
          %get3A_220 = arith.index_cast %scan3A_119 : i32 to index
          %get3A_221 = arith.constant 112 : index
          %get3A_222 = tpu.vector_load %arg10[%get3A_220, %get3A_221] {strides = array<i32>} : memref<128x128xf32, #tpu.memory_space<vmem>>, vector<1x16xf32>,
          %get3A_223 = vector.shape_cast %get3A_222 : vector<1x16xf32> to vector<16xf32>
          %mul3A_224 = arith.mulf %get3A_219, %get3A_223 : vector<16xf32>
          %swap3A_225 = arith.index_cast %scan3A_119 : i32 to index
          %swap3A_226 = arith.constant 112 : index
          %swap3A_227 = tpu.vector_load %arg9[%swap3A_225, %swap3A_226] {strides = array<i32>} : memref<128x128xf32, #tpu.memory_space<vmem>>, vector<1x16xf32>,
          %swap3A_228 = vector.shape_cast %swap3A_227 : vector<1x16xf32> to vector<16xf32>
          %swap3A_229 = vector.shape_cast %mul3A_224 : vector<16xf32> to vector<1x16xf32>
          tpu.vector_store %arg9[%swap3A_225, %swap3A_226], %swap3A_229 {strides = array<i32>} : memref<128x128xf32, #tpu.memory_space<vmem>>, vector<1x16xf32>,
        }
        %scan3A_118 = arith.constant 128 : i32
        "tpu.region"() ({
          %run_scoped3A = tpu.sem_alloc : memref<!tpu.dma_semaphore, #tpu.memory_space<semaphore_mem>>
          %dma_start3A_119 = arith.constant 0 : i32
          %dma_start3A_120 = tpu.memref_slice %arg8[%while3A_92, %dma_start3A_119] : memref<8x128xi32, #tpu.memory_space<vmem>> -> memref<1x128xi32, #tpu.memory_space<vmem>>
          %dma_start3A_121 = tpu.memref_squeeze %dma_start3A_120 : memref<1x128xi32, #tpu.memory_space<vmem>> -> memref<128xi32, #tpu.memory_space<vmem>>
          %dma_start3A_122 = arith.constant 0 : i32
          %dma_start3A_123 = arith.constant 0 : i32
          %dma_start3A_124 = tpu.memref_slice %arg11[%dma_start3A_122, %dma_start3A_123] : memref<10240x128xf32, #tpu.memory_space<vmem_shared>> -> memref<10240x128xf32, #tpu.memory_space<vmem_shared>>
          tpu.enqueue_indirect_dma source(%arg9 : memref<128x128xf32, #tpu.memory_space<vmem>>) target(%dma_start3A_124 : memref<10240x128xf32, #tpu.memory_space<vmem_shared>>) offsets(%dma_start3A_121 : memref<128xi32, #tpu.memory_space<vmem>>) semaphore(%run_scoped3A : memref<!tpu.dma_semaphore, #tpu.memory_space<semaphore_mem>>) {add = true}
          %dma_wait3A_125 = arith.constant 0 : i32
          %dma_wait3A_126 = tpu.memref_slice %arg8[%while3A_92, %dma_wait3A_125] : memref<8x128xi32, #tpu.memory_space<vmem>> -> memref<1x128xi32, #tpu.memory_space<vmem>>
          %dma_wait3A_127 = tpu.memref_squeeze %dma_wait3A_126 : memref<1x128xi32, #tpu.memory_space<vmem>> -> memref<128xi32, #tpu.memory_space<vmem>>
          %dma_wait3A_128 = arith.constant 0 : i32
          %dma_wait3A_129 = arith.constant 0 : i32
          %dma_wait3A_130 = tpu.memref_slice %arg11[%dma_wait3A_128, %dma_wait3A_129] : memref<10240x128xf32, #tpu.memory_space<vmem_shared>> -> memref<10240x128xf32, #tpu.memory_space<vmem_shared>>
          tpu.wait_indirect_dma semaphore(%run_scoped3A : memref<!tpu.dma_semaphore, #tpu.memory_space<semaphore_mem>>) src(%arg9 : memref<128x128xf32, #tpu.memory_space<vmem>>) dst(%dma_wait3A_130 : memref<10240x128xf32, #tpu.memory_space<vmem_shared>>)
          tpu.yield
        }) : () -> ()
      }
      %while3A_91 = arith.constant 1 : i32
      scf.for %while3A_92 = %while3A_89 to %while3A_85 step %while3A_91  : i32 {
        %mul3A_93 = arith.constant 8 : i32
        %mul3A_94 = arith.muli %while3A_72, %mul3A_93 : i32
        %add3A_95 = arith.addi %mul3A_94, %while3A_92 : i32
        %dma_start3A = arith.constant 0 : i32
        %dma_start3A_96 = tpu.memref_slice %arg7[%while3A_92, %dma_start3A] : memref<8x128xi32, #tpu.memory_space<vmem>> -> memref<1x128xi32, #tpu.memory_space<vmem>>
        %dma_start3A_97 = tpu.memref_squeeze %dma_start3A_96 : memref<1x128xi32, #tpu.memory_space<vmem>> -> memref<128xi32, #tpu.memory_space<vmem>>
        %dma_start3A_98 = arith.constant 0 : i32
        %dma_start3A_99 = arith.constant 0 : i32
        %dma_start3A_100 = tpu.memref_slice %arg4[%dma_start3A_98, %dma_start3A_99] : memref<20000x128xf32, #tpu.memory_space<hbm>> -> memref<20000x128xf32, #tpu.memory_space<hbm>>
        tpu.enqueue_indirect_dma source(%dma_start3A_100 : memref<20000x128xf32, #tpu.memory_space<hbm>>) target(%arg9 : memref<128x128xf32, #tpu.memory_space<vmem>>) offsets(%dma_start3A_97 : memref<128xi32, #tpu.memory_space<vmem>>) semaphore(%arg12 : memref<!tpu.dma_semaphore, #tpu.memory_space<semaphore_mem>>)
        %dma_wait3A = arith.constant 0 : i32
        %dma_wait3A_101 = tpu.memref_slice %arg7[%while3A_92, %dma_wait3A] : memref<8x128xi32, #tpu.memory_space<vmem>> -> memref<1x128xi32, #tpu.memory_space<vmem>>
        %dma_wait3A_102 = tpu.memref_squeeze %dma_wait3A_101 : memref<1x128xi32, #tpu.memory_space<vmem>> -> memref<128xi32, #tpu.memory_space<vmem>>
        %dma_wait3A_103 = arith.constant 0 : i32
        %dma_wait3A_104 = arith.constant 0 : i32
        %dma_wait3A_105 = tpu.memref_slice %arg4[%dma_wait3A_103, %dma_wait3A_104] : memref<20000x128xf32, #tpu.memory_space<hbm>> -> memref<20000x128xf32, #tpu.memory_space<hbm>>
        tpu.wait_indirect_dma semaphore(%arg12 : memref<!tpu.dma_semaphore, #tpu.memory_space<semaphore_mem>>) src(%dma_wait3A_105 : memref<20000x128xf32, #tpu.memory_space<hbm>>) dst(%arg9 : memref<128x128xf32, #tpu.memory_space<vmem>>)
        %mul3A_106 = arith.constant 10112 : i32
        %mul3A_107 = arith.muli %arg1, %mul3A_106 : i32
        %mul3A_108 = arith.constant 128 : i32
        %mul3A_109 = arith.muli %add3A_95, %mul3A_108 : i32
        %add3A_110 = arith.addi %mul3A_107, %mul3A_109 : i32
        %mul3A_111 = arith.constant 128 : i32
        %mul3A_112 = arith.muli %arg0, %mul3A_111 : i32
        "tpu.region"() ({
          %run_scoped3A = tpu.sem_alloc : memref<!tpu.dma_semaphore, #tpu.memory_space<semaphore_mem>>
          %dma_start3A_119 = tpu.memref_slice %arg5[%add3A_110, %mul3A_112] : memref<160000x256xf32, #tpu.memory_space<hbm>> -> memref<128x128xf32, #tpu.memory_space<hbm>>
          %dma_start3A_120 = tpu.memref_slice %arg5[%add3A_110, %mul3A_112] : memref<160000x256xf32, #tpu.memory_space<hbm>> -> memref<128x128xf32, #tpu.memory_space<hbm>>
          tpu.enqueue_dma source(%dma_start3A_120 : memref<128x128xf32, #tpu.memory_space<hbm>>) target(%arg10 : memref<128x128xf32, #tpu.memory_space<vmem>>) target_semaphore(%run_scoped3A : memref<!tpu.dma_semaphore, #tpu.memory_space<semaphore_mem>>)
          %dma_wait3A_121 = tpu.memref_slice %arg5[%add3A_110, %mul3A_112] : memref<160000x256xf32, #tpu.memory_space<hbm>> -> memref<128x128xf32, #tpu.memory_space<hbm>>
          %dma_wait3A_122 = tpu.memref_slice %arg5[%add3A_110, %mul3A_112] : memref<160000x256xf32, #tpu.memory_space<hbm>> -> memref<128x128xf32, #tpu.memory_space<hbm>>
          tpu.wait_dma2 semaphore(%run_scoped3A : memref<!tpu.dma_semaphore, #tpu.memory_space<semaphore_mem>>) src(%dma_wait3A_122 : memref<128x128xf32, #tpu.memory_space<hbm>>) dst(%arg10 : memref<128x128xf32, #tpu.memory_space<vmem>>)
          tpu.yield
        }) : () -> ()
        %scan3A_113 = arith.constant 0 : i32
        %scan3A_114 = arith.constant 0 : i32
        %scan3A_115 = arith.constant 128 : i32
        %scan3A_116 = arith.addi %scan3A_114, %scan3A_115 : i32
        %scan3A_117 = arith.constant 1 : i32
        scf.for %scan3A_119 = %scan3A_114 to %scan3A_116 step %scan3A_117  : i32 {
          %get3A = arith.index_cast %scan3A_119 : i32 to index
          %get3A_120 = arith.constant 0 : index
          %get3A_121 = tpu.vector_load %arg9[%get3A, %get3A_120] {strides = array<i32>} : memref<128x128xf32, #tpu.memory_space<vmem>>, vector<1x16xf32>,
          %get3A_122 = vector.shape_cast %get3A_121 : vector<1x16xf32> to vector<16xf32>
          %get3A_123 = arith.index_cast %scan3A_119 : i32 to index
          %get3A_124 = arith.constant 0 : index
          %get3A_125 = tpu.vector_load %arg10[%get3A_123, %get3A_124] {strides = array<i32>} : memref<128x128xf32, #tpu.memory_space<vmem>>, vector<1x16xf32>,
          %get3A_126 = vector.shape_cast %get3A_125 : vector<1x16xf32> to vector<16xf32>
          %mul3A_127 = arith.mulf %get3A_122, %get3A_126 : vector<16xf32>
          %swap3A = arith.index_cast %scan3A_119 : i32 to index
          %swap3A_128 = arith.constant 0 : index
          %swap3A_129 = tpu.vector_load %arg9[%swap3A, %swap3A_128] {strides = array<i32>} : memref<128x128xf32, #tpu.memory_space<vmem>>, vector<1x16xf32>,
          %swap3A_130 = vector.shape_cast %swap3A_129 : vector<1x16xf32> to vector<16xf32>
          %swap3A_131 = vector.shape_cast %mul3A_127 : vector<16xf32> to vector<1x16xf32>
          tpu.vector_store %arg9[%swap3A, %swap3A_128], %swap3A_131 {strides = array<i32>} : memref<128x128xf32, #tpu.memory_space<vmem>>, vector<1x16xf32>,
          %get3A_132 = arith.index_cast %scan3A_119 : i32 to index
          %get3A_133 = arith.constant 16 : index
          %get3A_134 = tpu.vector_load %arg9[%get3A_132, %get3A_133] {strides = array<i32>} : memref<128x128xf32, #tpu.memory_space<vmem>>, vector<1x16xf32>,
          %get3A_135 = vector.shape_cast %get3A_134 : vector<1x16xf32> to vector<16xf32>
          %get3A_136 = arith.index_cast %scan3A_119 : i32 to index
          %get3A_137 = arith.constant 16 : index
          %get3A_138 = tpu.vector_load %arg10[%get3A_136, %get3A_137] {strides = array<i32>} : memref<128x128xf32, #tpu.memory_space<vmem>>, vector<1x16xf32>,
          %get3A_139 = vector.shape_cast %get3A_138 : vector<1x16xf32> to vector<16xf32>
          %mul3A_140 = arith.mulf %get3A_135, %get3A_139 : vector<16xf32>
          %swap3A_141 = arith.index_cast %scan3A_119 : i32 to index
          %swap3A_142 = arith.constant 16 : index
          %swap3A_143 = tpu.vector_load %arg9[%swap3A_141, %swap3A_142] {strides = array<i32>} : memref<128x128xf32, #tpu.memory_space<vmem>>, vector<1x16xf32>,
          %swap3A_144 = vector.shape_cast %swap3A_143 : vector<1x16xf32> to vector<16xf32>
          %swap3A_145 = vector.shape_cast %mul3A_140 : vector<16xf32> to vector<1x16xf32>
          tpu.vector_store %arg9[%swap3A_141, %swap3A_142], %swap3A_145 {strides = array<i32>} : memref<128x128xf32, #tpu.memory_space<vmem>>, vector<1x16xf32>,
          %get3A_146 = arith.index_cast %scan3A_119 : i32 to index
          %get3A_147 = arith.constant 32 : index
          %get3A_148 = tpu.vector_load %arg9[%get3A_146, %get3A_147] {strides = array<i32>} : memref<128x128xf32, #tpu.memory_space<vmem>>, vector<1x16xf32>,
          %get3A_149 = vector.shape_cast %get3A_148 : vector<1x16xf32> to vector<16xf32>
          %get3A_150 = arith.index_cast %scan3A_119 : i32 to index
          %get3A_151 = arith.constant 32 : index
          %get3A_152 = tpu.vector_load %arg10[%get3A_150, %get3A_151] {strides = array<i32>} : memref<128x128xf32, #tpu.memory_space<vmem>>, vector<1x16xf32>,
          %get3A_153 = vector.shape_cast %get3A_152 : vector<1x16xf32> to vector<16xf32>
          %mul3A_154 = arith.mulf %get3A_149, %get3A_153 : vector<16xf32>
          %swap3A_155 = arith.index_cast %scan3A_119 : i32 to index
          %swap3A_156 = arith.constant 32 : index
          %swap3A_157 = tpu.vector_load %arg9[%swap3A_155, %swap3A_156] {strides = array<i32>} : memref<128x128xf32, #tpu.memory_space<vmem>>, vector<1x16xf32>,
          %swap3A_158 = vector.shape_cast %swap3A_157 : vector<1x16xf32> to vector<16xf32>
          %swap3A_159 = vector.shape_cast %mul3A_154 : vector<16xf32> to vector<1x16xf32>
          tpu.vector_store %arg9[%swap3A_155, %swap3A_156], %swap3A_159 {strides = array<i32>} : memref<128x128xf32, #tpu.memory_space<vmem>>, vector<1x16xf32>,
          %get3A_160 = arith.index_cast %scan3A_119 : i32 to index
          %get3A_161 = arith.constant 48 : index
          %get3A_162 = tpu.vector_load %arg9[%get3A_160, %get3A_161] {strides = array<i32>} : memref<128x128xf32, #tpu.memory_space<vmem>>, vector<1x16xf32>,
          %get3A_163 = vector.shape_cast %get3A_162 : vector<1x16xf32> to vector<16xf32>
          %get3A_164 = arith.index_cast %scan3A_119 : i32 to index
          %get3A_165 = arith.constant 48 : index
          %get3A_166 = tpu.vector_load %arg10[%get3A_164, %get3A_165] {strides = array<i32>} : memref<128x128xf32, #tpu.memory_space<vmem>>, vector<1x16xf32>,
          %get3A_167 = vector.shape_cast %get3A_166 : vector<1x16xf32> to vector<16xf32>
          %mul3A_168 = arith.mulf %get3A_163, %get3A_167 : vector<16xf32>
          %swap3A_169 = arith.index_cast %scan3A_119 : i32 to index
          %swap3A_170 = arith.constant 48 : index
          %swap3A_171 = tpu.vector_load %arg9[%swap3A_169, %swap3A_170] {strides = array<i32>} : memref<128x128xf32, #tpu.memory_space<vmem>>, vector<1x16xf32>,
          %swap3A_172 = vector.shape_cast %swap3A_171 : vector<1x16xf32> to vector<16xf32>
          %swap3A_173 = vector.shape_cast %mul3A_168 : vector<16xf32> to vector<1x16xf32>
          tpu.vector_store %arg9[%swap3A_169, %swap3A_170], %swap3A_173 {strides = array<i32>} : memref<128x128xf32, #tpu.memory_space<vmem>>, vector<1x16xf32>,
          %get3A_174 = arith.index_cast %scan3A_119 : i32 to index
          %get3A_175 = arith.constant 64 : index
          %get3A_176 = tpu.vector_load %arg9[%get3A_174, %get3A_175] {strides = array<i32>} : memref<128x128xf32, #tpu.memory_space<vmem>>, vector<1x16xf32>,
          %get3A_177 = vector.shape_cast %get3A_176 : vector<1x16xf32> to vector<16xf32>
          %get3A_178 = arith.index_cast %scan3A_119 : i32 to index
          %get3A_179 = arith.constant 64 : index
          %get3A_180 = tpu.vector_load %arg10[%get3A_178, %get3A_179] {strides = array<i32>} : memref<128x128xf32, #tpu.memory_space<vmem>>, vector<1x16xf32>,
          %get3A_181 = vector.shape_cast %get3A_180 : vector<1x16xf32> to vector<16xf32>
          %mul3A_182 = arith.mulf %get3A_177, %get3A_181 : vector<16xf32>
          %swap3A_183 = arith.index_cast %scan3A_119 : i32 to index
          %swap3A_184 = arith.constant 64 : index
          %swap3A_185 = tpu.vector_load %arg9[%swap3A_183, %swap3A_184] {strides = array<i32>} : memref<128x128xf32, #tpu.memory_space<vmem>>, vector<1x16xf32>,
          %swap3A_186 = vector.shape_cast %swap3A_185 : vector<1x16xf32> to vector<16xf32>
          %swap3A_187 = vector.shape_cast %mul3A_182 : vector<16xf32> to vector<1x16xf32>
          tpu.vector_store %arg9[%swap3A_183, %swap3A_184], %swap3A_187 {strides = array<i32>} : memref<128x128xf32, #tpu.memory_space<vmem>>, vector<1x16xf32>,
          %get3A_188 = arith.index_cast %scan3A_119 : i32 to index
          %get3A_189 = arith.constant 80 : index
          %get3A_190 = tpu.vector_load %arg9[%get3A_188, %get3A_189] {strides = array<i32>} : memref<128x128xf32, #tpu.memory_space<vmem>>, vector<1x16xf32>,
          %get3A_191 = vector.shape_cast %get3A_190 : vector<1x16xf32> to vector<16xf32>
          %get3A_192 = arith.index_cast %scan3A_119 : i32 to index
          %get3A_193 = arith.constant 80 : index
          %get3A_194 = tpu.vector_load %arg10[%get3A_192, %get3A_193] {strides = array<i32>} : memref<128x128xf32, #tpu.memory_space<vmem>>, vector<1x16xf32>,
          %get3A_195 = vector.shape_cast %get3A_194 : vector<1x16xf32> to vector<16xf32>
          %mul3A_196 = arith.mulf %get3A_191, %get3A_195 : vector<16xf32>
          %swap3A_197 = arith.index_cast %scan3A_119 : i32 to index
          %swap3A_198 = arith.constant 80 : index
          %swap3A_199 = tpu.vector_load %arg9[%swap3A_197, %swap3A_198] {strides = array<i32>} : memref<128x128xf32, #tpu.memory_space<vmem>>, vector<1x16xf32>,
          %swap3A_200 = vector.shape_cast %swap3A_199 : vector<1x16xf32> to vector<16xf32>
          %swap3A_201 = vector.shape_cast %mul3A_196 : vector<16xf32> to vector<1x16xf32>
          tpu.vector_store %arg9[%swap3A_197, %swap3A_198], %swap3A_201 {strides = array<i32>} : memref<128x128xf32, #tpu.memory_space<vmem>>, vector<1x16xf32>,
          %get3A_202 = arith.index_cast %scan3A_119 : i32 to index
          %get3A_203 = arith.constant 96 : index
          %get3A_204 = tpu.vector_load %arg9[%get3A_202, %get3A_203] {strides = array<i32>} : memref<128x128xf32, #tpu.memory_space<vmem>>, vector<1x16xf32>,
          %get3A_205 = vector.shape_cast %get3A_204 : vector<1x16xf32> to vector<16xf32>
          %get3A_206 = arith.index_cast %scan3A_119 : i32 to index
          %get3A_207 = arith.constant 96 : index
          %get3A_208 = tpu.vector_load %arg10[%get3A_206, %get3A_207] {strides = array<i32>} : memref<128x128xf32, #tpu.memory_space<vmem>>, vector<1x16xf32>,
          %get3A_209 = vector.shape_cast %get3A_208 : vector<1x16xf32> to vector<16xf32>
          %mul3A_210 = arith.mulf %get3A_205, %get3A_209 : vector<16xf32>
          %swap3A_211 = arith.index_cast %scan3A_119 : i32 to index
          %swap3A_212 = arith.constant 96 : index
          %swap3A_213 = tpu.vector_load %arg9[%swap3A_211, %swap3A_212] {strides = array<i32>} : memref<128x128xf32, #tpu.memory_space<vmem>>, vector<1x16xf32>,
          %swap3A_214 = vector.shape_cast %swap3A_213 : vector<1x16xf32> to vector<16xf32>
          %swap3A_215 = vector.shape_cast %mul3A_210 : vector<16xf32> to vector<1x16xf32>
          tpu.vector_store %arg9[%swap3A_211, %swap3A_212], %swap3A_215 {strides = array<i32>} : memref<128x128xf32, #tpu.memory_space<vmem>>, vector<1x16xf32>,
          %get3A_216 = arith.index_cast %scan3A_119 : i32 to index
          %get3A_217 = arith.constant 112 : index
          %get3A_218 = tpu.vector_load %arg9[%get3A_216, %get3A_217] {strides = array<i32>} : memref<128x128xf32, #tpu.memory_space<vmem>>, vector<1x16xf32>,
          %get3A_219 = vector.shape_cast %get3A_218 : vector<1x16xf32> to vector<16xf32>
          %get3A_220 = arith.index_cast %scan3A_119 : i32 to index
          %get3A_221 = arith.constant 112 : index
          %get3A_222 = tpu.vector_load %arg10[%get3A_220, %get3A_221] {strides = array<i32>} : memref<128x128xf32, #tpu.memory_space<vmem>>, vector<1x16xf32>,
          %get3A_223 = vector.shape_cast %get3A_222 : vector<1x16xf32> to vector<16xf32>
          %mul3A_224 = arith.mulf %get3A_219, %get3A_223 : vector<16xf32>
          %swap3A_225 = arith.index_cast %scan3A_119 : i32 to index
          %swap3A_226 = arith.constant 112 : index
          %swap3A_227 = tpu.vector_load %arg9[%swap3A_225, %swap3A_226] {strides = array<i32>} : memref<128x128xf32, #tpu.memory_space<vmem>>, vector<1x16xf32>,
          %swap3A_228 = vector.shape_cast %swap3A_227 : vector<1x16xf32> to vector<16xf32>
          %swap3A_229 = vector.shape_cast %mul3A_224 : vector<16xf32> to vector<1x16xf32>
          tpu.vector_store %arg9[%swap3A_225, %swap3A_226], %swap3A_229 {strides = array<i32>} : memref<128x128xf32, #tpu.memory_space<vmem>>, vector<1x16xf32>,
        }
        %scan3A_118 = arith.constant 128 : i32
        "tpu.region"() ({
          %run_scoped3A = tpu.sem_alloc : memref<!tpu.dma_semaphore, #tpu.memory_space<semaphore_mem>>
          %dma_start3A_119 = arith.constant 0 : i32
          %dma_start3A_120 = tpu.memref_slice %arg8[%while3A_92, %dma_start3A_119] : memref<8x128xi32, #tpu.memory_space<vmem>> -> memref<1x128xi32, #tpu.memory_space<vmem>>
          %dma_start3A_121 = tpu.memref_squeeze %dma_start3A_120 : memref<1x128xi32, #tpu.memory_space<vmem>> -> memref<128xi32, #tpu.memory_space<vmem>>
          %dma_start3A_122 = arith.constant 0 : i32
          %dma_start3A_123 = arith.constant 0 : i32
          %dma_start3A_124 = tpu.memref_slice %arg11[%dma_start3A_122, %dma_start3A_123] : memref<10240x128xf32, #tpu.memory_space<vmem_shared>> -> memref<10240x128xf32, #tpu.memory_space<vmem_shared>>
          tpu.enqueue_indirect_dma source(%arg9 : memref<128x128xf32, #tpu.memory_space<vmem>>) target(%dma_start3A_124 : memref<10240x128xf32, #tpu.memory_space<vmem_shared>>) offsets(%dma_start3A_121 : memref<128xi32, #tpu.memory_space<vmem>>) semaphore(%run_scoped3A : memref<!tpu.dma_semaphore, #tpu.memory_space<semaphore_mem>>) {add = true}
          %dma_wait3A_125 = arith.constant 0 : i32
          %dma_wait3A_126 = tpu.memref_slice %arg8[%while3A_92, %dma_wait3A_125] : memref<8x128xi32, #tpu.memory_space<vmem>> -> memref<1x128xi32, #tpu.memory_space<vmem>>
          %dma_wait3A_127 = tpu.memref_squeeze %dma_wait3A_126 : memref<1x128xi32, #tpu.memory_space<vmem>> -> memref<128xi32, #tpu.memory_space<vmem>>
          %dma_wait3A_128 = arith.constant 0 : i32
          %dma_wait3A_129 = arith.constant 0 : i32
          %dma_wait3A_130 = tpu.memref_slice %arg11[%dma_wait3A_128, %dma_wait3A_129] : memref<10240x128xf32, #tpu.memory_space<vmem_shared>> -> memref<10240x128xf32, #tpu.memory_space<vmem_shared>>
          tpu.wait_indirect_dma semaphore(%run_scoped3A : memref<!tpu.dma_semaphore, #tpu.memory_space<semaphore_mem>>) src(%arg9 : memref<128x128xf32, #tpu.memory_space<vmem>>) dst(%dma_wait3A_130 : memref<10240x128xf32, #tpu.memory_space<vmem_shared>>)
          tpu.yield
        }) : () -> ()
      }
    }
    %barrier3A_67 = arith.constant 0 : index
    tpu.barrier barrier_id(%barrier3A_67)
    %mul3A_68 = arith.constant 640 : i32
    %mul3A_69 = arith.muli %arg1, %mul3A_68 : i32
    %mul3A_70 = arith.constant 640 : i32
    %mul3A_71 = arith.muli %arg1, %mul3A_70 : i32
    "tpu.region"() ({
      %run_scoped3A = tpu.sem_alloc : memref<!tpu.dma_semaphore, #tpu.memory_space<semaphore_mem>>
      %dma_start3A = arith.constant 0 : i32
      %dma_start3A_72 = tpu.memref_slice %arg6[%arg0, %mul3A_71, %dma_start3A] : memref<2x10240x128xf32, #tpu.memory_space<hbm>> -> memref<1x640x128xf32, #tpu.memory_space<hbm>>
      %dma_start3A_73 = tpu.memref_squeeze %dma_start3A_72 : memref<1x640x128xf32, #tpu.memory_space<hbm>> -> memref<640x128xf32, #tpu.memory_space<hbm>>
      %dma_start3A_74 = arith.constant 0 : i32
      %dma_start3A_75 = tpu.memref_slice %arg11[%mul3A_69, %dma_start3A_74] : memref<10240x128xf32, #tpu.memory_space<vmem_shared>> -> memref<640x128xf32, #tpu.memory_space<vmem_shared>>
      tpu.enqueue_dma source(%dma_start3A_75 : memref<640x128xf32, #tpu.memory_space<vmem_shared>>) target(%dma_start3A_73 : memref<640x128xf32, #tpu.memory_space<hbm>>) target_semaphore(%run_scoped3A : memref<!tpu.dma_semaphore, #tpu.memory_space<semaphore_mem>>)
      %dma_wait3A = arith.constant 0 : i32
      %dma_wait3A_76 = tpu.memref_slice %arg6[%arg0, %mul3A_71, %dma_wait3A] : memref<2x10240x128xf32, #tpu.memory_space<hbm>> -> memref<1x640x128xf32, #tpu.memory_space<hbm>>
      %dma_wait3A_77 = tpu.memref_squeeze %dma_wait3A_76 : memref<1x640x128xf32, #tpu.memory_space<hbm>> -> memref<640x128xf32, #tpu.memory_space<hbm>>
      %dma_wait3A_78 = arith.constant 0 : i32
      %dma_wait3A_79 = tpu.memref_slice %arg11[%mul3A_69, %dma_wait3A_78] : memref<10240x128xf32, #tpu.memory_space<vmem_shared>> -> memref<640x128xf32, #tpu.memory_space<vmem_shared>>
      tpu.wait_dma2 semaphore(%run_scoped3A : memref<!tpu.dma_semaphore, #tpu.memory_space<semaphore_mem>>) src(%dma_wait3A_79 : memref<640x128xf32, #tpu.memory_space<vmem_shared>>) dst(%dma_wait3A_77 : memref<640x128xf32, #tpu.memory_space<hbm>>)
      tpu.yield
    }) : () -> ()
    return
  }
}

module attributes {stable_mosaic.version = 14 : i64} {
  func.func @_scale_body(%arg0: i32, %arg1: memref<2x1280x128xf32, #tpu.memory_space<vmem>>, %arg2: memref<4x1280xf32, #tpu.memory_space<vmem>>, %arg3: memref<2x1280x128xf32, #tpu.memory_space<vmem>>) attributes {dimension_semantics = [#tpu.dimension_semantics<arbitrary>], iteration_bounds = array<i64: 8>, scalar_prefetch = 0 : i64, scratch_operands = 0 : i64, tpu.core_type = #tpu.core_type<tc>, window_params = [{transform_indices = @transform_0, window_bounds = array<i64: 2, 1280, 128>}, {transform_indices = @transform_1, window_bounds = array<i64: 4, 1280>}, {transform_indices = @transform_2, window_bounds = array<i64: 2, 1280, 128>}]} {
    %get3A = arith.constant 1 : index
    %get3A_0 = arith.constant 0 : index
    %get3A_1 = vector.load %arg2[%get3A, %get3A_0] : memref<4x1280xf32, #tpu.memory_space<vmem>>, vector<1x1280xf32>
    %get3A_2 = vector.shape_cast %get3A_1 : vector<1x1280xf32> to vector<1280xf32>
    %get3A_3 = arith.constant 3 : index
    %get3A_4 = arith.constant 0 : index
    %get3A_5 = vector.load %arg2[%get3A_3, %get3A_4] : memref<4x1280xf32, #tpu.memory_space<vmem>>, vector<1x1280xf32>
    %get3A_6 = vector.shape_cast %get3A_5 : vector<1x1280xf32> to vector<1280xf32>
    %add3A = arith.addf %get3A_2, %get3A_6 : vector<1280xf32>
    %add3A_7 = arith.constant 1.000000e+00 : f32
    %add3A_8 = vector.broadcast %add3A_7 : f32 to vector<1280xf32>
    %add3A_9 = arith.addf %add3A, %add3A_8 : vector<1280xf32>
    %rsqrt3A = math.rsqrt %add3A_9 : vector<1280xf32>
    %get3A_10 = arith.constant 0 : index
    %get3A_11 = arith.constant 0 : index
    %get3A_12 = arith.constant 0 : index
    %get3A_13 = vector.load %arg1[%get3A_10, %get3A_11, %get3A_12] : memref<2x1280x128xf32, #tpu.memory_space<vmem>>, vector<2x1280x128xf32>
    %broadcast_in_dim3A = vector.shape_cast %rsqrt3A : vector<1280xf32> to vector<1x1280x1xf32>
    %mul3A = vector.broadcast %broadcast_in_dim3A : vector<1x1280x1xf32> to vector<2x1280x128xf32>
    %mul3A_14 = arith.mulf %get3A_13, %mul3A : vector<2x1280x128xf32>
    %swap3A = arith.constant 0 : index
    %swap3A_15 = arith.constant 0 : index
    %swap3A_16 = arith.constant 0 : index
    %swap3A_17 = vector.load %arg3[%swap3A, %swap3A_15, %swap3A_16] : memref<2x1280x128xf32, #tpu.memory_space<vmem>>, vector<2x1280x128xf32>
    tpu.vector_store %arg3[%swap3A, %swap3A_15, %swap3A_16], %mul3A_14 {strides = array<i32>} : memref<2x1280x128xf32, #tpu.memory_space<vmem>>, vector<2x1280x128xf32>,
    return
  }
  func.func @transform_0(%arg0: i32) -> (i32, i32, i32) {
    %c0_i32 = arith.constant 0 : i32
    %c0_i32_0 = arith.constant 0 : i32
    %c0_i32_1 = arith.constant 0 : i32
    return %c0_i32, %arg0, %c0_i32_0 : i32, i32, i32
  }
  func.func @transform_1(%arg0: i32) -> (i32, i32) {
    %c0_i32 = arith.constant 0 : i32
    %c0_i32_0 = arith.constant 0 : i32
    return %c0_i32, %arg0 : i32, i32
  }
  func.func @transform_2(%arg0: i32) -> (i32, i32, i32) {
    %c0_i32 = arith.constant 0 : i32
    %c0_i32_0 = arith.constant 0 : i32
    %c0_i32_1 = arith.constant 0 : i32
    return %c0_i32, %arg0, %c0_i32_0 : i32, i32, i32
  }
}

module attributes {stable_mosaic.version = 14 : i64} {
  func.func @_mm_body(%arg0: i32, %arg1: memref<3200x256xf32, #tpu.memory_space<vmem>>, %arg2: memref<256x256xf32, #tpu.memory_space<vmem>>, %arg3: memref<3200x256xf32, #tpu.memory_space<vmem>>) attributes {dimension_semantics = [#tpu.dimension_semantics<arbitrary>], iteration_bounds = array<i64: 50>, scalar_prefetch = 0 : i64, scratch_operands = 0 : i64, tpu.core_type = #tpu.core_type<tc>, window_params = [{transform_indices = @transform_0, window_bounds = array<i64: 3200, 256>}, {pipeline_mode = #tpu.pipeline_mode<synchronous>, transform_indices = @transform_1, window_bounds = array<i64: 256, 256>}, {transform_indices = @transform_2, window_bounds = array<i64: 3200, 256>}]} {
    %get3A = arith.constant 0 : index
    %get3A_0 = arith.constant 0 : index
    %get3A_1 = vector.load %arg1[%get3A, %get3A_0] : memref<3200x256xf32, #tpu.memory_space<vmem>>, vector<3200x256xf32>
    %get3A_2 = arith.constant 0 : index
    %get3A_3 = arith.constant 0 : index
    %get3A_4 = vector.load %arg2[%get3A_2, %get3A_3] : memref<256x256xf32, #tpu.memory_space<vmem>>, vector<256x256xf32>
    %dot_general3A = arith.constant dense<0.000000e+00> : vector<3200x256xf32>
    %dot_general3A_5 = tpu.matmul %get3A_1, %get3A_4, %dot_general3A {dimension_numbers = #tpu.dot_dimension_numbers<[1], [0], [0], [1], [0, 0, 1, 1], [], []>, transpose_lhs_hint = false} : vector<3200x256xf32>, vector<256x256xf32>, vector<3200x256xf32> -> vector<3200x256xf32>
    %swap3A = arith.constant 0 : index
    %swap3A_6 = arith.constant 0 : index
    %swap3A_7 = vector.load %arg3[%swap3A, %swap3A_6] : memref<3200x256xf32, #tpu.memory_space<vmem>>, vector<3200x256xf32>
    tpu.vector_store %arg3[%swap3A, %swap3A_6], %dot_general3A_5 {strides = array<i32>} : memref<3200x256xf32, #tpu.memory_space<vmem>>, vector<3200x256xf32>,
    return
  }
  func.func @transform_0(%arg0: i32) -> (i32, i32) {
    %c0_i32 = arith.constant 0 : i32
    %c0_i32_0 = arith.constant 0 : i32
    return %arg0, %c0_i32 : i32, i32
  }
  func.func @transform_1(%arg0: i32) -> (i32, i32) {
    %c0_i32 = arith.constant 0 : i32
    %c0_i32_0 = arith.constant 0 : i32
    %c0_i32_1 = arith.constant 0 : i32
    return %c0_i32, %c0_i32_0 : i32, i32
  }
  func.func @transform_2(%arg0: i32) -> (i32, i32) {
    %c0_i32 = arith.constant 0 : i32
    %c0_i32_0 = arith.constant 0 : i32
    return %arg0, %c0_i32 : i32, i32
  }
}

module attributes {stable_mosaic.version = 14 : i64} {
  func.func @_fused_body(%arg0: i32, %arg1: memref<2x1280x128xf32, #tpu.memory_space<vmem>>, %arg2: memref<1280x256xf32, #tpu.memory_space<vmem>>, %arg3: memref<4x1280xf32, #tpu.memory_space<vmem>>, %arg4: memref<128x256xf32, #tpu.memory_space<vmem>>, %arg5: memref<128x256xf32, #tpu.memory_space<vmem>>, %arg6: memref<256x256xf32, #tpu.memory_space<vmem>>, %arg7: memref<1x256xf32, #tpu.memory_space<vmem>>, %arg8: memref<1x256xf32, #tpu.memory_space<vmem>>, %arg9: memref<1280x256xf32, #tpu.memory_space<vmem>>, %arg10: memref<2x256xf32, #tpu.memory_space<vmem>>) attributes {dimension_semantics = [#tpu.dimension_semantics<arbitrary>], iteration_bounds = array<i64: 8>, scalar_prefetch = 0 : i64, scratch_operands = 0 : i64, tpu.core_type = #tpu.core_type<tc>, window_params = [{transform_indices = @transform_0, window_bounds = array<i64: 2, 1280, 128>}, {transform_indices = @transform_1, window_bounds = array<i64: 1280, 256>}, {transform_indices = @transform_2, window_bounds = array<i64: 4, 1280>}, {pipeline_mode = #tpu.pipeline_mode<synchronous>, transform_indices = @transform_3, window_bounds = array<i64: 128, 256>}, {pipeline_mode = #tpu.pipeline_mode<synchronous>, transform_indices = @transform_4, window_bounds = array<i64: 128, 256>}, {pipeline_mode = #tpu.pipeline_mode<synchronous>, transform_indices = @transform_5, window_bounds = array<i64: 256, 256>}, {pipeline_mode = #tpu.pipeline_mode<synchronous>, transform_indices = @transform_6, window_bounds = array<i64: 1, 256>}, {pipeline_mode = #tpu.pipeline_mode<synchronous>, transform_indices = @transform_7, window_bounds = array<i64: 1, 256>}, {transform_indices = @transform_8, window_bounds = array<i64: 1280, 256>}, {pipeline_mode = #tpu.pipeline_mode<synchronous>, transform_indices = @transform_9, window_bounds = array<i64: 2, 256>}]} {
    %get3A = arith.constant 0 : index
    %get3A_0 = arith.constant 0 : index
    %get3A_1 = arith.constant 0 : index
    %get3A_2 = vector.load %arg1[%get3A, %get3A_0, %get3A_1] : memref<2x1280x128xf32, #tpu.memory_space<vmem>>, vector<1x1280x128xf32>
    %get3A_3 = vector.shape_cast %get3A_2 : vector<1x1280x128xf32> to vector<1280x128xf32>
    %get3A_4 = arith.constant 0 : index
    %get3A_5 = arith.constant 0 : index
    %get3A_6 = vector.load %arg4[%get3A_4, %get3A_5] : memref<128x256xf32, #tpu.memory_space<vmem>>, vector<128x256xf32>
    %dot_general3A = arith.constant dense<0.000000e+00> : vector<1280x256xf32>
    %dot_general3A_7 = tpu.matmul %get3A_3, %get3A_6, %dot_general3A {dimension_numbers = #tpu.dot_dimension_numbers<[1], [0], [0], [1], [0, 0, 1, 1], [], []>, transpose_lhs_hint = false} : vector<1280x128xf32>, vector<128x256xf32>, vector<1280x256xf32> -> vector<1280x256xf32>
    %get3A_8 = arith.constant 1 : index
    %get3A_9 = arith.constant 0 : index
    %get3A_10 = arith.constant 0 : index
    %get3A_11 = vector.load %arg1[%get3A_8, %get3A_9, %get3A_10] : memref<2x1280x128xf32, #tpu.memory_space<vmem>>, vector<1x1280x128xf32>
    %get3A_12 = vector.shape_cast %get3A_11 : vector<1x1280x128xf32> to vector<1280x128xf32>
    %get3A_13 = arith.constant 0 : index
    %get3A_14 = arith.constant 0 : index
    %get3A_15 = vector.load %arg5[%get3A_13, %get3A_14] : memref<128x256xf32, #tpu.memory_space<vmem>>, vector<128x256xf32>
    %dot_general3A_16 = arith.constant dense<0.000000e+00> : vector<1280x256xf32>
    %dot_general3A_17 = tpu.matmul %get3A_12, %get3A_15, %dot_general3A_16 {dimension_numbers = #tpu.dot_dimension_numbers<[1], [0], [0], [1], [0, 0, 1, 1], [], []>, transpose_lhs_hint = false} : vector<1280x128xf32>, vector<128x256xf32>, vector<1280x256xf32> -> vector<1280x256xf32>
    %add3A = arith.addf %dot_general3A_7, %dot_general3A_17 : vector<1280x256xf32>
    %get3A_18 = arith.constant 0 : index
    %get3A_19 = arith.constant 0 : index
    %get3A_20 = vector.load %arg3[%get3A_18, %get3A_19] : memref<4x1280xf32, #tpu.memory_space<vmem>>, vector<1x1280xf32>
    %get3A_21 = vector.shape_cast %get3A_20 : vector<1x1280xf32> to vector<1280xf32>
    %get3A_22 = arith.constant 2 : index
    %get3A_23 = arith.constant 0 : index
    %get3A_24 = vector.load %arg3[%get3A_22, %get3A_23] : memref<4x1280xf32, #tpu.memory_space<vmem>>, vector<1x1280xf32>
    %get3A_25 = vector.shape_cast %get3A_24 : vector<1x1280xf32> to vector<1280xf32>
    %add3A_26 = arith.addf %get3A_21, %get3A_25 : vector<1280xf32>
    %add3A_27 = arith.constant 1.000000e+00 : f32
    %add3A_28 = vector.broadcast %add3A_27 : f32 to vector<1280xf32>
    %add3A_29 = arith.addf %add3A_26, %add3A_28 : vector<1280xf32>
    %rsqrt3A = math.rsqrt %add3A_29 : vector<1280xf32>
    %get3A_30 = arith.constant 0 : index
    %get3A_31 = arith.constant 0 : index
    %get3A_32 = vector.load %arg2[%get3A_30, %get3A_31] : memref<1280x256xf32, #tpu.memory_space<vmem>>, vector<1280x256xf32>
    %get3A_33 = arith.constant 0 : index
    %get3A_34 = arith.constant 0 : index
    %get3A_35 = vector.load %arg7[%get3A_33, %get3A_34] : memref<1x256xf32, #tpu.memory_space<vmem>>, vector<1x256xf32>
    %mul3A = vector.broadcast %get3A_35 : vector<1x256xf32> to vector<1280x256xf32>
    %mul3A_36 = arith.mulf %get3A_32, %mul3A : vector<1280x256xf32>
    %get3A_37 = arith.constant 0 : index
    %get3A_38 = arith.constant 0 : index
    %get3A_39 = vector.load %arg6[%get3A_37, %get3A_38] : memref<256x256xf32, #tpu.memory_space<vmem>>, vector<256x256xf32>
    %dot_general3A_40 = arith.constant dense<0.000000e+00> : vector<1280x256xf32>
    %dot_general3A_41 = tpu.matmul %mul3A_36, %get3A_39, %dot_general3A_40 {dimension_numbers = #tpu.dot_dimension_numbers<[1], [0], [0], [1], [0, 0, 1, 1], [], []>, transpose_lhs_hint = false} : vector<1280x256xf32>, vector<256x256xf32>, vector<1280x256xf32> -> vector<1280x256xf32>
    %broadcast_in_dim3A = vector.shape_cast %rsqrt3A : vector<1280xf32> to vector<1280x1xf32>
    %mul3A_42 = vector.broadcast %broadcast_in_dim3A : vector<1280x1xf32> to vector<1280x256xf32>
    %mul3A_43 = arith.mulf %add3A, %mul3A_42 : vector<1280x256xf32>
    %add3A_44 = arith.addf %mul3A_43, %dot_general3A_41 : vector<1280x256xf32>
    %mul3A_45 = arith.constant 0.333333313 : f32
    %mul3A_46 = vector.broadcast %mul3A_45 : f32 to vector<1280x256xf32>
    %mul3A_47 = arith.mulf %add3A_44, %mul3A_46 : vector<1280x256xf32>
    %get3A_48 = arith.constant 0 : index
    %get3A_49 = arith.constant 0 : index
    %get3A_50 = vector.load %arg8[%get3A_48, %get3A_49] : memref<1x256xf32, #tpu.memory_space<vmem>>, vector<1x256xf32>
    %add3A_51 = vector.broadcast %get3A_50 : vector<1x256xf32> to vector<1280x256xf32>
    %add3A_52 = arith.addf %mul3A_47, %add3A_51 : vector<1280x256xf32>
    %swap3A = arith.constant 0 : index
    %swap3A_53 = arith.constant 0 : index
    %swap3A_54 = vector.load %arg9[%swap3A, %swap3A_53] : memref<1280x256xf32, #tpu.memory_space<vmem>>, vector<1280x256xf32>
    tpu.vector_store %arg9[%swap3A, %swap3A_53], %add3A_52 {strides = array<i32>} : memref<1280x256xf32, #tpu.memory_space<vmem>>, vector<1280x256xf32>,
    %mul3A_55 = arith.constant 1280 : i32
    %mul3A_56 = arith.muli %arg0, %mul3A_55 : i32
    %iota3A = tpu.iota {dimensions = array<i32: 0>} : vector<1280x1xi32>
    %add3A_57 = vector.broadcast %mul3A_56 : i32 to vector<1280x1xi32>
    %add3A_58 = arith.addi %add3A_57, %iota3A : vector<1280x1xi32>
    %lt3A = arith.constant 10000 : i32
    %lt3A_59 = vector.broadcast %lt3A : i32 to vector<1280x1xi32>
    %lt3A_60 = arith.cmpi slt, %add3A_58, %lt3A_59 : vector<1280x1xi32>
    %jit3A = arith.constant 0.000000e+00 : f32
    %broadcast_in_dim3A_61 = vector.shape_cast %lt3A_60 : vector<1280x1xi1> to vector<1280x1xi1>
    %broadcast_in_dim3A_62 = vector.broadcast %broadcast_in_dim3A_61 : vector<1280x1xi1> to vector<1280x256xi1>
    %broadcast_in_dim3A_63 = vector.broadcast %jit3A : f32 to vector<1280x256xf32>
    %select_n3A = arith.select %broadcast_in_dim3A_62, %add3A_52, %broadcast_in_dim3A_63 : vector<1280x256xi1>, vector<1280x256xf32>
    %reduce_sum3A = arith.constant dense<0.000000e+00> : vector<256xf32>
    %reduce_sum3A_64 = vector.multi_reduction <add>, %select_n3A, %reduce_sum3A [0] : vector<1280x256xf32> to vector<256xf32>
    %mul3A_65 = arith.mulf %select_n3A, %select_n3A : vector<1280x256xf32>
    %reduce_sum3A_66 = arith.constant dense<0.000000e+00> : vector<256xf32>
    %reduce_sum3A_67 = vector.multi_reduction <add>, %mul3A_65, %reduce_sum3A_66 [0] : vector<1280x256xf32> to vector<256xf32>
    %eq3A = arith.constant 0 : i32
    %eq3A_68 = arith.cmpi eq, %arg0, %eq3A : i32
    %convert_element_type3A = arith.extui %eq3A_68 : i1 to i32
    %cond3A = arith.constant 0 : i32
    %cond3A_69 = arith.cmpi ne, %convert_element_type3A, %cond3A : i32
    scf.if %cond3A_69 {
      %swap3A_74 = arith.constant 0 : index
      %swap3A_75 = arith.constant 0 : index
      %swap3A_76 = vector.load %arg10[%swap3A_74, %swap3A_75] : memref<2x256xf32, #tpu.memory_space<vmem>>, vector<1x256xf32>
      %swap3A_77 = vector.shape_cast %swap3A_76 : vector<1x256xf32> to vector<256xf32>
      %swap3A_78 = vector.shape_cast %reduce_sum3A_64 : vector<256xf32> to vector<1x256xf32>
      tpu.vector_store %arg10[%swap3A_74, %swap3A_75], %swap3A_78 {strides = array<i32>} : memref<2x256xf32, #tpu.memory_space<vmem>>, vector<1x256xf32>,
      %swap3A_79 = arith.constant 1 : index
      %swap3A_80 = arith.constant 0 : index
      %swap3A_81 = vector.load %arg10[%swap3A_79, %swap3A_80] : memref<2x256xf32, #tpu.memory_space<vmem>>, vector<1x256xf32>
      %swap3A_82 = vector.shape_cast %swap3A_81 : vector<1x256xf32> to vector<256xf32>
      %swap3A_83 = vector.shape_cast %reduce_sum3A_67 : vector<256xf32> to vector<1x256xf32>
      tpu.vector_store %arg10[%swap3A_79, %swap3A_80], %swap3A_83 {strides = array<i32>} : memref<2x256xf32, #tpu.memory_space<vmem>>, vector<1x256xf32>,
    } else {
    }
    %gt3A = arith.constant 0 : i32
    %gt3A_70 = arith.cmpi sgt, %arg0, %gt3A : i32
    %convert_element_type3A_71 = arith.extui %gt3A_70 : i1 to i32
    %cond3A_72 = arith.constant 0 : i32
    %cond3A_73 = arith.cmpi ne, %convert_element_type3A_71, %cond3A_72 : i32
    scf.if %cond3A_73 {
      %get3A_74 = arith.constant 0 : index
      %get3A_75 = arith.constant 0 : index
      %get3A_76 = vector.load %arg10[%get3A_74, %get3A_75] : memref<2x256xf32, #tpu.memory_space<vmem>>, vector<1x256xf32>
      %get3A_77 = vector.shape_cast %get3A_76 : vector<1x256xf32> to vector<256xf32>
      %add3A_78 = arith.addf %get3A_77, %reduce_sum3A_64 : vector<256xf32>
      %swap3A_79 = arith.constant 0 : index
      %swap3A_80 = arith.constant 0 : index
      %swap3A_81 = vector.load %arg10[%swap3A_79, %swap3A_80] : memref<2x256xf32, #tpu.memory_space<vmem>>, vector<1x256xf32>
      %swap3A_82 = vector.shape_cast %swap3A_81 : vector<1x256xf32> to vector<256xf32>
      %swap3A_83 = vector.shape_cast %add3A_78 : vector<256xf32> to vector<1x256xf32>
      tpu.vector_store %arg10[%swap3A_79, %swap3A_80], %swap3A_83 {strides = array<i32>} : memref<2x256xf32, #tpu.memory_space<vmem>>, vector<1x256xf32>,
      %get3A_84 = arith.constant 1 : index
      %get3A_85 = arith.constant 0 : index
      %get3A_86 = vector.load %arg10[%get3A_84, %get3A_85] : memref<2x256xf32, #tpu.memory_space<vmem>>, vector<1x256xf32>
      %get3A_87 = vector.shape_cast %get3A_86 : vector<1x256xf32> to vector<256xf32>
      %add3A_88 = arith.addf %get3A_87, %reduce_sum3A_67 : vector<256xf32>
      %swap3A_89 = arith.constant 1 : index
      %swap3A_90 = arith.constant 0 : index
      %swap3A_91 = vector.load %arg10[%swap3A_89, %swap3A_90] : memref<2x256xf32, #tpu.memory_space<vmem>>, vector<1x256xf32>
      %swap3A_92 = vector.shape_cast %swap3A_91 : vector<1x256xf32> to vector<256xf32>
      %swap3A_93 = vector.shape_cast %add3A_88 : vector<256xf32> to vector<1x256xf32>
      tpu.vector_store %arg10[%swap3A_89, %swap3A_90], %swap3A_93 {strides = array<i32>} : memref<2x256xf32, #tpu.memory_space<vmem>>, vector<1x256xf32>,
    } else {
    }
    return
  }
  func.func @transform_0(%arg0: i32) -> (i32, i32, i32) {
    %c0_i32 = arith.constant 0 : i32
    %c0_i32_0 = arith.constant 0 : i32
    %c0_i32_1 = arith.constant 0 : i32
    return %c0_i32, %arg0, %c0_i32_0 : i32, i32, i32
  }
  func.func @transform_1(%arg0: i32) -> (i32, i32) {
    %c0_i32 = arith.constant 0 : i32
    %c0_i32_0 = arith.constant 0 : i32
    return %arg0, %c0_i32 : i32, i32
  }
  func.func @transform_2(%arg0: i32) -> (i32, i32) {
    %c0_i32 = arith.constant 0 : i32
    %c0_i32_0 = arith.constant 0 : i32
    return %c0_i32, %arg0 : i32, i32
  }
  func.func @transform_3(%arg0: i32) -> (i32, i32) {
    %c0_i32 = arith.constant 0 : i32
    %c0_i32_0 = arith.constant 0 : i32
    %c0_i32_1 = arith.constant 0 : i32
    return %c0_i32, %c0_i32_0 : i32, i32
  }
  func.func @transform_4(%arg0: i32) -> (i32, i32) {
    %c0_i32 = arith.constant 0 : i32
    %c0_i32_0 = arith.constant 0 : i32
    %c0_i32_1 = arith.constant 0 : i32
    return %c0_i32, %c0_i32_0 : i32, i32
  }
  func.func @transform_5(%arg0: i32) -> (i32, i32) {
    %c0_i32 = arith.constant 0 : i32
    %c0_i32_0 = arith.constant 0 : i32
    %c0_i32_1 = arith.constant 0 : i32
    return %c0_i32, %c0_i32_0 : i32, i32
  }
  func.func @transform_6(%arg0: i32) -> (i32, i32) {
    %c0_i32 = arith.constant 0 : i32
    %c0_i32_0 = arith.constant 0 : i32
    %c0_i32_1 = arith.constant 0 : i32
    return %c0_i32, %c0_i32_0 : i32, i32
  }
  func.func @transform_7(%arg0: i32) -> (i32, i32) {
    %c0_i32 = arith.constant 0 : i32
    %c0_i32_0 = arith.constant 0 : i32
    %c0_i32_1 = arith.constant 0 : i32
    return %c0_i32, %c0_i32_0 : i32, i32
  }
  func.func @transform_8(%arg0: i32) -> (i32, i32) {
    %c0_i32 = arith.constant 0 : i32
    %c0_i32_0 = arith.constant 0 : i32
    return %arg0, %c0_i32 : i32, i32
  }
  func.func @transform_9(%arg0: i32) -> (i32, i32) {
    %c0_i32 = arith.constant 0 : i32
    %c0_i32_0 = arith.constant 0 : i32
    %c0_i32_1 = arith.constant 0 : i32
    return %c0_i32, %c0_i32_0 : i32, i32
  }
}

module attributes {stable_mosaic.version = 14 : i64} {
  func.func @_bn_body(%arg0: i32, %arg1: memref<1280x256xf32, #tpu.memory_space<vmem>>, %arg2: memref<2x256xf32, #tpu.memory_space<vmem>>, %arg3: memref<1x256xf32, #tpu.memory_space<vmem>>, %arg4: memref<1x256xf32, #tpu.memory_space<vmem>>, %arg5: memref<1280x256xf32, #tpu.memory_space<vmem>>) attributes {dimension_semantics = [#tpu.dimension_semantics<arbitrary>], iteration_bounds = array<i64: 8>, scalar_prefetch = 0 : i64, scratch_operands = 0 : i64, tpu.core_type = #tpu.core_type<tc>, window_params = [{transform_indices = @transform_0, window_bounds = array<i64: 1280, 256>}, {pipeline_mode = #tpu.pipeline_mode<synchronous>, transform_indices = @transform_1, window_bounds = array<i64: 2, 256>}, {pipeline_mode = #tpu.pipeline_mode<synchronous>, transform_indices = @transform_2, window_bounds = array<i64: 1, 256>}, {pipeline_mode = #tpu.pipeline_mode<synchronous>, transform_indices = @transform_3, window_bounds = array<i64: 1, 256>}, {transform_indices = @transform_4, window_bounds = array<i64: 1280, 256>}]} {
    %get3A = arith.constant 0 : index
    %get3A_0 = arith.constant 0 : index
    %get3A_1 = vector.load %arg2[%get3A, %get3A_0] : memref<2x256xf32, #tpu.memory_space<vmem>>, vector<1x256xf32>
    %get3A_2 = vector.shape_cast %get3A_1 : vector<1x256xf32> to vector<256xf32>
    %mul3A = arith.constant 9.99999974E-5 : f32
    %mul3A_3 = vector.broadcast %mul3A : f32 to vector<256xf32>
    %mul3A_4 = arith.mulf %get3A_2, %mul3A_3 : vector<256xf32>
    %get3A_5 = arith.constant 1 : index
    %get3A_6 = arith.constant 0 : index
    %get3A_7 = vector.load %arg2[%get3A_5, %get3A_6] : memref<2x256xf32, #tpu.memory_space<vmem>>, vector<1x256xf32>
    %get3A_8 = vector.shape_cast %get3A_7 : vector<1x256xf32> to vector<256xf32>
    %mul3A_9 = arith.constant 9.99999974E-5 : f32
    %mul3A_10 = vector.broadcast %mul3A_9 : f32 to vector<256xf32>
    %mul3A_11 = arith.mulf %get3A_8, %mul3A_10 : vector<256xf32>
    %mul3A_12 = arith.mulf %mul3A_4, %mul3A_4 : vector<256xf32>
    %sub3A = arith.subf %mul3A_11, %mul3A_12 : vector<256xf32>
    %add3A = arith.constant 9.99999974E-6 : f32
    %add3A_13 = vector.broadcast %add3A : f32 to vector<256xf32>
    %add3A_14 = arith.addf %sub3A, %add3A_13 : vector<256xf32>
    %rsqrt3A = math.rsqrt %add3A_14 : vector<256xf32>
    %get3A_15 = arith.constant 0 : index
    %get3A_16 = arith.constant 0 : index
    %get3A_17 = vector.load %arg1[%get3A_15, %get3A_16] : memref<1280x256xf32, #tpu.memory_space<vmem>>, vector<1280x256xf32>
    %broadcast_in_dim3A = vector.shape_cast %mul3A_4 : vector<256xf32> to vector<1x256xf32>
    %sub3A_18 = vector.broadcast %broadcast_in_dim3A : vector<1x256xf32> to vector<1280x256xf32>
    %sub3A_19 = arith.subf %get3A_17, %sub3A_18 : vector<1280x256xf32>
    %get3A_20 = arith.constant 0 : index
    %get3A_21 = arith.constant 0 : index
    %get3A_22 = vector.load %arg3[%get3A_20, %get3A_21] : memref<1x256xf32, #tpu.memory_space<vmem>>, vector<1x256xf32>
    %get3A_23 = vector.shape_cast %get3A_22 : vector<1x256xf32> to vector<256xf32>
    %mul3A_24 = arith.mulf %rsqrt3A, %get3A_23 : vector<256xf32>
    %broadcast_in_dim3A_25 = vector.shape_cast %mul3A_24 : vector<256xf32> to vector<1x256xf32>
    %mul3A_26 = vector.broadcast %broadcast_in_dim3A_25 : vector<1x256xf32> to vector<1280x256xf32>
    %mul3A_27 = arith.mulf %sub3A_19, %mul3A_26 : vector<1280x256xf32>
    %get3A_28 = arith.constant 0 : index
    %get3A_29 = arith.constant 0 : index
    %get3A_30 = vector.load %arg4[%get3A_28, %get3A_29] : memref<1x256xf32, #tpu.memory_space<vmem>>, vector<1x256xf32>
    %add3A_31 = vector.broadcast %get3A_30 : vector<1x256xf32> to vector<1280x256xf32>
    %add3A_32 = arith.addf %mul3A_27, %add3A_31 : vector<1280x256xf32>
    %max3A = arith.constant 0.000000e+00 : f32
    %max3A_33 = vector.broadcast %max3A : f32 to vector<1280x256xf32>
    %max3A_34 = arith.maximumf %add3A_32, %max3A_33 : vector<1280x256xf32>
    %swap3A = arith.constant 0 : index
    %swap3A_35 = arith.constant 0 : index
    %swap3A_36 = vector.load %arg5[%swap3A, %swap3A_35] : memref<1280x256xf32, #tpu.memory_space<vmem>>, vector<1280x256xf32>
    tpu.vector_store %arg5[%swap3A, %swap3A_35], %max3A_34 {strides = array<i32>} : memref<1280x256xf32, #tpu.memory_space<vmem>>, vector<1280x256xf32>,
    return
  }
  func.func @transform_0(%arg0: i32) -> (i32, i32) {
    %c0_i32 = arith.constant 0 : i32
    %c0_i32_0 = arith.constant 0 : i32
    return %arg0, %c0_i32 : i32, i32
  }
  func.func @transform_1(%arg0: i32) -> (i32, i32) {
    %c0_i32 = arith.constant 0 : i32
    %c0_i32_0 = arith.constant 0 : i32
    %c0_i32_1 = arith.constant 0 : i32
    return %c0_i32, %c0_i32_0 : i32, i32
  }
  func.func @transform_2(%arg0: i32) -> (i32, i32) {
    %c0_i32 = arith.constant 0 : i32
    %c0_i32_0 = arith.constant 0 : i32
    %c0_i32_1 = arith.constant 0 : i32
    return %c0_i32, %c0_i32_0 : i32, i32
  }
  func.func @transform_3(%arg0: i32) -> (i32, i32) {
    %c0_i32 = arith.constant 0 : i32
    %c0_i32_0 = arith.constant 0 : i32
    %c0_i32_1 = arith.constant 0 : i32
    return %c0_i32, %c0_i32_0 : i32, i32
  }
  func.func @transform_4(%arg0: i32) -> (i32, i32) {
    %c0_i32 = arith.constant 0 : i32
    %c0_i32_0 = arith.constant 0 : i32
    return %arg0, %c0_i32 : i32, i32
  }
}

</mosaic_0001>

<sc_bundles>
// kernel: kernel.11.cloned.1.call-start
scs
__scs_entry_jumppad:
0x0: {  	(pc) =	sbr.rel $0x88, $3  }
0x1: {  	(tag) =	ssettag $0x0;
	lr =	simm.s32 $0x1  }
0x2: {  	[smem:$0x3F97] =	sst lr;
	_ =	strace $0xD0000000  }
0x3: {  	_ = 	snop  }
0x4: {  	_ = 	snop  }
0x5: {  	_ = 	snop  }
0x6: {  	_ = 	snop  }
0x7: {  	_ = 	snop  }
__scs_overlays_trampoline_lowered:
0x8: {  	[smem:$0x3FA6] =	sst s0  }
0x9: {  	[smem:$0x3FA7] =	sst s1  }
0xa: {  	[smem:$0x3FA8] =	sst s2  }
0xb: {  	[smem:$0x3FA9] =	sst s3  }
0xc: {  	[smem:$0x3FAA] =	sst s4  }
0xd: {  	[smem:$0x3FAB] =	sst s5  }
0xe: {  	[smem:$0x3FAC] =	sst s6  }
0xf: {  	[smem:$0x3FAD] =	sst s7  }
0x10: {  	[smem:$0x3FAE] =	sst s8  }
0x11: {  	[smem:$0x3FAF] =	sst s9;
	s0 =	simm.s32 @!p0 $0x0  }
0x12: {  	s1 =	sld [smem:$0x3F95];
	s0 =	simm.s32 @p0 $0x1  }
0x13: {  	[smem:$0x3FB0] =	sst s0;
	s0 =	simm.s32 @!p1 $0x0  }
0x14: {  	s2 =	sld [smem:$0x3F94];
	s0 =	simm.s32 @p1 $0x1  }
0x15: {  	[smem:$0x3FB1] =	sst s0;
	s0 =	simm.s32 @!p2 $0x0  }
0x16: {  	s3 =	sld [smem:$0x3FDB];
	s0 =	simm.s32 @p2 $0x1  }
0x17: {  	s4 =	simm.s32 $0x1BF5;
	[smem:$0x3FB3] =	sst s0  }
0x18: {  	s0 =	sld [smem:$0x3F96];
	_ =	swait.ge [sflag:s4], $0x0  }
0x19: {  	s7 =	sld [smem:$0x3F97]  }
0x1a: {  	s8 =	sadd.s32 $0xFFFFE003, lr  }
0x1b: {  	s9 =	sadd.s32 $0xFFFFFEF7, lr;
	s5 =	simm.s32 $0xFFFFFFFF;
	p2 =	slt.u32 s8, $0xFFFFF086  }
0x1c: {  	p1 =	slt.u32 s9, $0xF7A;
	s5 =	simm.s32 @!p2 $0x0  }
0x1d: {  	s5 =	simm.s32 @p1 $0x1;
	p0 =	seq.s32 s7, s2  }
0x1e: {  	s7 =	smul.u32 @!p0 $0xF7A, s2;
	p2 =	seq.s32 @!p0 s5, $0x0  }
0x1f: {  	s9 =	smul.u32 $0xF7A, s1;
	s8 =	simm.s32 @!p0 $0x1BF5;
	p2 =	por !p2, p0  }
0x20: {  	[sflag:s8] =	ssyncset.s32 @!p0 $0xFFFFF086;
	s6 =	sadd.s32 @!p0 s3, s7;
	s7 =	simm.s32 @!p0 $0x108  }
0x21: {  	s3 =	sadd.s32 s3, s9;
	s6 =	sadd.s32 @!p0 $0x88, s6;
	s7 =	simm.s32 @p2 $0x1082  }
0x22: {  	[simem:s7], [sflag:s8] =	dma.local @!p0 [hbm:s6], $0xF7A  }
0x23: {  	s9 =	sor.u32 $0xD0000000, s2;
	s6 =	simm.s32 $0x108;
	_ =	swait.ge @!p0 [sflag:s8], $0x0  }
0x24: {  	s3 =	sadd.s32 $0x88, s3;
	s6 =	simm.s32 @!p1 $0x1082;
	[sflag:s4] =	ssyncset.s32 $0xFFFFF086  }
0x25: {  	[simem:s6], [sflag:s4] =	dma.local [hbm:s3], $0xF7A  }
0x26: {  	[smem:$0x3F97] =	sst s1;
	(tag) =	ssettag s2;
	_ =	strace s9  }
0x27: {  	s1 =	sld [smem:$0x3FA7]  }
0x28: {  	s2 =	sld [smem:$0x3FA8]  }
0x29: {  	s4 =	sld [smem:$0x3FAA]  }
0x2a: {  	p0 =	seq.s32 s5, $0x0;
	s5 =	sld [smem:$0x3FAB]  }
0x2b: {  	s6 =	sld [smem:$0x3FAC]  }
0x2c: {  	s7 =	sld [smem:$0x3FAD]  }
0x2d: {  	s3 =	simm.s32 $0x108;
	s8 =	sld [smem:$0x3FAE]  }
0x2e: {  	s3 =	simm.s32 @!p0 $0x1082;
	s9 =	sld [smem:$0x3FAF]  }
0x2f: {  	lr =	sadd.s32 s0, s3;
	s0 =	sld [smem:$0x3FA6]  }
0x30: {  	s3 =	sld [smem:$0x3FA9]  }
0x31: {  	[smem:$0x3FB2] =	sst s10  }
0x32: {  	s10 =	sld [smem:$0x3FB0];
	_ =	sdelay $0x3  }
0x33: {  	p0 =	seq.s32 s10, $0x1;
	s10 =	sld [smem:$0x3FB2];
	_ =	sdelay $0x3  }
0x34: {  	[smem:$0x3FB2] =	sst s10  }
0x35: {  	s10 =	sld [smem:$0x3FB1];
	_ =	sdelay $0x3  }
0x36: {  	p1 =	seq.s32 s10, $0x1;
	s10 =	sld [smem:$0x3FB2];
	_ =	sdelay $0x3  }
0x37: {  	[smem:$0x3FB2] =	sst s10  }
0x38: {  	s10 =	sld [smem:$0x3FB3]  }
0x39: {  	_ = 	snop;
	(pc) =	sbr.ind lr, $3  }
0x3a: {  	_ = 	snop  }
0x3b: {  	_ = 	snop  }
0x3c: {  	p2 =	seq.s32 s10, $0x1;
	s10 =	sld [smem:$0x3FB2]  }
0x3d: {  	_ =	shalt  }
0x3e: {  	_ =	shalt  }
0x3f: {  	_ =	shalt  }
0x40: {  	_ =	shalt  }
0x41: {  	_ =	shalt  }
0x42: {  	_ =	shalt  }
0x43: {  	_ =	shalt  }
0x44: {  	_ =	shalt  }
0x45: {  	_ =	shalt  }
0x46: {  	_ =	shalt  }
0x47: {  	_ =	shalt  }
0x48: {  	_ =	shalt  }
0x49: {  	_ =	shalt  }
0x4a: {  	_ =	shalt  }
0x4b: {  	_ =	shalt  }
0x4c: {  	_ =	shalt  }
0x4d: {  	_ =	shalt  }
0x4e: {  	_ =	shalt  }
0x4f: {  	_ =	shalt  }
0x50: {  	_ =	shalt  }
0x51: {  	_ =	shalt  }
0x52: {  	_ =	shalt  }
0x53: {  	_ =	shalt  }
0x54: {  	_ =	shalt  }
0x55: {  	_ =	shalt  }
0x56: {  	_ =	shalt  }
0x57: {  	_ =	shalt  }
0x58: {  	_ =	shalt  }
0x59: {  	_ =	shalt  }
0x5a: {  	_ =	shalt  }
0x5b: {  	_ =	shalt  }
0x5c: {  	_ =	shalt  }
0x5d: {  	_ =	shalt  }
0x5e: {  	_ =	shalt  }
0x5f: {  	_ =	shalt  }
0x60: {  	_ =	shalt  }
0x61: {  	_ =	shalt  }
0x62: {  	_ =	shalt  }
0x63: {  	_ =	shalt  }
0x64: {  	_ =	shalt  }
0x65: {  	_ =	shalt  }
0x66: {  	_ =	shalt  }
0x67: {  	_ =	shalt  }
0x68: {  	_ =	shalt  }
0x69: {  	_ =	shalt  }
0x6a: {  	_ =	shalt  }
0x6b: {  	_ =	shalt  }
0x6c: {  	_ =	shalt  }
0x6d: {  	_ =	shalt  }
0x6e: {  	_ =	shalt  }
0x6f: {  	_ =	shalt  }
0x70: {  	_ =	shalt  }
0x71: {  	_ =	shalt  }
0x72: {  	_ =	shalt  }
0x73: {  	_ =	shalt  }
0x74: {  	_ =	shalt  }
0x75: {  	_ =	shalt  }
0x76: {  	_ =	shalt  }
0x77: {  	_ =	shalt  }
0x78: {  	_ =	shalt  }
0x79: {  	_ =	shalt  }
0x7a: {  	_ =	shalt  }
0x7b: {  	_ =	shalt  }
0x7c: {  	_ =	shalt  }
0x7d: {  	_ =	shalt  }
0x7e: {  	_ =	shalt  }
0x7f: {  	_ =	shalt  }
0x80: {  	_ =	shalt  }
0x81: {  	_ =	shalt  }
0x82: {  	_ =	shalt  }
0x83: {  	_ =	shalt  }
0x84: {  	_ =	shalt  }
0x85: {  	_ =	shalt  }
0x86: {  	_ =	shalt  }
0x87: {  	_ =	shalt  }
.Lfunc_end0:
.L_simem_size_0:
called_computation.1_lowered:
.L_overlay_start_0:
0x88: {  	s2 =	sld [smem:$0x3FD9]  }
0x89: {  	s3 =	sld [smem:$0x3FFE];
	_ =	sdelay $0x1  }
0x8a: {  	s1 =	srdreg.scid  }
0x8b: {  	s0 =	sand.u32 $0x1, s1  }
0x8c: {  	s14 =	sshll.u32 s0, $0xA;
	s2 =	sadd.s32 s3, s2  }
0x8d: {  	s2 =	sadd.s32 s2, s14  }
0x8e: {  	[smem:$0x3FBE] =	sst s2  }
0x8f: {  	_ = 	snop  }
0x90: {  	s2 =	sld [smem:$0x3FD0];
	_ =	sdelay $0x2  }
0x91: {  	s4 =	simm.s32 $0xA;
	s5 =	simm.s32 $0x10;
	s15 =	sld [smem:$0x3FC7]  }
0x92: {  	[smem:s5], [sflag:s4] =	dma.local [hbm:s2], $0x1  }
0x93: {  	_ =	swait.eq [sflag:s4], $0x1  }
0x94: {  	[sflag:s4] =	ssyncset.done $0x0  }
0x95: {  	[sflag:s4] =	ssyncadd.s32 $0xFFFFFFFF  }
0x96: {  	s16 =	sld [smem:$0x10];
	(tm) =	ssettm $0x1  }
0x97: {  	s17 =	sld [smem:$0x3FFB];
	_ =	sdelay $0x3  }
0x98: {  	_ =	strace s17  }
0x99: {  	s4 =	sld [smem:$0x3FFC];
	_ =	sdelay $0x3  }
0x9a: {  	_ =	strace s4  }
0x9b: {  	s4 =	sld [smem:$0x3FFD];
	_ =	sdelay $0x3  }
0x9c: {  	_ =	strace s4  }
0x9d: {  	_ =	strace $0x8FFFFFFF  }
0x9e: {  	s18 =	sld [smem:$0x3FDB];
	_ =	sdelay $0x1  }
0x9f: {  	s19 =	simm.s32 $_scs_section_size  }
0xa0: {  	s6 =	simm.s32 $_size__tile_overlayer_lowered;
	s7 =	simm.s32 $_tile_overlayer_lowered  }
0xa1: {  	s22 =	simm.s32 $0x1BFF;
	s21 =	sshll.u32 s7, $0x1;
	s4 =	sadd.s32 s19, s18  }
0xa2: {  	s8 =	simm.s32 $0x0;
	s20 =	sshll.u32 s6, $0x1;
	s6 =	sadd.s32 s21, s4  }
0xa3: {  	[timem:s8], [sflag:s22] =	dma.local [hbm:s6], s20  }
0xa4: {  	_ =	swait.ge [sflag:s22], s20  }
0xa5: {  	s5 =	ssub.s32 $0x0, s20;
	[sflag:s22] =	ssyncset.done $0x0  }
0xa6: {  	[sflag:s22] =	ssyncadd.s32 s5;
	_ =	sdelay $0x1  }
0xa7: {  	s23 =	simm.s32 $0x1B8B  }
0xa8: {  	_ =	swait.ge [sflag:s23], $0x1  }
0xa9: {  	[sflag:s23] =	ssyncset.done $0x0  }
0xaa: {  	s25 =	simm.s32 $0x1B8E;
	s24 =	sld [smem:$0x3FFE];
	[sflag:s23] =	ssyncadd.s32 $0xFFFFFFFF  }
0xab: {  	s26 =	simm.s32 $execute0_lowered;
	[smem:$0x3FD2] =	sst s25  }
0xac: {  	s6 =	sshll.u32 s26, $0x1;
	_ =	strace $0x80000049;
	[dreg:$0x1] =	wrdreg $0xFFFFFFFF  }
0xad: {  	s28 =	simm.s32 $_size_execute0_lowered;
	s4 =	sadd.s32 s4, s6;
	[dreg:$0x0] =	wrdreg $0x0  }
0xae: {  	s6 =	sshll.u32 s28, $0x1;
	[dreg:$0x2] =	wrdreg s4  }
0xaf: {  	[dreg:$0x3] =	wrdreg s6  }
0xb0: {  	[dreg:$0x4] =	wrdreg $0xC0  }
0xb1: {  	_ =	task [dreg:s8], $0x5FFFF  }
0xb2: {  	[dreg:$0x1] =	wrdreg $0xFFFFFFFF  }
0xb3: {  	[dreg:$0x0] =	wrdreg $0x60  }
0xb4: {  	[dreg:$0x2] =	wrdreg s24  }
0xb5: {  	[dreg:$0x3] =	wrdreg s16  }
0xb6: {  	[dreg:$0x4] =	wrdreg s15  }
0xb7: {  	[dreg:$0x5] =	wrdreg $0x88000  }
0xb8: {  	[dreg:$0x6] =	wrdreg $0x9  }
0xb9: {  	_ =	task.clear_ibuf [dreg:s8], $0x7FFFF;
	_ =	strace $0x90000049  }
0xba: {  	s29 =	simm.s32 $0x9;
	_ =	strace $0x8000004B  }
0xbb: {  	_ =	swait.ge [sflag:s29], $0x1  }
0xbc: {  	[sflag:s29] =	ssyncadd.s32 $0xFFFFFFFF  }
0xbd: {  	_ =	strace $0x9000004B  }
0xbe: {  	_ =	sfence  }
0xbf: {  	s30 =	sld [smem:$0x0];
	_ =	sdelay $0x2  }
0xc0: {  	s31 =	sshll.u32 s1, $0xD;
	s1 =	sshrl.u32 s1, $0x2  }
0xc1: {  	s3 =	sand.u32 $0x4000, s31;
	s1 =	sadd.s32 s1, s30  }
0xc2: {  	s0 =	sor.u32 s3, s0;
	s1 =	sshll.u32 s1, $0x11  }
0xc3: {  	s0 =	sor.u32 s1, s0  }
0xc4: {  	s0 =	sadd.s32 $0x8F2B, s0  }
0xc5: {  	[sflag:s0] =	ssyncadd.remote.s32 $0x1  }
0xc6: {  	_ =	sfence.sel $0xFFFF  }
0xc7: {  	[dreg:$0x0] =	wrdreg $0xFFFFFFFF;
	(pc) =	sbr.abs _section_cstart, $3  }
0xc8: {  	[dreg:$0x1] =	wrdreg $0xFFFFFFFF  }
0xc9: {  	_ =	task.clear_ibuf [dreg:s8], $0x2FFFF;
	_ =	strace $0x9FFFFFFF  }
0xca: {  	(tm) =	ssettm $0x7FFFFFFF  }
0xcb: {  	_ =	shalt  }
tec
execute0_lowered:
.L_overlay_start_1:
0x0: {  	(tag) =	ssettag $0x1  }
0x1: {  	s0 =	rddreg [dreg:$0x0]  }
0x2: {  	s1 =	rddreg [dreg:$0x1];
	s2 =	srdreg.scid  }
0x3: {  	s3 =	rddreg [dreg:$0x2];
	s13 =	stileid.u32  }
0x4: {  	s4 =	rddreg [dreg:$0x3];
	s5 =	simm.s32 $0x0;
	s20 =	simm.s32 $0x4800  }
0x5: {  	s21 =	simm.s32 $0x2;
	s22 =	simm.s32 $0x400;
	s7 =	smul.u32 $0x14000, s13  }
0x6: {  	s23 =	simm.s32 $0x80;
	s24 =	simm.s32 $0x800;
	s9 =	smul.u32 $0xFFFFD880, s13  }
0x7: {  	s25 =	simm.s32 $0x1;
	s2 =	sand.u32 $0x1, s2;
	s10 =	smul.u32 $0x50000, s13  }
0x8: {  	s26 =	simm.s32 $0x0;
	[smem:$0x7FF] =	sst s5;
	s6 =	smul.u32 $0x140000, s2  }
0x9: {  	_ =	strace $0x8000004A;
	s28 =	ssub.s32 $0x2, s2;
	s12 =	smul.u32 $0x28000, s2  }
0xa: {  	s2 =	sshll.u32 s2, $0xA;
	p0 =	slt.s32 s9, $0xFFFDB680;
	s11 =	sshrl.u32 s28, $0x1  }
0xb: {  	s10 =	sshrl.u32 s10, $0x2;
	s6 =	sadd.s32 s7, s6;
	s7 =	sadd.s32 $0x3400, s0  }
0xc: {  	s9 =	simm.s32 @!p0 $0xFFFDB680;
	s14 =	ssub.s32 s28, s11;
	s10 =	sadd.s32 s10, s4  }
0xd: {  	s8 =	sshrl.u32 s6, $0x3;
	s6 =	sadd.s32 $0x8400, s0;
	s9 =	sadd.s32 $0x27100, s9  }
0xe: {  	s30 =	smax.u32 s14, $0x1;
	s31 =	sadd.s32 $0x4000, s10;
	s17 =	sadd.s32 $0x8000, s10  }
.Ltmp0:
0xf: {  	s18 =	sadd.s32 $0xC000, s10;
	s19 =	sadd.s32 $0x10000, s10;
	(pc) =	sbr.rel .LBB2_1-.Ltmp0, $4  }
0x10: {  	s0 =	sadd.s32 s8, s0;
	s8 =	smul.u32 $0x2800, s13;
	s9 =	sshrl.u32 s9, $0x7  }
0x11: {  	s13 =	smul.u32 $0x278000, s13;
	[dreg:$0x6] =	wrdreg s30;
	s29 =	sadd.s32 $0x7, s9  }
0x12: {  	[dreg:$0x7] =	wrdreg s31;
	s0 =	sadd.s32 $0x12400, s0;
	s11 =	sshrl.u32 s29, $0x3  }
0x13: {  	v0 =	vimm.f32 $0.0e+00;
	s12 =	sadd.s32 s12, s8;
	s13 =	sor.u32 s2, s13;
	[dreg:$0x5] =	wrdreg s0  }
.LBB2_10:
0x14: {  	s0 =	stileid.u32  }
0x15: {  	[bflag:$0x0] =	sbarrier.arrive $0xFFFF;
	s0 =	sshll.u32 s0, $0x6  }
0x16: {  	s2 =	sshrl.u32 s10, $0x3;
	s14 =	rddreg [dreg:$0x5];
	s0 =	sor.u32 $0x1C02, s0  }
0x17: {  	[hbm:s14], [sflag:s0] =	dma.local [spmem:s2], $0x2800  }
0x18: {  	_ =	swait.ge [sflag:s21], $0x2800  }
0x19: {  	s5 =	sadd.s32 $0x1, s5;
	s31 =	rddreg [dreg:$0x6]  }
0x1a: {  	p0 =	sne.s32 s5, s31  }
.Ltmp1:
0x1b: {  	_ = 	snop;
	(pc) =	sbr.rel @!p0 .LBB2_11-.Ltmp1, $3  }
0x1c: {  	_ =	sdelay $0x1  }
0x1d: {  	[sflag:s21] =	ssyncset.done $0x0  }
0x1e: {  	[sflag:s21] =	ssyncadd.s32 $0xFFFFD800  }
.LBB2_1:
0x1f: {  	s0 =	simm.s32 $0x0;
	s2 =	simm.s32 $0x200  }
.LBB2_2:
0x20: {  	p0 =	sne.s32 s2, $0xFE00;
	[tilespmem:s0+$0x4870] =	vst v0  }
0x21: {  	[tilespmem:s0+$0x4800] =	vst v0  }
0x22: {  	[tilespmem:s0+$0x4810] =	vst v0  }
.Ltmp2:
0x23: {  	[tilespmem:s0+$0x4820] =	vst v0;
	(pc) =	sbr.rel @p0 .LBB2_2-.Ltmp2, $4  }
0x24: {  	[tilespmem:s0+$0x4830] =	vst v0  }
0x25: {  	[tilespmem:s0+$0x4840] =	vst v0  }
0x26: {  	[tilespmem:s0+$0x4850] =	vst v0  }
0x27: {  	[tilespmem:s0+$0x4860] =	vst v0;
	s0 =	sshra.s32 s2, $0x2;
	s2 =	sadd.s32 $0x200, s2  }
0x28: {  	[tilespmem:s0+$0x4870] =	vst v0  }
0x29: {  	[tilespmem:s0+$0x4800] =	vst v0  }
0x2a: {  	[tilespmem:s0+$0x4810] =	vst v0  }
0x2b: {  	[tilespmem:s0+$0x4820] =	vst v0  }
0x2c: {  	[tilespmem:s0+$0x4830] =	vst v0  }
0x2d: {  	[tilespmem:s0+$0x4840] =	vst v0  }
0x2e: {  	[tilespmem:s0+$0x4850] =	vst v0  }
0x2f: {  	[tilespmem:s0+$0x4860] =	vst v0  }
0x30: {  	[spmem:s10] =	stream.linear.scatter [tilespmem:s20], [sflag:$0x2], $0x4000, $0x38;
	[tilespmem:$0x1C800] =	vst v63  }
0x31: {  	_ =	swait.ge [sflag:s21], $0x4000  }
0x32: {  	[sflag:s21] =	ssyncset.done $0x0  }
0x33: {  	s31 =	rddreg [dreg:$0x7];
	[sflag:s21] =	ssyncadd.s32 $0xFFFFC000  }
0x34: {  	[spmem:s31] =	stream.linear.scatter [tilespmem:s20], [sflag:$0x2], $0x4000, $0x38;
	[tilespmem:$0x1C800] =	vst v63  }
0x35: {  	_ =	swait.ge [sflag:s21], $0x4000  }
0x36: {  	[sflag:s21] =	ssyncset.done $0x0  }
0x37: {  	[sflag:s21] =	ssyncadd.s32 $0xFFFFC000  }
0x38: {  	[spmem:s17] =	stream.linear.scatter [tilespmem:s20], [sflag:$0x2], $0x4000, $0x38;
	[tilespmem:$0x1C800] =	vst v63  }
0x39: {  	_ =	swait.ge [sflag:s21], $0x4000  }
0x3a: {  	[sflag:s21] =	ssyncset.done $0x0  }
0x3b: {  	[sflag:s21] =	ssyncadd.s32 $0xFFFFC000  }
0x3c: {  	[spmem:s18] =	stream.linear.scatter [tilespmem:s20], [sflag:$0x2], $0x4000, $0x38;
	[tilespmem:$0x1C800] =	vst v63  }
0x3d: {  	_ =	swait.ge [sflag:s21], $0x4000  }
0x3e: {  	[sflag:s21] =	ssyncset.done $0x0  }
0x3f: {  	[sflag:s21] =	ssyncadd.s32 $0xFFFFC000  }
0x40: {  	[spmem:s19] =	stream.linear.scatter [tilespmem:s20], [sflag:$0x2], $0x4000, $0x38;
	[tilespmem:$0x1C800] =	vst v63  }
.Ltmp3:
0x41: {  	_ =	swait.ge [sflag:s21], $0x4000;
	(pc) =	sbr.rel .LBB2_4-.Ltmp3, $4  }
0x42: {  	[sflag:s21] =	ssyncset.done $0x0  }
0x43: {  	[sflag:s21] =	ssyncadd.s32 $0xFFFFC000  }
0x44: {  	[bflag:$0x0] =	sbarrier.arrive $0xFFFF  }
0x45: {  	s28 =	smov.u32 s9;
	s29 =	simm.s32 $0x0  }
.LBB2_9:
0x46: {  	s29 =	sadd.s32 $0x1, s29  }
0x47: {  	p0 =	sne.s32 s29, s11  }
.Ltmp4:
0x48: {  	_ = 	snop;
	(pc) =	sbr.rel @!p0 .LBB2_10-.Ltmp4, $2  }
0x49: {  	_ =	sdelay $0x2  }
0x4a: {  	s28 =	sadd.s32 $0xFFFFFFF8, s28  }
.LBB2_4:
0x4b: {  	s0 =	sshll.u32 s29, $0xA  }
0x4c: {  	s2 =	sadd.s32 s12, s0  }
0x4d: {  	s2 =	sshrl.u32 s2, $0x3  }
0x4e: {  	s2 =	sadd.s32 s6, s2  }
0x4f: {  	[tilespmem:s26], [sflag:$0x2] =	stream.linear.gather [hbm4b:s2+s26], $0x400, $0x38;
	[tilespmem:$0x1C800] =	vst v63  }
0x50: {  	s30 =	sshll.u32 s29, $0x3;
	s0 =	sadd.s32 s8, s0;
	_ =	swait.ge [sflag:s21], $0x400  }
0x51: {  	p0 =	sle.s32 s9, s30;
	s0 =	sshrl.u32 s0, $0x3;
	[sflag:s21] =	ssyncset.done $0x0  }
.Ltmp5:
0x52: {  	s0 =	sadd.s32 s7, s0;
	[sflag:s21] =	ssyncadd.s32 $0xFFFFFC00;
	(pc) =	sbr.rel @p0 .LBB2_9-.Ltmp5, $4  }
0x53: {  	[tilespmem:s22], [sflag:$0x2] =	stream.linear.gather [hbm4b:s0+s26], $0x400, $0x38;
	[tilespmem:$0x1C800] =	vst v63  }
0x54: {  	_ =	swait.ge [sflag:s21], $0x400  }
0x55: {  	[sflag:s21] =	ssyncset.done $0x0  }
0x56: {  	[sflag:s21] =	ssyncadd.s32 $0xFFFFFC00  }
0x57: {  	p0 =	sgt.s32 s28, $0x1;
	s0 =	smov.u32 s28  }
0x58: {  	s0 =	simm.s32 @!p0 $0x1  }
0x59: {  	s2 =	simm.s32 $0x0;
	s31 =	smin.u32 s0, $0x8  }
.LBB2_6:
0x5a: {  	s0 =	sshll.u32 s2, $0x7;
	s14 =	sadd.s32 s30, s2  }
0x5b: {  	[tilespmem:s24], [sflag:$0x1] =	stream.indirect.gather [hbm4b:s1+s23], $0x80, s0, s23, $0xb8;
	[tilespmem:$0x1C800] =	vst v63  }
0x5c: {  	s14 =	sshll.u32 s14, $0xF  }
0x5d: {  	_ =	swait.ge [sflag:s25], $0x4000;
	s14 =	sadd.s32 s13, s14  }
0x5e: {  	[sflag:s25] =	ssyncset.done $0x0;
	s14 =	sshrl.u32 s14, $0x3  }
0x5f: {  	[sflag:s25] =	ssyncadd.s32 $0xFFFFC000;
	s14 =	sadd.s32 s3, s14  }
0x60: {  	[tilespmem:s20], [sflag:$0x2] =	stream.strided.gather [hbm4b:s14+s22], $0x4000, s24, s22, $0x38;
	[tilespmem:$0x1C800] =	vst v63  }
0x61: {  	_ =	swait.ge [sflag:s21], $0x4000  }
0x62: {  	[sflag:s21] =	ssyncset.done $0x0  }
0x63: {  	s14 =	simm.s32 $0x0;
	[sflag:s21] =	ssyncadd.s32 $0xFFFFC000  }
0x64: {  	v8 =	vld [tilespmem:s14+$0x4800]  }
0x65: {  	v12 =	vld [tilespmem:s14+$0x4810]  }
0x66: {  	v6 =	vld [tilespmem:s14+$0x4820]  }
0x67: {  	v5 =	vld [tilespmem:s14+$0x4830]  }
0x68: {  	v4 =	vld [tilespmem:s14+$0x4840]  }
0x69: {  	v3 =	vld [tilespmem:s14+$0x4850]  }
0x6a: {  	v2 =	vld [tilespmem:s14+$0x4860]  }
0x6b: {  	v1 =	vld [tilespmem:s14+$0x4870]  }
0x6c: {  	v13 =	vld [tilespmem:s14+$0x800]  }
0x6d: {  	v14 =	vld [tilespmem:s14+$0x810]  }
0x6e: {  	v11 =	vld [tilespmem:s14+$0x820]  }
0x6f: {  	v10 =	vld [tilespmem:s14+$0x830]  }
0x70: {  	v9 =	vld [tilespmem:s14+$0x840]  }
0x71: {  	v7 =	vld [tilespmem:s14+$0x850];
	v13 =	vmul.f32 v8, v13  }
0x72: {  	s15 =	simm.s32 $0x200;
	v12 =	vmul.f32 v12, v14;
	v8 =	vld [tilespmem:s14+$0x860]  }
.LBB2_7:
0x73: {  	s16 =	sshra.s32 s15, $0x2;
	p0 =	sne.s32 s15, $0xFE00;
	[tilespmem:s14+$0x800] =	vst v13;
	v6 =	vmul.f32 v6, v11;
	v11 =	vld [tilespmem:s14+$0x870]  }
0x74: {  	v13 =	vld [tilespmem:s16+$0x4800];
	[tilespmem:s14+$0x810] =	vst v12;
	v5 =	vmul.f32 v5, v10  }
0x75: {  	v12 =	vld [tilespmem:s16+$0x4810];
	[tilespmem:s14+$0x820] =	vst v6;
	v4 =	vmul.f32 v4, v9  }
0x76: {  	v6 =	vld [tilespmem:s16+$0x4820];
	[tilespmem:s14+$0x830] =	vst v5;
	v3 =	vmul.f32 v3, v7  }
0x77: {  	v5 =	vld [tilespmem:s16+$0x4830];
	[tilespmem:s14+$0x840] =	vst v4;
	v2 =	vmul.f32 v2, v8  }
0x78: {  	v4 =	vld [tilespmem:s16+$0x4840];
	[tilespmem:s14+$0x850] =	vst v3;
	v1 =	vmul.f32 v1, v11  }
0x79: {  	v3 =	vld [tilespmem:s16+$0x4850];
	[tilespmem:s14+$0x860] =	vst v2  }
0x7a: {  	v2 =	vld [tilespmem:s16+$0x4860];
	[tilespmem:s14+$0x870] =	vst v1;
	s14 =	smov.u32 s16  }
0x7b: {  	v1 =	vld [tilespmem:s14+$0x4870]  }
0x7c: {  	v7 =	vld [tilespmem:s14+$0x800]  }
0x7d: {  	v8 =	vld [tilespmem:s14+$0x810]  }
.Ltmp6:
0x7e: {  	v11 =	vld [tilespmem:s14+$0x820];
	(pc) =	sbr.rel @p0 .LBB2_7-.Ltmp6, $4  }
0x7f: {  	v10 =	vld [tilespmem:s14+$0x830]  }
0x80: {  	v9 =	vld [tilespmem:s14+$0x840]  }
0x81: {  	v13 =	vmul.f32 v13, v7;
	v7 =	vld [tilespmem:s14+$0x850]  }
0x82: {  	s15 =	sadd.s32 $0x200, s15;
	v12 =	vmul.f32 v12, v8;
	v8 =	vld [tilespmem:s14+$0x860]  }
0x83: {  	[tilespmem:s14+$0x800] =	vst v13;
	v6 =	vmul.f32 v6, v11;
	v63 =	vld [tilespmem:s14+$0x870]  }
0x84: {  	[tilespmem:s14+$0x810] =	vst v12;
	v5 =	vmul.f32 v5, v10  }
0x85: {  	[tilespmem:s14+$0x820] =	vst v6;
	v4 =	vmul.f32 v4, v9  }
0x86: {  	[tilespmem:s14+$0x830] =	vst v5;
	v3 =	vmul.f32 v3, v7  }
0x87: {  	[tilespmem:s14+$0x840] =	vst v4;
	v2 =	vmul.f32 v2, v8  }
0x88: {  	[tilespmem:s14+$0x850] =	vst v3;
	v1 =	vmul.f32 v1, v63  }
0x89: {  	s2 =	sadd.s32 $0x1, s2;
	[tilespmem:s14+$0x860] =	vst v2  }
0x8a: {  	s0 =	sadd.s32 $0x400, s0;
	p0 =	sne.s32 s2, s31;
	[tilespmem:s14+$0x870] =	vst v1  }
0x8b: {  	[spmem:s4] =	stream.indirect.scatter.add.f32 [tilespmem:s24], [sflag:$0x2], $0x80, s0, s23, $0xb8;
	[tilespmem:$0x1C800] =	vst v63  }
.Ltmp7:
0x8c: {  	_ = 	snop;
	(pc) =	sbr.rel @p0 .LBB2_6-.Ltmp7, $4  }
.Ltmp8:
0x8d: {  	_ = 	snop;
	(pc) =	sbr.rel @!p0 .LBB2_9-.Ltmp8, $4  }
0x8e: {  	_ =	swait.ge [sflag:s21], $0x4000  }
0x8f: {  	[sflag:s21] =	ssyncset.done $0x0  }
0x90: {  	[sflag:s21] =	ssyncadd.s32 $0xFFFFC000  }
0x91: {  	_ = 	snop  }
.LBB2_11:
0x92: {  	_ =	sfence.sel $0x180000  }
0x93: {  	[bflag:$0x0] =	sbarrier.arrive $0xFFFF  }
0x94: {  	_ =	strace $0x9000004A  }
0x95: {  	s0 =	stileid.u32;
	[bflag:$0x2] =	sbarrier.arrive $0xFFFF  }
0x96: {  	p0 =	sne.s32 s0, $0x0;
	s0 =	rddreg [dreg:$0x4]  }
0x97: {  	s0 =	sadd.s32 @!p0 $0x100000, s0  }
0x98: {  	[sflag:s0] =	ssyncadd.tile.s32 @!p0 $0x1;
	_ =	shalt  }
.Lfunc_end2:
_tile_overlayer_lowered:
.L_overlay_start_2:
0x99: {  	(tag) =	ssettag $0x2  }
0x9a: {  	s0 =	rddreg [dreg:$0x0];
	s2 =	stileid.u32  }
0x9b: {  	s1 =	rddreg [dreg:$0x1];
	p0 =	sne.s32 s2, $0x0  }
0x9c: {  	s3 =	rddreg [dreg:$0x2];
	[bflag:$0x3] =	sbarrier.arrive $0xFFFF;
	s2 =	simm.s32 @!p0 $0x1C02  }
0x9d: {  	[timem:s3], [sflag:s2] =	dma.local @!p0 [hbm:s0], s1  }
0x9e: {  	s0 =	simm.s32 @!p0 $0x2  }
0x9f: {  	_ =	swait.ge @!p0 [sflag:s0], s1  }
0xa0: {  	s1 =	ssub.s32 @!p0 $0x0, s1;
	[sflag:s0] =	ssyncset.done @!p0 $0x0  }
0xa1: {  	[sflag:s0] =	ssyncadd.s32 @!p0 s1  }
0xa2: {  	[bflag:$0x3] =	sbarrier.arrive $0xFFFF  }
0xa3: {  	_ =	shalt  }

// kernel: kernel.8.cloned.1.call-start
scs
__scs_entry_jumppad:
0x0: {  	(pc) =	sbr.rel $0x88, $3  }
0x1: {  	(tag) =	ssettag $0x0;
	lr =	simm.s32 $0x1  }
0x2: {  	[smem:$0x3F97] =	sst lr;
	_ =	strace $0xD0000000  }
0x3: {  	_ = 	snop  }
0x4: {  	_ = 	snop  }
0x5: {  	_ = 	snop  }
0x6: {  	_ = 	snop  }
0x7: {  	_ = 	snop  }
__scs_overlays_trampoline_lowered:
0x8: {  	[smem:$0x3FA6] =	sst s0  }
0x9: {  	[smem:$0x3FA7] =	sst s1  }
0xa: {  	[smem:$0x3FA8] =	sst s2  }
0xb: {  	[smem:$0x3FA9] =	sst s3  }
0xc: {  	[smem:$0x3FAA] =	sst s4  }
0xd: {  	[smem:$0x3FAB] =	sst s5  }
0xe: {  	[smem:$0x3FAC] =	sst s6  }
0xf: {  	[smem:$0x3FAD] =	sst s7  }
0x10: {  	[smem:$0x3FAE] =	sst s8  }
0x11: {  	[smem:$0x3FAF] =	sst s9;
	s0 =	simm.s32 @!p0 $0x0  }
0x12: {  	s1 =	sld [smem:$0x3F95];
	s0 =	simm.s32 @p0 $0x1  }
0x13: {  	[smem:$0x3FB0] =	sst s0;
	s0 =	simm.s32 @!p1 $0x0  }
0x14: {  	s2 =	sld [smem:$0x3F94];
	s0 =	simm.s32 @p1 $0x1  }
0x15: {  	[smem:$0x3FB1] =	sst s0;
	s0 =	simm.s32 @!p2 $0x0  }
0x16: {  	s3 =	sld [smem:$0x3FDB];
	s0 =	simm.s32 @p2 $0x1  }
0x17: {  	s4 =	simm.s32 $0x1BF5;
	[smem:$0x3FB3] =	sst s0  }
0x18: {  	s0 =	sld [smem:$0x3F96];
	_ =	swait.ge [sflag:s4], $0x0  }
0x19: {  	s7 =	sld [smem:$0x3F97]  }
0x1a: {  	s8 =	sadd.s32 $0xFFFFE003, lr  }
0x1b: {  	s9 =	sadd.s32 $0xFFFFFEF7, lr;
	s5 =	simm.s32 $0xFFFFFFFF;
	p2 =	slt.u32 s8, $0xFFFFF086  }
0x1c: {  	p1 =	slt.u32 s9, $0xF7A;
	s5 =	simm.s32 @!p2 $0x0  }
0x1d: {  	s5 =	simm.s32 @p1 $0x1;
	p0 =	seq.s32 s7, s2  }
0x1e: {  	s7 =	smul.u32 @!p0 $0xF7A, s2;
	p2 =	seq.s32 @!p0 s5, $0x0  }
0x1f: {  	s9 =	smul.u32 $0xF7A, s1;
	s8 =	simm.s32 @!p0 $0x1BF5;
	p2 =	por !p2, p0  }
0x20: {  	[sflag:s8] =	ssyncset.s32 @!p0 $0xFFFFF086;
	s6 =	sadd.s32 @!p0 s3, s7;
	s7 =	simm.s32 @!p0 $0x108  }
0x21: {  	s3 =	sadd.s32 s3, s9;
	s6 =	sadd.s32 @!p0 $0x88, s6;
	s7 =	simm.s32 @p2 $0x1082  }
0x22: {  	[simem:s7], [sflag:s8] =	dma.local @!p0 [hbm:s6], $0xF7A  }
0x23: {  	s9 =	sor.u32 $0xD0000000, s2;
	s6 =	simm.s32 $0x108;
	_ =	swait.ge @!p0 [sflag:s8], $0x0  }
0x24: {  	s3 =	sadd.s32 $0x88, s3;
	s6 =	simm.s32 @!p1 $0x1082;
	[sflag:s4] =	ssyncset.s32 $0xFFFFF086  }
0x25: {  	[simem:s6], [sflag:s4] =	dma.local [hbm:s3], $0xF7A  }
0x26: {  	[smem:$0x3F97] =	sst s1;
	(tag) =	ssettag s2;
	_ =	strace s9  }
0x27: {  	s1 =	sld [smem:$0x3FA7]  }
0x28: {  	s2 =	sld [smem:$0x3FA8]  }
0x29: {  	s4 =	sld [smem:$0x3FAA]  }
0x2a: {  	p0 =	seq.s32 s5, $0x0;
	s5 =	sld [smem:$0x3FAB]  }
0x2b: {  	s6 =	sld [smem:$0x3FAC]  }
0x2c: {  	s7 =	sld [smem:$0x3FAD]  }
0x2d: {  	s3 =	simm.s32 $0x108;
	s8 =	sld [smem:$0x3FAE]  }
0x2e: {  	s3 =	simm.s32 @!p0 $0x1082;
	s9 =	sld [smem:$0x3FAF]  }
0x2f: {  	lr =	sadd.s32 s0, s3;
	s0 =	sld [smem:$0x3FA6]  }
0x30: {  	s3 =	sld [smem:$0x3FA9]  }
0x31: {  	[smem:$0x3FB2] =	sst s10  }
0x32: {  	s10 =	sld [smem:$0x3FB0];
	_ =	sdelay $0x3  }
0x33: {  	p0 =	seq.s32 s10, $0x1;
	s10 =	sld [smem:$0x3FB2];
	_ =	sdelay $0x3  }
0x34: {  	[smem:$0x3FB2] =	sst s10  }
0x35: {  	s10 =	sld [smem:$0x3FB1];
	_ =	sdelay $0x3  }
0x36: {  	p1 =	seq.s32 s10, $0x1;
	s10 =	sld [smem:$0x3FB2];
	_ =	sdelay $0x3  }
0x37: {  	[smem:$0x3FB2] =	sst s10  }
0x38: {  	s10 =	sld [smem:$0x3FB3]  }
0x39: {  	_ = 	snop;
	(pc) =	sbr.ind lr, $3  }
0x3a: {  	_ = 	snop  }
0x3b: {  	_ = 	snop  }
0x3c: {  	p2 =	seq.s32 s10, $0x1;
	s10 =	sld [smem:$0x3FB2]  }
0x3d: {  	_ =	shalt  }
0x3e: {  	_ =	shalt  }
0x3f: {  	_ =	shalt  }
0x40: {  	_ =	shalt  }
0x41: {  	_ =	shalt  }
0x42: {  	_ =	shalt  }
0x43: {  	_ =	shalt  }
0x44: {  	_ =	shalt  }
0x45: {  	_ =	shalt  }
0x46: {  	_ =	shalt  }
0x47: {  	_ =	shalt  }
0x48: {  	_ =	shalt  }
0x49: {  	_ =	shalt  }
0x4a: {  	_ =	shalt  }
0x4b: {  	_ =	shalt  }
0x4c: {  	_ =	shalt  }
0x4d: {  	_ =	shalt  }
0x4e: {  	_ =	shalt  }
0x4f: {  	_ =	shalt  }
0x50: {  	_ =	shalt  }
0x51: {  	_ =	shalt  }
0x52: {  	_ =	shalt  }
0x53: {  	_ =	shalt  }
0x54: {  	_ =	shalt  }
0x55: {  	_ =	shalt  }
0x56: {  	_ =	shalt  }
0x57: {  	_ =	shalt  }
0x58: {  	_ =	shalt  }
0x59: {  	_ =	shalt  }
0x5a: {  	_ =	shalt  }
0x5b: {  	_ =	shalt  }
0x5c: {  	_ =	shalt  }
0x5d: {  	_ =	shalt  }
0x5e: {  	_ =	shalt  }
0x5f: {  	_ =	shalt  }
0x60: {  	_ =	shalt  }
0x61: {  	_ =	shalt  }
0x62: {  	_ =	shalt  }
0x63: {  	_ =	shalt  }
0x64: {  	_ =	shalt  }
0x65: {  	_ =	shalt  }
0x66: {  	_ =	shalt  }
0x67: {  	_ =	shalt  }
0x68: {  	_ =	shalt  }
0x69: {  	_ =	shalt  }
0x6a: {  	_ =	shalt  }
0x6b: {  	_ =	shalt  }
0x6c: {  	_ =	shalt  }
0x6d: {  	_ =	shalt  }
0x6e: {  	_ =	shalt  }
0x6f: {  	_ =	shalt  }
0x70: {  	_ =	shalt  }
0x71: {  	_ =	shalt  }
0x72: {  	_ =	shalt  }
0x73: {  	_ =	shalt  }
0x74: {  	_ =	shalt  }
0x75: {  	_ =	shalt  }
0x76: {  	_ =	shalt  }
0x77: {  	_ =	shalt  }
0x78: {  	_ =	shalt  }
0x79: {  	_ =	shalt  }
0x7a: {  	_ =	shalt  }
0x7b: {  	_ =	shalt  }
0x7c: {  	_ =	shalt  }
0x7d: {  	_ =	shalt  }
0x7e: {  	_ =	shalt  }
0x7f: {  	_ =	shalt  }
0x80: {  	_ =	shalt  }
0x81: {  	_ =	shalt  }
0x82: {  	_ =	shalt  }
0x83: {  	_ =	shalt  }
0x84: {  	_ =	shalt  }
0x85: {  	_ =	shalt  }
0x86: {  	_ =	shalt  }
0x87: {  	_ =	shalt  }
.Lfunc_end0:
.L_simem_size_0:
called_computation_lowered:
.L_overlay_start_0:
0x88: {  	s2 =	sld [smem:$0x3FD9]  }
0x89: {  	s3 =	sld [smem:$0x3FFE];
	_ =	sdelay $0x1  }
0x8a: {  	s1 =	srdreg.scid  }
0x8b: {  	s0 =	sand.u32 $0x1, s1  }
0x8c: {  	s14 =	sshll.u32 s0, $0xA;
	s2 =	sadd.s32 s3, s2  }
0x8d: {  	s2 =	sadd.s32 s2, s14  }
0x8e: {  	[smem:$0x3FBE] =	sst s2  }
0x8f: {  	_ = 	snop  }
0x90: {  	s2 =	sld [smem:$0x3FD0];
	_ =	sdelay $0x2  }
0x91: {  	s15 =	simm.s32 $0xA;
	s4 =	simm.s32 $0x10  }
0x92: {  	[smem:s4], [sflag:s15] =	dma.local [hbm:s2], $0x1  }
0x93: {  	_ =	swait.eq [sflag:s15], $0x1  }
0x94: {  	[sflag:s15] =	ssyncset.done $0x0  }
0x95: {  	s16 =	sld [smem:$0x10];
	[sflag:s15] =	ssyncadd.s32 $0xFFFFFFFF  }
0x96: {  	s17 =	sld [smem:$0x11];
	(tm) =	ssettm $0x1  }
0x97: {  	s18 =	sld [smem:$0x3FFB];
	_ =	sdelay $0x3  }
0x98: {  	_ =	strace s18  }
0x99: {  	s4 =	sld [smem:$0x3FFC];
	_ =	sdelay $0x3  }
0x9a: {  	_ =	strace s4  }
0x9b: {  	s4 =	sld [smem:$0x3FFD];
	_ =	sdelay $0x3  }
0x9c: {  	_ =	strace s4  }
0x9d: {  	_ =	strace $0x8FFFFFFF  }
0x9e: {  	s19 =	sld [smem:$0x3FDB];
	_ =	sdelay $0x1  }
0x9f: {  	s5 =	simm.s32 $_scs_section_size  }
0xa0: {  	s6 =	simm.s32 $_size__tile_overlayer_lowered;
	s7 =	simm.s32 $_tile_overlayer_lowered  }
0xa1: {  	s22 =	simm.s32 $0x1BFF;
	s21 =	sshll.u32 s7, $0x1;
	s4 =	sadd.s32 s5, s19  }
0xa2: {  	s8 =	simm.s32 $0x0;
	s20 =	sshll.u32 s6, $0x1;
	s6 =	sadd.s32 s21, s4  }
0xa3: {  	[timem:s8], [sflag:s22] =	dma.local [hbm:s6], s20  }
0xa4: {  	_ =	swait.ge [sflag:s22], s20  }
0xa5: {  	s5 =	ssub.s32 $0x0, s20;
	[sflag:s22] =	ssyncset.done $0x0  }
0xa6: {  	[sflag:s22] =	ssyncadd.s32 s5;
	_ =	sdelay $0x1  }
0xa7: {  	s23 =	simm.s32 $0x1B8B  }
0xa8: {  	_ =	swait.ge [sflag:s23], $0x1  }
0xa9: {  	[sflag:s23] =	ssyncset.done $0x0  }
0xaa: {  	s25 =	simm.s32 $0x1B8E;
	s24 =	sld [smem:$0x3FFE];
	[sflag:s23] =	ssyncadd.s32 $0xFFFFFFFF  }
0xab: {  	s26 =	simm.s32 $execute0_lowered;
	[smem:$0x3FD2] =	sst s25  }
0xac: {  	s6 =	sshll.u32 s26, $0x1;
	_ =	strace $0x80000046;
	[dreg:$0x1] =	wrdreg $0xFFFFFFFF  }
0xad: {  	s28 =	simm.s32 $_size_execute0_lowered;
	s4 =	sadd.s32 s4, s6;
	[dreg:$0x0] =	wrdreg $0x0  }
0xae: {  	s6 =	sshll.u32 s28, $0x1;
	[dreg:$0x2] =	wrdreg s4  }
0xaf: {  	[dreg:$0x3] =	wrdreg s6  }
0xb0: {  	[dreg:$0x4] =	wrdreg $0xC0  }
0xb1: {  	_ =	task [dreg:s8], $0x5FFFF  }
0xb2: {  	[dreg:$0x1] =	wrdreg $0xFFFFFFFF  }
0xb3: {  	[dreg:$0x0] =	wrdreg $0x60  }
0xb4: {  	[dreg:$0x2] =	wrdreg s16  }
0xb5: {  	[dreg:$0x3] =	wrdreg s17  }
0xb6: {  	[dreg:$0x4] =	wrdreg s24  }
0xb7: {  	[dreg:$0x5] =	wrdreg $0x2B000  }
0xb8: {  	[dreg:$0x6] =	wrdreg $0x2D800  }
0xb9: {  	[dreg:$0x7] =	wrdreg $0x9  }
0xba: {  	_ =	task.clear_ibuf [dreg:s8], $0x8FFFF;
	_ =	strace $0x90000046  }
0xbb: {  	s29 =	simm.s32 $0x9;
	_ =	strace $0x80000048  }
0xbc: {  	_ =	swait.ge [sflag:s29], $0x1  }
0xbd: {  	[sflag:s29] =	ssyncadd.s32 $0xFFFFFFFF  }
0xbe: {  	_ =	strace $0x90000048  }
0xbf: {  	_ =	sfence  }
0xc0: {  	s30 =	sld [smem:$0x0];
	_ =	sdelay $0x2  }
0xc1: {  	s31 =	sshll.u32 s1, $0xD;
	s1 =	sshrl.u32 s1, $0x2  }
0xc2: {  	s3 =	sand.u32 $0x4000, s31;
	s1 =	sadd.s32 s1, s30  }
0xc3: {  	s0 =	sor.u32 s3, s0;
	s1 =	sshll.u32 s1, $0x11  }
0xc4: {  	s0 =	sor.u32 s1, s0  }
0xc5: {  	s0 =	sadd.s32 $0x8F2B, s0  }
0xc6: {  	[sflag:s0] =	ssyncadd.remote.s32 $0x1  }
0xc7: {  	_ =	sfence.sel $0xFFFF  }
0xc8: {  	[dreg:$0x0] =	wrdreg $0xFFFFFFFF;
	(pc) =	sbr.abs _section_cstart, $3  }
0xc9: {  	[dreg:$0x1] =	wrdreg $0xFFFFFFFF  }
0xca: {  	_ =	task.clear_ibuf [dreg:s8], $0x2FFFF;
	_ =	strace $0x9FFFFFFF  }
0xcb: {  	(tm) =	ssettm $0x7FFFFFFF  }
tec
execute0_lowered:
.L_overlay_start_1:
0x0: {  	(tag) =	ssettag $0x1  }
0x1: {  	s7 =	rddreg [dreg:$0x0]  }
0x2: {  	s8 =	rddreg [dreg:$0x1]  }
0x3: {  	s5 =	rddreg [dreg:$0x2]  }
0x4: {  	s2 =	rddreg [dreg:$0x3]  }
0x5: {  	s0 =	srdreg.scid;
	s3 =	rddreg [dreg:$0x4]  }
0x6: {  	s1 =	rddreg [dreg:$0x5];
	s6 =	sand.u32 $0x1, s0  }
0x7: {  	s4 =	simm.s32 $0x0;
	s0 =	stileid.u32;
	s9 =	smul.u32 $0x5000, s6  }
0x8: {  	s19 =	simm.s32 $0x20;
	s20 =	simm.s32 $0x10;
	s10 =	smul.u32 $0x500, s0  }
0x9: {  	s21 =	simm.s32 $0x0;
	[smem:$0x7FF] =	sst s4;
	s28 =	smul.u32 $0x280, s0  }
0xa: {  	_ =	strace $0x80000047;
	s11 =	ssub.s32 $0x2, s6;
	s13 =	smul.u32 $0xFFFFEC00, s0  }
0xb: {  	s12 =	sshll.u32 s6, $0x4;
	s15 =	smul.u32 $0xFFFEC000, s6;
	s17 =	sshll.u32 s0, $0x6  }
0xc: {  	s14 =	sshrl.u32 s11, $0x1;
	s12 =	sor.u32 s0, s12;
	s17 =	sor.u32 $0x1C01, s17  }
0xd: {  	s9 =	sadd.s32 s10, s9;
	s11 =	ssub.s32 s11, s14;
	s29 =	smul.u32 $0x280, s12  }
0xe: {  	s6 =	sadd.s32 s28, s3;
	s30 =	sadd.s32 s15, s13;
	s13 =	simm.s32 $0x2880  }
0xf: {  	s14 =	simm.s32 $0x1;
	s15 =	simm.s32 $0x80;
	s9 =	sshrl.u32 s9, $0x3  }
0x10: {  	s31 =	sadd.s32 $0x27100, s30;
	s11 =	smax.u32 s11, $0x1;
	s16 =	sadd.s32 s9, s5  }
0x11: {  	s5 =	sadd.s32 s28, s2;
	s7 =	sadd.s32 s7, s29;
	s8 =	sadd.s32 s8, s29  }
0x12: {  	s12 =	smin.u32 s31, $0x1400;
	s9 =	sadd.s32 $0x2000, s16;
	s10 =	sadd.s32 $0x2010, s16  }
0x13: {  	v0 =	vimm.f32 $1.000000000e+00;
	v1 =	vimm.f32 $0.0e+00;
	s12 =	sshll.u32 s12, $0x2;
	s16 =	simm.s32 $0x2800;
	s18 =	sshrl.u32 s5, $0x3  }
.LBB2_1:
0x14: {  	[tilespmem:$0x2800] =	vst v0  }
0x15: {  	[tilespmem:$0x2810] =	vst v0  }
0x16: {  	[tilespmem:$0x2820] =	vst v0  }
0x17: {  	[tilespmem:$0x2830] =	vst v0  }
0x18: {  	[tilespmem:$0x2840] =	vst v0  }
0x19: {  	[tilespmem:$0x2850] =	vst v0  }
0x1a: {  	[tilespmem:$0x2860] =	vst v0  }
0x1b: {  	[tilespmem:$0x2870] =	vst v0  }
0x1c: {  	[tilespmem:$0x2880] =	vst v1  }
0x1d: {  	[tilespmem:$0x2890] =	vst v1  }
0x1e: {  	[tilespmem:$0x28A0] =	vst v1  }
0x1f: {  	[tilespmem:$0x28B0] =	vst v1  }
0x20: {  	[tilespmem:$0x28C0] =	vst v1  }
0x21: {  	[tilespmem:$0x28D0] =	vst v1  }
0x22: {  	[tilespmem:$0x28E0] =	vst v1  }
0x23: {  	[tilespmem:$0x28F0] =	vst v1  }
0x24: {  	[tilespmem:$0x2900] =	vst v1  }
0x25: {  	[tilespmem:$0x2910] =	vst v1  }
0x26: {  	[tilespmem:$0x2920] =	vst v1  }
0x27: {  	[tilespmem:$0x2930] =	vst v1  }
0x28: {  	[tilespmem:$0x2940] =	vst v1  }
0x29: {  	[tilespmem:$0x2950] =	vst v1  }
0x2a: {  	[tilespmem:$0x2960] =	vst v1  }
0x2b: {  	[tilespmem:$0x2970] =	vst v1  }
0x2c: {  	[tilespmem:$0x2980] =	vst v1  }
0x2d: {  	[tilespmem:$0x2990] =	vst v1  }
0x2e: {  	[tilespmem:$0x29A0] =	vst v1  }
0x2f: {  	[tilespmem:$0x29B0] =	vst v1  }
0x30: {  	[tilespmem:$0x29C0] =	vst v1  }
0x31: {  	[tilespmem:$0x29D0] =	vst v1  }
0x32: {  	[tilespmem:$0x29E0] =	vst v1  }
0x33: {  	[tilespmem:$0x29F0] =	vst v1  }
0x34: {  	[tilespmem:$0x2A00] =	vst v1  }
0x35: {  	[tilespmem:$0x2A10] =	vst v1  }
0x36: {  	[tilespmem:$0x2A20] =	vst v1  }
0x37: {  	[tilespmem:$0x2A30] =	vst v1  }
0x38: {  	[tilespmem:$0x2A40] =	vst v1  }
0x39: {  	[tilespmem:$0x2A50] =	vst v1  }
0x3a: {  	[tilespmem:$0x2A60] =	vst v1  }
0x3b: {  	[tilespmem:$0x2A70] =	vst v1  }
0x3c: {  	[tilespmem:$0x2A80] =	vst v1  }
0x3d: {  	[tilespmem:$0x2A90] =	vst v1  }
0x3e: {  	[tilespmem:$0x2AA0] =	vst v1  }
0x3f: {  	[tilespmem:$0x2AB0] =	vst v1  }
0x40: {  	[tilespmem:$0x2AC0] =	vst v1  }
0x41: {  	[tilespmem:$0x2AD0] =	vst v1  }
0x42: {  	[tilespmem:$0x2AE0] =	vst v1  }
0x43: {  	[tilespmem:$0x2AF0] =	vst v1  }
0x44: {  	[spmem:s5] =	stream.linear.scatter [tilespmem:s13], [sflag:$0x1], $0x280, $0x38;
	[tilespmem:$0x3000] =	vst v63  }
0x45: {  	_ =	swait.ge [sflag:s14], $0x280  }
0x46: {  	[sflag:s14] =	ssyncset.done $0x0  }
0x47: {  	[sflag:s14] =	ssyncadd.s32 $0xFFFFFD80  }
0x48: {  	[spmem:s6] =	stream.linear.scatter [tilespmem:s13], [sflag:$0x1], $0x280, $0x38;
	[tilespmem:$0x3000] =	vst v63  }
0x49: {  	_ =	swait.ge [sflag:s14], $0x280  }
0x4a: {  	[sflag:s14] =	ssyncset.done $0x0  }
0x4b: {  	[sflag:s14] =	ssyncadd.s32 $0xFFFFFD80  }
0x4c: {  	[bflag:$0x0] =	sbarrier.arrive $0xFFFF  }
0x4d: {  	[tilespmem:s4], [sflag:$0x1] =	stream.linear.gather [hbm4b:s7+s4], $0x1400, $0x38;
	[tilespmem:$0x3000] =	vst v63  }
0x4e: {  	_ =	swait.ge [sflag:s14], $0x1400  }
0x4f: {  	[sflag:s14] =	ssyncset.done $0x0  }
0x50: {  	s22 =	simm.s32 $0x1400;
	[sflag:s14] =	ssyncadd.s32 $0xFFFFEC00  }
0x51: {  	[tilespmem:s22], [sflag:$0x1] =	stream.linear.gather [hbm4b:s8+s4], $0x1400, $0x38;
	[tilespmem:$0x3000] =	vst v63  }
0x52: {  	_ =	swait.ge [sflag:s14], $0x1400  }
0x53: {  	[sflag:s14] =	ssyncset.done $0x0  }
0x54: {  	[sflag:s14] =	ssyncadd.s32 $0xFFFFEC00  }
0x55: {  	[spmem:s2] =	stream.indirect.scatter.add.f32 [tilespmem:s16], [sflag:$0x1], $0x1, s22, s15, $0xb8;
	[tilespmem:$0x3000] =	vst v63  }
0x56: {  	p0 =	sne.s32 s12, $0x200;
	_ =	swait.ge [sflag:s14], $0x80  }
.Ltmp0:
0x57: {  	[sflag:s14] =	ssyncset.done $0x0;
	(pc) =	sbr.rel @!p0 .LBB2_3-.Ltmp0, $4  }
0x58: {  	[sflag:s14] =	ssyncadd.s32 $0xFFFFFF80  }
0x59: {  	[spmem:s3] =	stream.indirect.scatter.add.f32 [tilespmem:s16], [sflag:$0x1], $0x1, s4, s15, $0xb8;
	[tilespmem:$0x3000] =	vst v63  }
0x5a: {  	_ =	swait.ge [sflag:s14], $0x80  }
0x5b: {  	s23 =	sadd.s32 $0xFFFFFE00, s12;
	s24 =	simm.s32 $0x0;
	[sflag:s14] =	ssyncset.done $0x0  }
.LBB2_2:
0x5c: {  	[sflag:s14] =	ssyncadd.s32 $0xFFFFFF80;
	s22 =	sadd.s32 $0x80, s22;
	s24 =	sadd.s32 $0x80, s24  }
0x5d: {  	[spmem:s2] =	stream.indirect.scatter.add.f32 [tilespmem:s16], [sflag:$0x1], $0x1, s22, s15, $0xb8;
	[tilespmem:$0x3000] =	vst v63  }
0x5e: {  	p0 =	sne.s32 s23, $0x200;
	s23 =	sadd.s32 $0xFFFFFE00, s23;
	_ =	swait.ge [sflag:s14], $0x80  }
.Ltmp1:
0x5f: {  	[sflag:s14] =	ssyncset.done $0x0;
	(pc) =	sbr.rel @p0 .LBB2_2-.Ltmp1, $4  }
0x60: {  	[sflag:s14] =	ssyncadd.s32 $0xFFFFFF80  }
0x61: {  	[spmem:s3] =	stream.indirect.scatter.add.f32 [tilespmem:s16], [sflag:$0x1], $0x1, s24, s15, $0xb8;
	[tilespmem:$0x3000] =	vst v63  }
0x62: {  	_ =	swait.ge [sflag:s14], $0x80  }
0x63: {  	[sflag:s14] =	ssyncset.done $0x0  }
.LBB2_3:
0x64: {  	[sflag:s14] =	ssyncadd.s32 $0xFFFFFF80  }
0x65: {  	[bflag:$0x0] =	sbarrier.arrive $0xFFFF  }
0x66: {  	[hbm:s9@s19], [sflag:s17] =	dma.strided [spmem:s18@s20], $0x50, s14, $0x10   }
0x67: {  	s21 =	sadd.s32 $0x1, s21;
	_ =	swait.ge [sflag:s14], $0x50  }
0x68: {  	p0 =	sne.s32 s21, s11;
	[sflag:s14] =	ssyncset.done $0x0  }
.Ltmp2:
0x69: {  	s22 =	sshrl.u32 s6, $0x3;
	[sflag:s14] =	ssyncadd.s32 $0xFFFFFFB0;
	(pc) =	sbr.rel @p0 .LBB2_1-.Ltmp2, $4  }
0x6a: {  	[hbm:s10@s19], [sflag:s17] =	dma.strided [spmem:s22@s20], $0x50, s14, $0x10   }
0x6b: {  	_ =	swait.ge [sflag:s14], $0x50  }
0x6c: {  	[sflag:s14] =	ssyncset.done $0x0  }
0x6d: {  	[sflag:s14] =	ssyncadd.s32 $0xFFFFFFB0  }
0x6e: {  	_ =	sfence.sel $0x180000  }
0x6f: {  	[bflag:$0x0] =	sbarrier.arrive $0xFFFF  }
0x70: {  	p0 =	sne.s32 s0, $0x0;
	_ =	strace $0x90000047  }
0x71: {  	s0 =	sadd.s32 @!p0 $0x100000, s1;
	[bflag:$0x2] =	sbarrier.arrive $0xFFFF  }
0x72: {  	[sflag:s0] =	ssyncadd.tile.s32 @!p0 $0x1;
	_ =	shalt  }
.Lfunc_end2:
_tile_overlayer_lowered:
.L_overlay_start_2:
0x73: {  	(tag) =	ssettag $0x2  }
0x74: {  	s0 =	rddreg [dreg:$0x0];
	s2 =	stileid.u32  }
0x75: {  	s1 =	rddreg [dreg:$0x1];
	p0 =	sne.s32 s2, $0x0  }
0x76: {  	s3 =	rddreg [dreg:$0x2];
	[bflag:$0x3] =	sbarrier.arrive $0xFFFF;
	s2 =	simm.s32 @!p0 $0x1C01  }
0x77: {  	[timem:s3], [sflag:s2] =	dma.local @!p0 [hbm:s0], s1  }
0x78: {  	s0 =	simm.s32 @!p0 $0x1  }
0x79: {  	_ =	swait.ge @!p0 [sflag:s0], s1  }
0x7a: {  	s1 =	ssub.s32 @!p0 $0x0, s1;
	[sflag:s0] =	ssyncset.done @!p0 $0x0  }
0x7b: {  	[sflag:s0] =	ssyncadd.s32 @!p0 s1  }
0x7c: {  	[bflag:$0x3] =	sbarrier.arrive $0xFFFF  }
0x7d: {  	_ =	shalt  }

</sc_bundles>
